<compile_context>
chip_gen: v7x
topology: tpu7x:2x2x1
jax: 0.10.2.dev20260603
libtpu: 0.0.44.dev20260713+nightly
codegen_flags: <defaults>
</compile_context>

<pallas_src>
import functools

import jax
import jax.numpy as jnp
from jax import lax
from jax.experimental import pallas as pl
from jax.experimental.pallas import tpu as pltpu
from jax.experimental.pallas import tpu_sc as plsc

B = 4096
J = 100
D = 10
V = 100
NW = 32
LANE = 16
JTF = 12
FULL_UNITS = D * JTF
VPB = B // LANE


def _make_body():
    def body(idx_hbm, table_hbm, out_hbm, table_v, idx_v, out_a, out_b, sem):
        wid = lax.axis_index("s") * 2 + lax.axis_index("c")
        pltpu.sync_copy(table_hbm, table_v)
        bufs = (out_a, out_b)

        def unit_compute(d, buf, nrows):
            @plsc.parallel_loop(0, VPB, 1, unroll=2)
            def vloop(i):
                for jl in range(nrows):
                    idx16 = idx_v[jl, pl.ds(i * LANE, LANE)]
                    vals = plsc.load_gather(table_v, [idx16 + d * V])
                    buf[jl, pl.ds(i * LANE, LANE)] = vals

        def run_full(u, buf, sync):
            d = u // JTF
            j0 = pl.multiple_of((u % JTF) * 8, 8)
            pltpu.sync_copy(idx_hbm.at[pl.ds(j0, 8), :], idx_v)
            unit_compute(d, buf, 8)
            if sync:
                pltpu.sync_copy(buf, out_hbm.at[d, pl.ds(j0, 8), :])
                return None
            return pltpu.async_copy(buf, out_hbm.at[d, pl.ds(j0, 8), :], sem)

        h0 = run_full(wid, bufs[0], False)
        h1 = run_full(NW + wid, bufs[1], False)
        h0.wait()
        h2 = run_full(2 * NW + wid, bufs[0], False)
        h1.wait()

        @pl.when(wid < FULL_UNITS - 3 * NW)
        def _k3():
            run_full(3 * NW + wid, bufs[1], True)

        h2.wait()

        @pl.when(jnp.logical_or(wid >= 24, wid < 2))
        def _partial():
            pd = jnp.where(wid < 2, wid + 8, wid - 24)
            pltpu.sync_copy(idx_hbm.at[pl.ds(96, 4), :], idx_v.at[pl.ds(0, 4), :])
            unit_compute(pd, bufs[0], 4)
            pltpu.sync_copy(bufs[0].at[pl.ds(0, 4), :], out_hbm.at[pd, pl.ds(96, 4), :])

    return body


def _make_gather():
    mesh = plsc.VectorSubcoreMesh(core_axis_name="c", subcore_axis_name="s")
    return functools.partial(
        pl.kernel,
        mesh=mesh,
        compiler_params=pltpu.CompilerParams(needs_layout_passes=False),
        out_type=jax.ShapeDtypeStruct((D, J, B), jnp.float32),
        scratch_types=[
            pltpu.VMEM((D * V,), jnp.float32),
            pltpu.VMEM((8, B), jnp.int32),
            pltpu.VMEM((8, B), jnp.float32),
            pltpu.VMEM((8, B), jnp.float32),
            pltpu.SemaphoreType.DMA,
        ],
    )(_make_body())


_gather = _make_gather()


def _scale_body(x_ref, o_ref):
    o_ref[...] = x_ref[...] * 0.5 + 2.0


def kernel(input0, input1, table):
    output0 = pl.pallas_call(
        _scale_body,
        out_shape=jax.ShapeDtypeStruct(input0.shape, input0.dtype),
    )(input0)
    idx_t = input1.astype(jnp.int32).T
    table_t = table.T.reshape(D * V)
    out_t = _gather(idx_t, table_t)
    return (output0, out_t.transpose(2, 1, 0))

# --- scband reference (transcript-rebuilt; emitter-appended) ---
"""Pipeline reference for scband-my-net-25056839205983 (READ-ONLY COPY).

The authoritative reference and input builder live on the scoring server;
editing this copy changes nothing except your own understanding.
"""

import jax, jax.numpy as jnp
import numpy as np


def setup_inputs(seed: int = 0) -> dict:
    key = jax.random.key(seed)
    k0, k1, k2 = jax.random.split(key, 3)
    input0 = jax.random.normal(k0, (4096, 128), dtype=jnp.float32)
    input1 = jax.random.randint(k1, (4096, 100), 0, 100).astype(jnp.int64)
    # Learned embedding table per __init__: num_embeddings=100, embedding_dim=10
    table = jax.random.normal(k2, (100, 10), dtype=jnp.float32)
    return {"input0": input0, "input1": input1, "table": table}


def reference(input0, input1, table):
    output0 = jnp.multiply(input0, 0.5) + 2.0
    output1 = jnp.take(table, input1, axis=0)
    return (output0, output1)

if __name__ == "__main__":
    import jax
    _d = setup_inputs()
    print(jax.jit(kernel)(*tuple(_d.values())))

</pallas_src>

<mosaic_0001>
#map = affine_map<(d0, d1) -> (0, 0)>
#map1 = affine_map<(d0, d1) -> (0)>
#map2 = affine_map<(d0, d1) -> (0, 0, 0)>
module attributes {stable_mosaic.version = 14 : i64} {
  func.func @body(%arg0: i32, %arg1: i32, %arg2: memref<100x4096xi32, #tpu.memory_space<hbm>>, %arg3: memref<1000xf32, #tpu.memory_space<hbm>>, %arg4: memref<10x100x4096xf32, #tpu.memory_space<hbm>>, %arg5: memref<1000xf32, #tpu.memory_space<vmem>>, %arg6: memref<8x4096xi32, #tpu.memory_space<vmem>>, %arg7: memref<8x4096xf32, #tpu.memory_space<vmem>>, %arg8: memref<8x4096xf32, #tpu.memory_space<vmem>>, %arg9: memref<!tpu.dma_semaphore, #tpu.memory_space<semaphore_mem>>) attributes {dimension_semantics = [#tpu.dimension_semantics<core_parallel>, #tpu.dimension_semantics<subcore_parallel>], iteration_bounds = array<i64: 2, 16>, scalar_prefetch = 0 : i64, scratch_operands = 5 : i64, tpu.core_type = #tpu.core_type<sc_vector_subcore>, window_params = [{transform_indices = #map}, {transform_indices = #map1}, {transform_indices = #map2}]} {
    %mul3A = arith.constant 2 : i32
    %mul3A_0 = arith.muli %arg1, %mul3A : i32
    %add3A = arith.addi %mul3A_0, %arg0 : i32
    "tpu.region"() ({
      %run_scoped3A = tpu.sem_alloc : memref<!tpu.dma_semaphore, #tpu.memory_space<semaphore_mem>>
      tpu.enqueue_dma source(%arg3 : memref<1000xf32, #tpu.memory_space<hbm>>) target(%arg5 : memref<1000xf32, #tpu.memory_space<vmem>>) target_semaphore(%run_scoped3A : memref<!tpu.dma_semaphore, #tpu.memory_space<semaphore_mem>>)
      tpu.wait_dma2 semaphore(%run_scoped3A : memref<!tpu.dma_semaphore, #tpu.memory_space<semaphore_mem>>) src(%arg3 : memref<1000xf32, #tpu.memory_space<hbm>>) dst(%arg5 : memref<1000xf32, #tpu.memory_space<vmem>>)
      tpu.yield
    }) : () -> ()
    %jit3A = arith.constant 12 : i32
    %div3A = arith.divsi %add3A, %jit3A : i32
    %sign3A = arith.constant 0 : i32
    %sign3A_1 = arith.cmpi sgt, %add3A, %sign3A : i32
    %sign3A_2 = arith.extui %sign3A_1 : i1 to i32
    %sign3A_3 = arith.constant 0 : i32
    %sign3A_4 = arith.cmpi slt, %add3A, %sign3A_3 : i32
    %sign3A_5 = arith.extui %sign3A_4 : i1 to i32
    %sign3A_6 = arith.subi %sign3A_2, %sign3A_5 : i32
    %sign3A_7 = arith.constant 0 : i32
    %sign3A_8 = arith.cmpi sgt, %jit3A, %sign3A_7 : i32
    %sign3A_9 = arith.extui %sign3A_8 : i1 to i32
    %sign3A_10 = arith.constant 0 : i32
    %sign3A_11 = arith.cmpi slt, %jit3A, %sign3A_10 : i32
    %sign3A_12 = arith.extui %sign3A_11 : i1 to i32
    %sign3A_13 = arith.subi %sign3A_9, %sign3A_12 : i32
    %ne3A = arith.cmpi ne, %sign3A_6, %sign3A_13 : i32
    %rem3A = arith.remsi %add3A, %jit3A : i32
    %ne3A_14 = arith.constant 0 : i32
    %ne3A_15 = arith.cmpi ne, %rem3A, %ne3A_14 : i32
    %and3A = arith.andi %ne3A, %ne3A_15 : i1
    %sub3A = arith.constant 1 : i32
    %sub3A_16 = arith.subi %div3A, %sub3A : i32
    %select_n3A = arith.select %and3A, %sub3A_16, %div3A : i32
    %jit3A_17 = arith.constant 12 : i32
    %eq3A = arith.constant 0 : i32
    %eq3A_18 = arith.cmpi eq, %jit3A_17, %eq3A : i32
    %jit3A_19 = arith.constant 1 : i32
    %select_n3A_20 = arith.select %eq3A_18, %jit3A_19, %jit3A_17 : i32
    %rem3A_21 = arith.remsi %add3A, %select_n3A_20 : i32
    %ne3A_22 = arith.constant 0 : i32
    %ne3A_23 = arith.cmpi ne, %rem3A_21, %ne3A_22 : i32
    %lt3A = arith.constant 0 : i32
    %lt3A_24 = arith.cmpi slt, %rem3A_21, %lt3A : i32
    %lt3A_25 = arith.constant 0 : i32
    %lt3A_26 = arith.cmpi slt, %select_n3A_20, %lt3A_25 : i32
    %ne3A_27 = arith.xori %lt3A_24, %lt3A_26 : i1
    %and3A_28 = arith.andi %ne3A_27, %ne3A_23 : i1
    %add3A_29 = arith.addi %rem3A_21, %select_n3A_20 : i32
    %select_n3A_30 = arith.select %and3A_28, %add3A_29, %rem3A_21 : i32
    %mul3A_31 = arith.constant 8 : i32
    %mul3A_32 = arith.muli %select_n3A_30, %mul3A_31 : i32
    %multiple_of3A = tpu.assume_multiple %mul3A_32, 8 : i32
    "tpu.region"() ({
      %run_scoped3A = tpu.sem_alloc : memref<!tpu.dma_semaphore, #tpu.memory_space<semaphore_mem>>
      %dma_start3A_174 = arith.constant 0 : i32
      %dma_start3A_175 = tpu.memref_slice %arg2[%multiple_of3A, %dma_start3A_174] : memref<100x4096xi32, #tpu.memory_space<hbm>> -> memref<8x4096xi32, #tpu.memory_space<hbm>>
      %dma_start3A_176 = arith.constant 0 : i32
      %dma_start3A_177 = tpu.memref_slice %arg2[%multiple_of3A, %dma_start3A_176] : memref<100x4096xi32, #tpu.memory_space<hbm>> -> memref<8x4096xi32, #tpu.memory_space<hbm>>
      tpu.enqueue_dma source(%dma_start3A_177 : memref<8x4096xi32, #tpu.memory_space<hbm>>) target(%arg6 : memref<8x4096xi32, #tpu.memory_space<vmem>>) target_semaphore(%run_scoped3A : memref<!tpu.dma_semaphore, #tpu.memory_space<semaphore_mem>>)
      %dma_wait3A_178 = arith.constant 0 : i32
      %dma_wait3A_179 = tpu.memref_slice %arg2[%multiple_of3A, %dma_wait3A_178] : memref<100x4096xi32, #tpu.memory_space<hbm>> -> memref<8x4096xi32, #tpu.memory_space<hbm>>
      %dma_wait3A_180 = arith.constant 0 : i32
      %dma_wait3A_181 = tpu.memref_slice %arg2[%multiple_of3A, %dma_wait3A_180] : memref<100x4096xi32, #tpu.memory_space<hbm>> -> memref<8x4096xi32, #tpu.memory_space<hbm>>
      tpu.wait_dma2 semaphore(%run_scoped3A : memref<!tpu.dma_semaphore, #tpu.memory_space<semaphore_mem>>) src(%dma_wait3A_181 : memref<8x4096xi32, #tpu.memory_space<hbm>>) dst(%arg6 : memref<8x4096xi32, #tpu.memory_space<vmem>>)
      tpu.yield
    }) : () -> ()
    %parallel_loop3A = arith.constant 0 : i32
    %parallel_loop3A_33 = arith.constant 256 : i32
    %parallel_loop3A_34 = arith.constant 1 : i32
    scf.for %parallel_loop3A_174 = %parallel_loop3A to %parallel_loop3A_33 step %parallel_loop3A_34  : i32 {
      %parallel_loop3A_175 = arith.constant 16 : i32
      %parallel_loop3A_176 = arith.muli %parallel_loop3A_174, %parallel_loop3A_175 : i32
      %parallel_loop3A_177 = arith.constant 0 : i32
      %parallel_loop3A_178 = arith.index_cast %parallel_loop3A_177 : i32 to index
      %parallel_loop3A_179 = arith.index_cast %parallel_loop3A_176 : i32 to index
      %parallel_loop3A_180 = tpu.vector_load %arg6[%parallel_loop3A_178, %parallel_loop3A_179] {strides = array<i32>} : memref<8x4096xi32, #tpu.memory_space<vmem>>, vector<16xi32>,
      %parallel_loop3A_181 = arith.constant 100 : i32
      %parallel_loop3A_182 = arith.muli %select_n3A, %parallel_loop3A_181 : i32
      %parallel_loop3A_183 = vector.broadcast %parallel_loop3A_182 : i32 to vector<16xi32>
      %parallel_loop3A_184 = arith.addi %parallel_loop3A_180, %parallel_loop3A_183 : vector<16xi32>
      %parallel_loop3A_185 = tpu.vector_load_idx %arg5[%parallel_loop3A_184] : memref<1000xf32, #tpu.memory_space<vmem>>[vector<16xi32>], vector<16xf32>,
      %parallel_loop3A_186 = arith.constant 16 : i32
      %parallel_loop3A_187 = arith.muli %parallel_loop3A_174, %parallel_loop3A_186 : i32
      %parallel_loop3A_188 = arith.constant 0 : i32
      %parallel_loop3A_189 = arith.index_cast %parallel_loop3A_188 : i32 to index
      %parallel_loop3A_190 = arith.index_cast %parallel_loop3A_187 : i32 to index
      %parallel_loop3A_191 = tpu.vector_load %arg7[%parallel_loop3A_189, %parallel_loop3A_190] {strides = array<i32>} : memref<8x4096xf32, #tpu.memory_space<vmem>>, vector<16xf32>,
      tpu.vector_store %arg7[%parallel_loop3A_189, %parallel_loop3A_190], %parallel_loop3A_185 {strides = array<i32>} : memref<8x4096xf32, #tpu.memory_space<vmem>>, vector<16xf32>,
      %parallel_loop3A_192 = arith.constant 16 : i32
      %parallel_loop3A_193 = arith.muli %parallel_loop3A_174, %parallel_loop3A_192 : i32
      %parallel_loop3A_194 = arith.constant 1 : i32
      %parallel_loop3A_195 = arith.index_cast %parallel_loop3A_194 : i32 to index
      %parallel_loop3A_196 = arith.index_cast %parallel_loop3A_193 : i32 to index
      %parallel_loop3A_197 = tpu.vector_load %arg6[%parallel_loop3A_195, %parallel_loop3A_196] {strides = array<i32>} : memref<8x4096xi32, #tpu.memory_space<vmem>>, vector<16xi32>,
      %parallel_loop3A_198 = arith.constant 100 : i32
      %parallel_loop3A_199 = arith.muli %select_n3A, %parallel_loop3A_198 : i32
      %parallel_loop3A_200 = vector.broadcast %parallel_loop3A_199 : i32 to vector<16xi32>
      %parallel_loop3A_201 = arith.addi %parallel_loop3A_197, %parallel_loop3A_200 : vector<16xi32>
      %parallel_loop3A_202 = tpu.vector_load_idx %arg5[%parallel_loop3A_201] : memref<1000xf32, #tpu.memory_space<vmem>>[vector<16xi32>], vector<16xf32>,
      %parallel_loop3A_203 = arith.constant 16 : i32
      %parallel_loop3A_204 = arith.muli %parallel_loop3A_174, %parallel_loop3A_203 : i32
      %parallel_loop3A_205 = arith.constant 1 : i32
      %parallel_loop3A_206 = arith.index_cast %parallel_loop3A_205 : i32 to index
      %parallel_loop3A_207 = arith.index_cast %parallel_loop3A_204 : i32 to index
      %parallel_loop3A_208 = tpu.vector_load %arg7[%parallel_loop3A_206, %parallel_loop3A_207] {strides = array<i32>} : memref<8x4096xf32, #tpu.memory_space<vmem>>, vector<16xf32>,
      tpu.vector_store %arg7[%parallel_loop3A_206, %parallel_loop3A_207], %parallel_loop3A_202 {strides = array<i32>} : memref<8x4096xf32, #tpu.memory_space<vmem>>, vector<16xf32>,
      %parallel_loop3A_209 = arith.constant 16 : i32
      %parallel_loop3A_210 = arith.muli %parallel_loop3A_174, %parallel_loop3A_209 : i32
      %parallel_loop3A_211 = arith.constant 2 : i32
      %parallel_loop3A_212 = arith.index_cast %parallel_loop3A_211 : i32 to index
      %parallel_loop3A_213 = arith.index_cast %parallel_loop3A_210 : i32 to index
      %parallel_loop3A_214 = tpu.vector_load %arg6[%parallel_loop3A_212, %parallel_loop3A_213] {strides = array<i32>} : memref<8x4096xi32, #tpu.memory_space<vmem>>, vector<16xi32>,
      %parallel_loop3A_215 = arith.constant 100 : i32
      %parallel_loop3A_216 = arith.muli %select_n3A, %parallel_loop3A_215 : i32
      %parallel_loop3A_217 = vector.broadcast %parallel_loop3A_216 : i32 to vector<16xi32>
      %parallel_loop3A_218 = arith.addi %parallel_loop3A_214, %parallel_loop3A_217 : vector<16xi32>
      %parallel_loop3A_219 = tpu.vector_load_idx %arg5[%parallel_loop3A_218] : memref<1000xf32, #tpu.memory_space<vmem>>[vector<16xi32>], vector<16xf32>,
      %parallel_loop3A_220 = arith.constant 16 : i32
      %parallel_loop3A_221 = arith.muli %parallel_loop3A_174, %parallel_loop3A_220 : i32
      %parallel_loop3A_222 = arith.constant 2 : i32
      %parallel_loop3A_223 = arith.index_cast %parallel_loop3A_222 : i32 to index
      %parallel_loop3A_224 = arith.index_cast %parallel_loop3A_221 : i32 to index
      %parallel_loop3A_225 = tpu.vector_load %arg7[%parallel_loop3A_223, %parallel_loop3A_224] {strides = array<i32>} : memref<8x4096xf32, #tpu.memory_space<vmem>>, vector<16xf32>,
      tpu.vector_store %arg7[%parallel_loop3A_223, %parallel_loop3A_224], %parallel_loop3A_219 {strides = array<i32>} : memref<8x4096xf32, #tpu.memory_space<vmem>>, vector<16xf32>,
      %parallel_loop3A_226 = arith.constant 16 : i32
      %parallel_loop3A_227 = arith.muli %parallel_loop3A_174, %parallel_loop3A_226 : i32
      %parallel_loop3A_228 = arith.constant 3 : i32
      %parallel_loop3A_229 = arith.index_cast %parallel_loop3A_228 : i32 to index
      %parallel_loop3A_230 = arith.index_cast %parallel_loop3A_227 : i32 to index
      %parallel_loop3A_231 = tpu.vector_load %arg6[%parallel_loop3A_229, %parallel_loop3A_230] {strides = array<i32>} : memref<8x4096xi32, #tpu.memory_space<vmem>>, vector<16xi32>,
      %parallel_loop3A_232 = arith.constant 100 : i32
      %parallel_loop3A_233 = arith.muli %select_n3A, %parallel_loop3A_232 : i32
      %parallel_loop3A_234 = vector.broadcast %parallel_loop3A_233 : i32 to vector<16xi32>
      %parallel_loop3A_235 = arith.addi %parallel_loop3A_231, %parallel_loop3A_234 : vector<16xi32>
      %parallel_loop3A_236 = tpu.vector_load_idx %arg5[%parallel_loop3A_235] : memref<1000xf32, #tpu.memory_space<vmem>>[vector<16xi32>], vector<16xf32>,
      %parallel_loop3A_237 = arith.constant 16 : i32
      %parallel_loop3A_238 = arith.muli %parallel_loop3A_174, %parallel_loop3A_237 : i32
      %parallel_loop3A_239 = arith.constant 3 : i32
      %parallel_loop3A_240 = arith.index_cast %parallel_loop3A_239 : i32 to index
      %parallel_loop3A_241 = arith.index_cast %parallel_loop3A_238 : i32 to index
      %parallel_loop3A_242 = tpu.vector_load %arg7[%parallel_loop3A_240, %parallel_loop3A_241] {strides = array<i32>} : memref<8x4096xf32, #tpu.memory_space<vmem>>, vector<16xf32>,
      tpu.vector_store %arg7[%parallel_loop3A_240, %parallel_loop3A_241], %parallel_loop3A_236 {strides = array<i32>} : memref<8x4096xf32, #tpu.memory_space<vmem>>, vector<16xf32>,
      %parallel_loop3A_243 = arith.constant 16 : i32
      %parallel_loop3A_244 = arith.muli %parallel_loop3A_174, %parallel_loop3A_243 : i32
      %parallel_loop3A_245 = arith.constant 4 : i32
      %parallel_loop3A_246 = arith.index_cast %parallel_loop3A_245 : i32 to index
      %parallel_loop3A_247 = arith.index_cast %parallel_loop3A_244 : i32 to index
      %parallel_loop3A_248 = tpu.vector_load %arg6[%parallel_loop3A_246, %parallel_loop3A_247] {strides = array<i32>} : memref<8x4096xi32, #tpu.memory_space<vmem>>, vector<16xi32>,
      %parallel_loop3A_249 = arith.constant 100 : i32
      %parallel_loop3A_250 = arith.muli %select_n3A, %parallel_loop3A_249 : i32
      %parallel_loop3A_251 = vector.broadcast %parallel_loop3A_250 : i32 to vector<16xi32>
      %parallel_loop3A_252 = arith.addi %parallel_loop3A_248, %parallel_loop3A_251 : vector<16xi32>
      %parallel_loop3A_253 = tpu.vector_load_idx %arg5[%parallel_loop3A_252] : memref<1000xf32, #tpu.memory_space<vmem>>[vector<16xi32>], vector<16xf32>,
      %parallel_loop3A_254 = arith.constant 16 : i32
      %parallel_loop3A_255 = arith.muli %parallel_loop3A_174, %parallel_loop3A_254 : i32
      %parallel_loop3A_256 = arith.constant 4 : i32
      %parallel_loop3A_257 = arith.index_cast %parallel_loop3A_256 : i32 to index
      %parallel_loop3A_258 = arith.index_cast %parallel_loop3A_255 : i32 to index
      %parallel_loop3A_259 = tpu.vector_load %arg7[%parallel_loop3A_257, %parallel_loop3A_258] {strides = array<i32>} : memref<8x4096xf32, #tpu.memory_space<vmem>>, vector<16xf32>,
      tpu.vector_store %arg7[%parallel_loop3A_257, %parallel_loop3A_258], %parallel_loop3A_253 {strides = array<i32>} : memref<8x4096xf32, #tpu.memory_space<vmem>>, vector<16xf32>,
      %parallel_loop3A_260 = arith.constant 16 : i32
      %parallel_loop3A_261 = arith.muli %parallel_loop3A_174, %parallel_loop3A_260 : i32
      %parallel_loop3A_262 = arith.constant 5 : i32
      %parallel_loop3A_263 = arith.index_cast %parallel_loop3A_262 : i32 to index
      %parallel_loop3A_264 = arith.index_cast %parallel_loop3A_261 : i32 to index
      %parallel_loop3A_265 = tpu.vector_load %arg6[%parallel_loop3A_263, %parallel_loop3A_264] {strides = array<i32>} : memref<8x4096xi32, #tpu.memory_space<vmem>>, vector<16xi32>,
      %parallel_loop3A_266 = arith.constant 100 : i32
      %parallel_loop3A_267 = arith.muli %select_n3A, %parallel_loop3A_266 : i32
      %parallel_loop3A_268 = vector.broadcast %parallel_loop3A_267 : i32 to vector<16xi32>
      %parallel_loop3A_269 = arith.addi %parallel_loop3A_265, %parallel_loop3A_268 : vector<16xi32>
      %parallel_loop3A_270 = tpu.vector_load_idx %arg5[%parallel_loop3A_269] : memref<1000xf32, #tpu.memory_space<vmem>>[vector<16xi32>], vector<16xf32>,
      %parallel_loop3A_271 = arith.constant 16 : i32
      %parallel_loop3A_272 = arith.muli %parallel_loop3A_174, %parallel_loop3A_271 : i32
      %parallel_loop3A_273 = arith.constant 5 : i32
      %parallel_loop3A_274 = arith.index_cast %parallel_loop3A_273 : i32 to index
      %parallel_loop3A_275 = arith.index_cast %parallel_loop3A_272 : i32 to index
      %parallel_loop3A_276 = tpu.vector_load %arg7[%parallel_loop3A_274, %parallel_loop3A_275] {strides = array<i32>} : memref<8x4096xf32, #tpu.memory_space<vmem>>, vector<16xf32>,
      tpu.vector_store %arg7[%parallel_loop3A_274, %parallel_loop3A_275], %parallel_loop3A_270 {strides = array<i32>} : memref<8x4096xf32, #tpu.memory_space<vmem>>, vector<16xf32>,
      %parallel_loop3A_277 = arith.constant 16 : i32
      %parallel_loop3A_278 = arith.muli %parallel_loop3A_174, %parallel_loop3A_277 : i32
      %parallel_loop3A_279 = arith.constant 6 : i32
      %parallel_loop3A_280 = arith.index_cast %parallel_loop3A_279 : i32 to index
      %parallel_loop3A_281 = arith.index_cast %parallel_loop3A_278 : i32 to index
      %parallel_loop3A_282 = tpu.vector_load %arg6[%parallel_loop3A_280, %parallel_loop3A_281] {strides = array<i32>} : memref<8x4096xi32, #tpu.memory_space<vmem>>, vector<16xi32>,
      %parallel_loop3A_283 = arith.constant 100 : i32
      %parallel_loop3A_284 = arith.muli %select_n3A, %parallel_loop3A_283 : i32
      %parallel_loop3A_285 = vector.broadcast %parallel_loop3A_284 : i32 to vector<16xi32>
      %parallel_loop3A_286 = arith.addi %parallel_loop3A_282, %parallel_loop3A_285 : vector<16xi32>
      %parallel_loop3A_287 = tpu.vector_load_idx %arg5[%parallel_loop3A_286] : memref<1000xf32, #tpu.memory_space<vmem>>[vector<16xi32>], vector<16xf32>,
      %parallel_loop3A_288 = arith.constant 16 : i32
      %parallel_loop3A_289 = arith.muli %parallel_loop3A_174, %parallel_loop3A_288 : i32
      %parallel_loop3A_290 = arith.constant 6 : i32
      %parallel_loop3A_291 = arith.index_cast %parallel_loop3A_290 : i32 to index
      %parallel_loop3A_292 = arith.index_cast %parallel_loop3A_289 : i32 to index
      %parallel_loop3A_293 = tpu.vector_load %arg7[%parallel_loop3A_291, %parallel_loop3A_292] {strides = array<i32>} : memref<8x4096xf32, #tpu.memory_space<vmem>>, vector<16xf32>,
      tpu.vector_store %arg7[%parallel_loop3A_291, %parallel_loop3A_292], %parallel_loop3A_287 {strides = array<i32>} : memref<8x4096xf32, #tpu.memory_space<vmem>>, vector<16xf32>,
      %parallel_loop3A_294 = arith.constant 16 : i32
      %parallel_loop3A_295 = arith.muli %parallel_loop3A_174, %parallel_loop3A_294 : i32
      %parallel_loop3A_296 = arith.constant 7 : i32
      %parallel_loop3A_297 = arith.index_cast %parallel_loop3A_296 : i32 to index
      %parallel_loop3A_298 = arith.index_cast %parallel_loop3A_295 : i32 to index
      %parallel_loop3A_299 = tpu.vector_load %arg6[%parallel_loop3A_297, %parallel_loop3A_298] {strides = array<i32>} : memref<8x4096xi32, #tpu.memory_space<vmem>>, vector<16xi32>,
      %parallel_loop3A_300 = arith.constant 100 : i32
      %parallel_loop3A_301 = arith.muli %select_n3A, %parallel_loop3A_300 : i32
      %parallel_loop3A_302 = vector.broadcast %parallel_loop3A_301 : i32 to vector<16xi32>
      %parallel_loop3A_303 = arith.addi %parallel_loop3A_299, %parallel_loop3A_302 : vector<16xi32>
      %parallel_loop3A_304 = tpu.vector_load_idx %arg5[%parallel_loop3A_303] : memref<1000xf32, #tpu.memory_space<vmem>>[vector<16xi32>], vector<16xf32>,
      %parallel_loop3A_305 = arith.constant 16 : i32
      %parallel_loop3A_306 = arith.muli %parallel_loop3A_174, %parallel_loop3A_305 : i32
      %parallel_loop3A_307 = arith.constant 7 : i32
      %parallel_loop3A_308 = arith.index_cast %parallel_loop3A_307 : i32 to index
      %parallel_loop3A_309 = arith.index_cast %parallel_loop3A_306 : i32 to index
      %parallel_loop3A_310 = tpu.vector_load %arg7[%parallel_loop3A_308, %parallel_loop3A_309] {strides = array<i32>} : memref<8x4096xf32, #tpu.memory_space<vmem>>, vector<16xf32>,
      tpu.vector_store %arg7[%parallel_loop3A_308, %parallel_loop3A_309], %parallel_loop3A_304 {strides = array<i32>} : memref<8x4096xf32, #tpu.memory_space<vmem>>, vector<16xf32>,
    } {sc.loop_unroll_factor = 2 : i64, sc.parallel_access}
    %dma_start3A = arith.constant 0 : i32
    %dma_start3A_35 = tpu.memref_slice %arg4[%select_n3A, %multiple_of3A, %dma_start3A] : memref<10x100x4096xf32, #tpu.memory_space<hbm>> -> memref<1x8x4096xf32, #tpu.memory_space<hbm>>
    %dma_start3A_36 = tpu.memref_squeeze %dma_start3A_35 : memref<1x8x4096xf32, #tpu.memory_space<hbm>> -> memref<8x4096xf32, #tpu.memory_space<hbm>>
    %dma_start3A_37 = arith.constant 0 : i32
    %dma_start3A_38 = tpu.memref_slice %arg4[%select_n3A, %multiple_of3A, %dma_start3A_37] : memref<10x100x4096xf32, #tpu.memory_space<hbm>> -> memref<1x8x4096xf32, #tpu.memory_space<hbm>>
    %dma_start3A_39 = tpu.memref_squeeze %dma_start3A_38 : memref<1x8x4096xf32, #tpu.memory_space<hbm>> -> memref<8x4096xf32, #tpu.memory_space<hbm>>
    tpu.enqueue_dma source(%arg7 : memref<8x4096xf32, #tpu.memory_space<vmem>>) target(%dma_start3A_39 : memref<8x4096xf32, #tpu.memory_space<hbm>>) target_semaphore(%arg9 : memref<!tpu.dma_semaphore, #tpu.memory_space<semaphore_mem>>)
    %add3A_40 = arith.constant 32 : i32
    %add3A_41 = arith.addi %add3A_40, %add3A : i32
    %jit3A_42 = arith.constant 12 : i32
    %div3A_43 = arith.divsi %add3A_41, %jit3A_42 : i32
    %sign3A_44 = arith.constant 0 : i32
    %sign3A_45 = arith.cmpi sgt, %add3A_41, %sign3A_44 : i32
    %sign3A_46 = arith.extui %sign3A_45 : i1 to i32
    %sign3A_47 = arith.constant 0 : i32
    %sign3A_48 = arith.cmpi slt, %add3A_41, %sign3A_47 : i32
    %sign3A_49 = arith.extui %sign3A_48 : i1 to i32
    %sign3A_50 = arith.subi %sign3A_46, %sign3A_49 : i32
    %sign3A_51 = arith.constant 0 : i32
    %sign3A_52 = arith.cmpi sgt, %jit3A_42, %sign3A_51 : i32
    %sign3A_53 = arith.extui %sign3A_52 : i1 to i32
    %sign3A_54 = arith.constant 0 : i32
    %sign3A_55 = arith.cmpi slt, %jit3A_42, %sign3A_54 : i32
    %sign3A_56 = arith.extui %sign3A_55 : i1 to i32
    %sign3A_57 = arith.subi %sign3A_53, %sign3A_56 : i32
    %ne3A_58 = arith.cmpi ne, %sign3A_50, %sign3A_57 : i32
    %rem3A_59 = arith.remsi %add3A_41, %jit3A_42 : i32
    %ne3A_60 = arith.constant 0 : i32
    %ne3A_61 = arith.cmpi ne, %rem3A_59, %ne3A_60 : i32
    %and3A_62 = arith.andi %ne3A_58, %ne3A_61 : i1
    %sub3A_63 = arith.constant 1 : i32
    %sub3A_64 = arith.subi %div3A_43, %sub3A_63 : i32
    %select_n3A_65 = arith.select %and3A_62, %sub3A_64, %div3A_43 : i32
    %jit3A_66 = arith.constant 12 : i32
    %eq3A_67 = arith.constant 0 : i32
    %eq3A_68 = arith.cmpi eq, %jit3A_66, %eq3A_67 : i32
    %jit3A_69 = arith.constant 1 : i32
    %select_n3A_70 = arith.select %eq3A_68, %jit3A_69, %jit3A_66 : i32
    %rem3A_71 = arith.remsi %add3A_41, %select_n3A_70 : i32
    %ne3A_72 = arith.constant 0 : i32
    %ne3A_73 = arith.cmpi ne, %rem3A_71, %ne3A_72 : i32
    %lt3A_74 = arith.constant 0 : i32
    %lt3A_75 = arith.cmpi slt, %rem3A_71, %lt3A_74 : i32
    %lt3A_76 = arith.constant 0 : i32
    %lt3A_77 = arith.cmpi slt, %select_n3A_70, %lt3A_76 : i32
    %ne3A_78 = arith.xori %lt3A_75, %lt3A_77 : i1
    %and3A_79 = arith.andi %ne3A_78, %ne3A_73 : i1
    %add3A_80 = arith.addi %rem3A_71, %select_n3A_70 : i32
    %select_n3A_81 = arith.select %and3A_79, %add3A_80, %rem3A_71 : i32
    %mul3A_82 = arith.constant 8 : i32
    %mul3A_83 = arith.muli %select_n3A_81, %mul3A_82 : i32
    %multiple_of3A_84 = tpu.assume_multiple %mul3A_83, 8 : i32
    "tpu.region"() ({
      %run_scoped3A = tpu.sem_alloc : memref<!tpu.dma_semaphore, #tpu.memory_space<semaphore_mem>>
      %dma_start3A_174 = arith.constant 0 : i32
      %dma_start3A_175 = tpu.memref_slice %arg2[%multiple_of3A_84, %dma_start3A_174] : memref<100x4096xi32, #tpu.memory_space<hbm>> -> memref<8x4096xi32, #tpu.memory_space<hbm>>
      %dma_start3A_176 = arith.constant 0 : i32
      %dma_start3A_177 = tpu.memref_slice %arg2[%multiple_of3A_84, %dma_start3A_176] : memref<100x4096xi32, #tpu.memory_space<hbm>> -> memref<8x4096xi32, #tpu.memory_space<hbm>>
      tpu.enqueue_dma source(%dma_start3A_177 : memref<8x4096xi32, #tpu.memory_space<hbm>>) target(%arg6 : memref<8x4096xi32, #tpu.memory_space<vmem>>) target_semaphore(%run_scoped3A : memref<!tpu.dma_semaphore, #tpu.memory_space<semaphore_mem>>)
      %dma_wait3A_178 = arith.constant 0 : i32
      %dma_wait3A_179 = tpu.memref_slice %arg2[%multiple_of3A_84, %dma_wait3A_178] : memref<100x4096xi32, #tpu.memory_space<hbm>> -> memref<8x4096xi32, #tpu.memory_space<hbm>>
      %dma_wait3A_180 = arith.constant 0 : i32
      %dma_wait3A_181 = tpu.memref_slice %arg2[%multiple_of3A_84, %dma_wait3A_180] : memref<100x4096xi32, #tpu.memory_space<hbm>> -> memref<8x4096xi32, #tpu.memory_space<hbm>>
      tpu.wait_dma2 semaphore(%run_scoped3A : memref<!tpu.dma_semaphore, #tpu.memory_space<semaphore_mem>>) src(%dma_wait3A_181 : memref<8x4096xi32, #tpu.memory_space<hbm>>) dst(%arg6 : memref<8x4096xi32, #tpu.memory_space<vmem>>)
      tpu.yield
    }) : () -> ()
    %parallel_loop3A_85 = arith.constant 0 : i32
    %parallel_loop3A_86 = arith.constant 256 : i32
    %parallel_loop3A_87 = arith.constant 1 : i32
    scf.for %parallel_loop3A_174 = %parallel_loop3A_85 to %parallel_loop3A_86 step %parallel_loop3A_87  : i32 {
      %parallel_loop3A_175 = arith.constant 16 : i32
      %parallel_loop3A_176 = arith.muli %parallel_loop3A_174, %parallel_loop3A_175 : i32
      %parallel_loop3A_177 = arith.constant 0 : i32
      %parallel_loop3A_178 = arith.index_cast %parallel_loop3A_177 : i32 to index
      %parallel_loop3A_179 = arith.index_cast %parallel_loop3A_176 : i32 to index
      %parallel_loop3A_180 = tpu.vector_load %arg6[%parallel_loop3A_178, %parallel_loop3A_179] {strides = array<i32>} : memref<8x4096xi32, #tpu.memory_space<vmem>>, vector<16xi32>,
      %parallel_loop3A_181 = arith.constant 100 : i32
      %parallel_loop3A_182 = arith.muli %select_n3A_65, %parallel_loop3A_181 : i32
      %parallel_loop3A_183 = vector.broadcast %parallel_loop3A_182 : i32 to vector<16xi32>
      %parallel_loop3A_184 = arith.addi %parallel_loop3A_180, %parallel_loop3A_183 : vector<16xi32>
      %parallel_loop3A_185 = tpu.vector_load_idx %arg5[%parallel_loop3A_184] : memref<1000xf32, #tpu.memory_space<vmem>>[vector<16xi32>], vector<16xf32>,
      %parallel_loop3A_186 = arith.constant 16 : i32
      %parallel_loop3A_187 = arith.muli %parallel_loop3A_174, %parallel_loop3A_186 : i32
      %parallel_loop3A_188 = arith.constant 0 : i32
      %parallel_loop3A_189 = arith.index_cast %parallel_loop3A_188 : i32 to index
      %parallel_loop3A_190 = arith.index_cast %parallel_loop3A_187 : i32 to index
      %parallel_loop3A_191 = tpu.vector_load %arg8[%parallel_loop3A_189, %parallel_loop3A_190] {strides = array<i32>} : memref<8x4096xf32, #tpu.memory_space<vmem>>, vector<16xf32>,
      tpu.vector_store %arg8[%parallel_loop3A_189, %parallel_loop3A_190], %parallel_loop3A_185 {strides = array<i32>} : memref<8x4096xf32, #tpu.memory_space<vmem>>, vector<16xf32>,
      %parallel_loop3A_192 = arith.constant 16 : i32
      %parallel_loop3A_193 = arith.muli %parallel_loop3A_174, %parallel_loop3A_192 : i32
      %parallel_loop3A_194 = arith.constant 1 : i32
      %parallel_loop3A_195 = arith.index_cast %parallel_loop3A_194 : i32 to index
      %parallel_loop3A_196 = arith.index_cast %parallel_loop3A_193 : i32 to index
      %parallel_loop3A_197 = tpu.vector_load %arg6[%parallel_loop3A_195, %parallel_loop3A_196] {strides = array<i32>} : memref<8x4096xi32, #tpu.memory_space<vmem>>, vector<16xi32>,
      %parallel_loop3A_198 = arith.constant 100 : i32
      %parallel_loop3A_199 = arith.muli %select_n3A_65, %parallel_loop3A_198 : i32
      %parallel_loop3A_200 = vector.broadcast %parallel_loop3A_199 : i32 to vector<16xi32>
      %parallel_loop3A_201 = arith.addi %parallel_loop3A_197, %parallel_loop3A_200 : vector<16xi32>
      %parallel_loop3A_202 = tpu.vector_load_idx %arg5[%parallel_loop3A_201] : memref<1000xf32, #tpu.memory_space<vmem>>[vector<16xi32>], vector<16xf32>,
      %parallel_loop3A_203 = arith.constant 16 : i32
      %parallel_loop3A_204 = arith.muli %parallel_loop3A_174, %parallel_loop3A_203 : i32
      %parallel_loop3A_205 = arith.constant 1 : i32
      %parallel_loop3A_206 = arith.index_cast %parallel_loop3A_205 : i32 to index
      %parallel_loop3A_207 = arith.index_cast %parallel_loop3A_204 : i32 to index
      %parallel_loop3A_208 = tpu.vector_load %arg8[%parallel_loop3A_206, %parallel_loop3A_207] {strides = array<i32>} : memref<8x4096xf32, #tpu.memory_space<vmem>>, vector<16xf32>,
      tpu.vector_store %arg8[%parallel_loop3A_206, %parallel_loop3A_207], %parallel_loop3A_202 {strides = array<i32>} : memref<8x4096xf32, #tpu.memory_space<vmem>>, vector<16xf32>,
      %parallel_loop3A_209 = arith.constant 16 : i32
      %parallel_loop3A_210 = arith.muli %parallel_loop3A_174, %parallel_loop3A_209 : i32
      %parallel_loop3A_211 = arith.constant 2 : i32
      %parallel_loop3A_212 = arith.index_cast %parallel_loop3A_211 : i32 to index
      %parallel_loop3A_213 = arith.index_cast %parallel_loop3A_210 : i32 to index
      %parallel_loop3A_214 = tpu.vector_load %arg6[%parallel_loop3A_212, %parallel_loop3A_213] {strides = array<i32>} : memref<8x4096xi32, #tpu.memory_space<vmem>>, vector<16xi32>,
      %parallel_loop3A_215 = arith.constant 100 : i32
      %parallel_loop3A_216 = arith.muli %select_n3A_65, %parallel_loop3A_215 : i32
      %parallel_loop3A_217 = vector.broadcast %parallel_loop3A_216 : i32 to vector<16xi32>
      %parallel_loop3A_218 = arith.addi %parallel_loop3A_214, %parallel_loop3A_217 : vector<16xi32>
      %parallel_loop3A_219 = tpu.vector_load_idx %arg5[%parallel_loop3A_218] : memref<1000xf32, #tpu.memory_space<vmem>>[vector<16xi32>], vector<16xf32>,
      %parallel_loop3A_220 = arith.constant 16 : i32
      %parallel_loop3A_221 = arith.muli %parallel_loop3A_174, %parallel_loop3A_220 : i32
      %parallel_loop3A_222 = arith.constant 2 : i32
      %parallel_loop3A_223 = arith.index_cast %parallel_loop3A_222 : i32 to index
      %parallel_loop3A_224 = arith.index_cast %parallel_loop3A_221 : i32 to index
      %parallel_loop3A_225 = tpu.vector_load %arg8[%parallel_loop3A_223, %parallel_loop3A_224] {strides = array<i32>} : memref<8x4096xf32, #tpu.memory_space<vmem>>, vector<16xf32>,
      tpu.vector_store %arg8[%parallel_loop3A_223, %parallel_loop3A_224], %parallel_loop3A_219 {strides = array<i32>} : memref<8x4096xf32, #tpu.memory_space<vmem>>, vector<16xf32>,
      %parallel_loop3A_226 = arith.constant 16 : i32
      %parallel_loop3A_227 = arith.muli %parallel_loop3A_174, %parallel_loop3A_226 : i32
      %parallel_loop3A_228 = arith.constant 3 : i32
      %parallel_loop3A_229 = arith.index_cast %parallel_loop3A_228 : i32 to index
      %parallel_loop3A_230 = arith.index_cast %parallel_loop3A_227 : i32 to index
      %parallel_loop3A_231 = tpu.vector_load %arg6[%parallel_loop3A_229, %parallel_loop3A_230] {strides = array<i32>} : memref<8x4096xi32, #tpu.memory_space<vmem>>, vector<16xi32>,
      %parallel_loop3A_232 = arith.constant 100 : i32
      %parallel_loop3A_233 = arith.muli %select_n3A_65, %parallel_loop3A_232 : i32
      %parallel_loop3A_234 = vector.broadcast %parallel_loop3A_233 : i32 to vector<16xi32>
      %parallel_loop3A_235 = arith.addi %parallel_loop3A_231, %parallel_loop3A_234 : vector<16xi32>
      %parallel_loop3A_236 = tpu.vector_load_idx %arg5[%parallel_loop3A_235] : memref<1000xf32, #tpu.memory_space<vmem>>[vector<16xi32>], vector<16xf32>,
      %parallel_loop3A_237 = arith.constant 16 : i32
      %parallel_loop3A_238 = arith.muli %parallel_loop3A_174, %parallel_loop3A_237 : i32
      %parallel_loop3A_239 = arith.constant 3 : i32
      %parallel_loop3A_240 = arith.index_cast %parallel_loop3A_239 : i32 to index
      %parallel_loop3A_241 = arith.index_cast %parallel_loop3A_238 : i32 to index
      %parallel_loop3A_242 = tpu.vector_load %arg8[%parallel_loop3A_240, %parallel_loop3A_241] {strides = array<i32>} : memref<8x4096xf32, #tpu.memory_space<vmem>>, vector<16xf32>,
      tpu.vector_store %arg8[%parallel_loop3A_240, %parallel_loop3A_241], %parallel_loop3A_236 {strides = array<i32>} : memref<8x4096xf32, #tpu.memory_space<vmem>>, vector<16xf32>,
      %parallel_loop3A_243 = arith.constant 16 : i32
      %parallel_loop3A_244 = arith.muli %parallel_loop3A_174, %parallel_loop3A_243 : i32
      %parallel_loop3A_245 = arith.constant 4 : i32
      %parallel_loop3A_246 = arith.index_cast %parallel_loop3A_245 : i32 to index
      %parallel_loop3A_247 = arith.index_cast %parallel_loop3A_244 : i32 to index
      %parallel_loop3A_248 = tpu.vector_load %arg6[%parallel_loop3A_246, %parallel_loop3A_247] {strides = array<i32>} : memref<8x4096xi32, #tpu.memory_space<vmem>>, vector<16xi32>,
      %parallel_loop3A_249 = arith.constant 100 : i32
      %parallel_loop3A_250 = arith.muli %select_n3A_65, %parallel_loop3A_249 : i32
      %parallel_loop3A_251 = vector.broadcast %parallel_loop3A_250 : i32 to vector<16xi32>
      %parallel_loop3A_252 = arith.addi %parallel_loop3A_248, %parallel_loop3A_251 : vector<16xi32>
      %parallel_loop3A_253 = tpu.vector_load_idx %arg5[%parallel_loop3A_252] : memref<1000xf32, #tpu.memory_space<vmem>>[vector<16xi32>], vector<16xf32>,
      %parallel_loop3A_254 = arith.constant 16 : i32
      %parallel_loop3A_255 = arith.muli %parallel_loop3A_174, %parallel_loop3A_254 : i32
      %parallel_loop3A_256 = arith.constant 4 : i32
      %parallel_loop3A_257 = arith.index_cast %parallel_loop3A_256 : i32 to index
      %parallel_loop3A_258 = arith.index_cast %parallel_loop3A_255 : i32 to index
      %parallel_loop3A_259 = tpu.vector_load %arg8[%parallel_loop3A_257, %parallel_loop3A_258] {strides = array<i32>} : memref<8x4096xf32, #tpu.memory_space<vmem>>, vector<16xf32>,
      tpu.vector_store %arg8[%parallel_loop3A_257, %parallel_loop3A_258], %parallel_loop3A_253 {strides = array<i32>} : memref<8x4096xf32, #tpu.memory_space<vmem>>, vector<16xf32>,
      %parallel_loop3A_260 = arith.constant 16 : i32
      %parallel_loop3A_261 = arith.muli %parallel_loop3A_174, %parallel_loop3A_260 : i32
      %parallel_loop3A_262 = arith.constant 5 : i32
      %parallel_loop3A_263 = arith.index_cast %parallel_loop3A_262 : i32 to index
      %parallel_loop3A_264 = arith.index_cast %parallel_loop3A_261 : i32 to index
      %parallel_loop3A_265 = tpu.vector_load %arg6[%parallel_loop3A_263, %parallel_loop3A_264] {strides = array<i32>} : memref<8x4096xi32, #tpu.memory_space<vmem>>, vector<16xi32>,
      %parallel_loop3A_266 = arith.constant 100 : i32
      %parallel_loop3A_267 = arith.muli %select_n3A_65, %parallel_loop3A_266 : i32
      %parallel_loop3A_268 = vector.broadcast %parallel_loop3A_267 : i32 to vector<16xi32>
      %parallel_loop3A_269 = arith.addi %parallel_loop3A_265, %parallel_loop3A_268 : vector<16xi32>
      %parallel_loop3A_270 = tpu.vector_load_idx %arg5[%parallel_loop3A_269] : memref<1000xf32, #tpu.memory_space<vmem>>[vector<16xi32>], vector<16xf32>,
      %parallel_loop3A_271 = arith.constant 16 : i32
      %parallel_loop3A_272 = arith.muli %parallel_loop3A_174, %parallel_loop3A_271 : i32
      %parallel_loop3A_273 = arith.constant 5 : i32
      %parallel_loop3A_274 = arith.index_cast %parallel_loop3A_273 : i32 to index
      %parallel_loop3A_275 = arith.index_cast %parallel_loop3A_272 : i32 to index
      %parallel_loop3A_276 = tpu.vector_load %arg8[%parallel_loop3A_274, %parallel_loop3A_275] {strides = array<i32>} : memref<8x4096xf32, #tpu.memory_space<vmem>>, vector<16xf32>,
      tpu.vector_store %arg8[%parallel_loop3A_274, %parallel_loop3A_275], %parallel_loop3A_270 {strides = array<i32>} : memref<8x4096xf32, #tpu.memory_space<vmem>>, vector<16xf32>,
      %parallel_loop3A_277 = arith.constant 16 : i32
      %parallel_loop3A_278 = arith.muli %parallel_loop3A_174, %parallel_loop3A_277 : i32
      %parallel_loop3A_279 = arith.constant 6 : i32
      %parallel_loop3A_280 = arith.index_cast %parallel_loop3A_279 : i32 to index
      %parallel_loop3A_281 = arith.index_cast %parallel_loop3A_278 : i32 to index
      %parallel_loop3A_282 = tpu.vector_load %arg6[%parallel_loop3A_280, %parallel_loop3A_281] {strides = array<i32>} : memref<8x4096xi32, #tpu.memory_space<vmem>>, vector<16xi32>,
      %parallel_loop3A_283 = arith.constant 100 : i32
      %parallel_loop3A_284 = arith.muli %select_n3A_65, %parallel_loop3A_283 : i32
      %parallel_loop3A_285 = vector.broadcast %parallel_loop3A_284 : i32 to vector<16xi32>
      %parallel_loop3A_286 = arith.addi %parallel_loop3A_282, %parallel_loop3A_285 : vector<16xi32>
      %parallel_loop3A_287 = tpu.vector_load_idx %arg5[%parallel_loop3A_286] : memref<1000xf32, #tpu.memory_space<vmem>>[vector<16xi32>], vector<16xf32>,
      %parallel_loop3A_288 = arith.constant 16 : i32
      %parallel_loop3A_289 = arith.muli %parallel_loop3A_174, %parallel_loop3A_288 : i32
      %parallel_loop3A_290 = arith.constant 6 : i32
      %parallel_loop3A_291 = arith.index_cast %parallel_loop3A_290 : i32 to index
      %parallel_loop3A_292 = arith.index_cast %parallel_loop3A_289 : i32 to index
      %parallel_loop3A_293 = tpu.vector_load %arg8[%parallel_loop3A_291, %parallel_loop3A_292] {strides = array<i32>} : memref<8x4096xf32, #tpu.memory_space<vmem>>, vector<16xf32>,
      tpu.vector_store %arg8[%parallel_loop3A_291, %parallel_loop3A_292], %parallel_loop3A_287 {strides = array<i32>} : memref<8x4096xf32, #tpu.memory_space<vmem>>, vector<16xf32>,
      %parallel_loop3A_294 = arith.constant 16 : i32
      %parallel_loop3A_295 = arith.muli %parallel_loop3A_174, %parallel_loop3A_294 : i32
      %parallel_loop3A_296 = arith.constant 7 : i32
      %parallel_loop3A_297 = arith.index_cast %parallel_loop3A_296 : i32 to index
      %parallel_loop3A_298 = arith.index_cast %parallel_loop3A_295 : i32 to index
      %parallel_loop3A_299 = tpu.vector_load %arg6[%parallel_loop3A_297, %parallel_loop3A_298] {strides = array<i32>} : memref<8x4096xi32, #tpu.memory_space<vmem>>, vector<16xi32>,
      %parallel_loop3A_300 = arith.constant 100 : i32
      %parallel_loop3A_301 = arith.muli %select_n3A_65, %parallel_loop3A_300 : i32
      %parallel_loop3A_302 = vector.broadcast %parallel_loop3A_301 : i32 to vector<16xi32>
      %parallel_loop3A_303 = arith.addi %parallel_loop3A_299, %parallel_loop3A_302 : vector<16xi32>
      %parallel_loop3A_304 = tpu.vector_load_idx %arg5[%parallel_loop3A_303] : memref<1000xf32, #tpu.memory_space<vmem>>[vector<16xi32>], vector<16xf32>,
      %parallel_loop3A_305 = arith.constant 16 : i32
      %parallel_loop3A_306 = arith.muli %parallel_loop3A_174, %parallel_loop3A_305 : i32
      %parallel_loop3A_307 = arith.constant 7 : i32
      %parallel_loop3A_308 = arith.index_cast %parallel_loop3A_307 : i32 to index
      %parallel_loop3A_309 = arith.index_cast %parallel_loop3A_306 : i32 to index
      %parallel_loop3A_310 = tpu.vector_load %arg8[%parallel_loop3A_308, %parallel_loop3A_309] {strides = array<i32>} : memref<8x4096xf32, #tpu.memory_space<vmem>>, vector<16xf32>,
      tpu.vector_store %arg8[%parallel_loop3A_308, %parallel_loop3A_309], %parallel_loop3A_304 {strides = array<i32>} : memref<8x4096xf32, #tpu.memory_space<vmem>>, vector<16xf32>,
    } {sc.loop_unroll_factor = 2 : i64, sc.parallel_access}
    %dma_start3A_88 = arith.constant 0 : i32
    %dma_start3A_89 = tpu.memref_slice %arg4[%select_n3A_65, %multiple_of3A_84, %dma_start3A_88] : memref<10x100x4096xf32, #tpu.memory_space<hbm>> -> memref<1x8x4096xf32, #tpu.memory_space<hbm>>
    %dma_start3A_90 = tpu.memref_squeeze %dma_start3A_89 : memref<1x8x4096xf32, #tpu.memory_space<hbm>> -> memref<8x4096xf32, #tpu.memory_space<hbm>>
    %dma_start3A_91 = arith.constant 0 : i32
    %dma_start3A_92 = tpu.memref_slice %arg4[%select_n3A_65, %multiple_of3A_84, %dma_start3A_91] : memref<10x100x4096xf32, #tpu.memory_space<hbm>> -> memref<1x8x4096xf32, #tpu.memory_space<hbm>>
    %dma_start3A_93 = tpu.memref_squeeze %dma_start3A_92 : memref<1x8x4096xf32, #tpu.memory_space<hbm>> -> memref<8x4096xf32, #tpu.memory_space<hbm>>
    tpu.enqueue_dma source(%arg8 : memref<8x4096xf32, #tpu.memory_space<vmem>>) target(%dma_start3A_93 : memref<8x4096xf32, #tpu.memory_space<hbm>>) target_semaphore(%arg9 : memref<!tpu.dma_semaphore, #tpu.memory_space<semaphore_mem>>)
    %dma_wait3A = arith.constant 0 : i32
    %dma_wait3A_94 = tpu.memref_slice %arg4[%select_n3A, %multiple_of3A, %dma_wait3A] : memref<10x100x4096xf32, #tpu.memory_space<hbm>> -> memref<1x8x4096xf32, #tpu.memory_space<hbm>>
    %dma_wait3A_95 = tpu.memref_squeeze %dma_wait3A_94 : memref<1x8x4096xf32, #tpu.memory_space<hbm>> -> memref<8x4096xf32, #tpu.memory_space<hbm>>
    %dma_wait3A_96 = arith.constant 0 : i32
    %dma_wait3A_97 = tpu.memref_slice %arg4[%select_n3A, %multiple_of3A, %dma_wait3A_96] : memref<10x100x4096xf32, #tpu.memory_space<hbm>> -> memref<1x8x4096xf32, #tpu.memory_space<hbm>>
    %dma_wait3A_98 = tpu.memref_squeeze %dma_wait3A_97 : memref<1x8x4096xf32, #tpu.memory_space<hbm>> -> memref<8x4096xf32, #tpu.memory_space<hbm>>
    tpu.wait_dma2 semaphore(%arg9 : memref<!tpu.dma_semaphore, #tpu.memory_space<semaphore_mem>>) src(%arg7 : memref<8x4096xf32, #tpu.memory_space<vmem>>) dst(%dma_wait3A_98 : memref<8x4096xf32, #tpu.memory_space<hbm>>)
    %add3A_99 = arith.constant 64 : i32
    %add3A_100 = arith.addi %add3A_99, %add3A : i32
    %jit3A_101 = arith.constant 12 : i32
    %div3A_102 = arith.divsi %add3A_100, %jit3A_101 : i32
    %sign3A_103 = arith.constant 0 : i32
    %sign3A_104 = arith.cmpi sgt, %add3A_100, %sign3A_103 : i32
    %sign3A_105 = arith.extui %sign3A_104 : i1 to i32
    %sign3A_106 = arith.constant 0 : i32
    %sign3A_107 = arith.cmpi slt, %add3A_100, %sign3A_106 : i32
    %sign3A_108 = arith.extui %sign3A_107 : i1 to i32
    %sign3A_109 = arith.subi %sign3A_105, %sign3A_108 : i32
    %sign3A_110 = arith.constant 0 : i32
    %sign3A_111 = arith.cmpi sgt, %jit3A_101, %sign3A_110 : i32
    %sign3A_112 = arith.extui %sign3A_111 : i1 to i32
    %sign3A_113 = arith.constant 0 : i32
    %sign3A_114 = arith.cmpi slt, %jit3A_101, %sign3A_113 : i32
    %sign3A_115 = arith.extui %sign3A_114 : i1 to i32
    %sign3A_116 = arith.subi %sign3A_112, %sign3A_115 : i32
    %ne3A_117 = arith.cmpi ne, %sign3A_109, %sign3A_116 : i32
    %rem3A_118 = arith.remsi %add3A_100, %jit3A_101 : i32
    %ne3A_119 = arith.constant 0 : i32
    %ne3A_120 = arith.cmpi ne, %rem3A_118, %ne3A_119 : i32
    %and3A_121 = arith.andi %ne3A_117, %ne3A_120 : i1
    %sub3A_122 = arith.constant 1 : i32
    %sub3A_123 = arith.subi %div3A_102, %sub3A_122 : i32
    %select_n3A_124 = arith.select %and3A_121, %sub3A_123, %div3A_102 : i32
    %jit3A_125 = arith.constant 12 : i32
    %eq3A_126 = arith.constant 0 : i32
    %eq3A_127 = arith.cmpi eq, %jit3A_125, %eq3A_126 : i32
    %jit3A_128 = arith.constant 1 : i32
    %select_n3A_129 = arith.select %eq3A_127, %jit3A_128, %jit3A_125 : i32
    %rem3A_130 = arith.remsi %add3A_100, %select_n3A_129 : i32
    %ne3A_131 = arith.constant 0 : i32
    %ne3A_132 = arith.cmpi ne, %rem3A_130, %ne3A_131 : i32
    %lt3A_133 = arith.constant 0 : i32
    %lt3A_134 = arith.cmpi slt, %rem3A_130, %lt3A_133 : i32
    %lt3A_135 = arith.constant 0 : i32
    %lt3A_136 = arith.cmpi slt, %select_n3A_129, %lt3A_135 : i32
    %ne3A_137 = arith.xori %lt3A_134, %lt3A_136 : i1
    %and3A_138 = arith.andi %ne3A_137, %ne3A_132 : i1
    %add3A_139 = arith.addi %rem3A_130, %select_n3A_129 : i32
    %select_n3A_140 = arith.select %and3A_138, %add3A_139, %rem3A_130 : i32
    %mul3A_141 = arith.constant 8 : i32
    %mul3A_142 = arith.muli %select_n3A_140, %mul3A_141 : i32
    %multiple_of3A_143 = tpu.assume_multiple %mul3A_142, 8 : i32
    "tpu.region"() ({
      %run_scoped3A = tpu.sem_alloc : memref<!tpu.dma_semaphore, #tpu.memory_space<semaphore_mem>>
      %dma_start3A_174 = arith.constant 0 : i32
      %dma_start3A_175 = tpu.memref_slice %arg2[%multiple_of3A_143, %dma_start3A_174] : memref<100x4096xi32, #tpu.memory_space<hbm>> -> memref<8x4096xi32, #tpu.memory_space<hbm>>
      %dma_start3A_176 = arith.constant 0 : i32
      %dma_start3A_177 = tpu.memref_slice %arg2[%multiple_of3A_143, %dma_start3A_176] : memref<100x4096xi32, #tpu.memory_space<hbm>> -> memref<8x4096xi32, #tpu.memory_space<hbm>>
      tpu.enqueue_dma source(%dma_start3A_177 : memref<8x4096xi32, #tpu.memory_space<hbm>>) target(%arg6 : memref<8x4096xi32, #tpu.memory_space<vmem>>) target_semaphore(%run_scoped3A : memref<!tpu.dma_semaphore, #tpu.memory_space<semaphore_mem>>)
      %dma_wait3A_178 = arith.constant 0 : i32
      %dma_wait3A_179 = tpu.memref_slice %arg2[%multiple_of3A_143, %dma_wait3A_178] : memref<100x4096xi32, #tpu.memory_space<hbm>> -> memref<8x4096xi32, #tpu.memory_space<hbm>>
      %dma_wait3A_180 = arith.constant 0 : i32
      %dma_wait3A_181 = tpu.memref_slice %arg2[%multiple_of3A_143, %dma_wait3A_180] : memref<100x4096xi32, #tpu.memory_space<hbm>> -> memref<8x4096xi32, #tpu.memory_space<hbm>>
      tpu.wait_dma2 semaphore(%run_scoped3A : memref<!tpu.dma_semaphore, #tpu.memory_space<semaphore_mem>>) src(%dma_wait3A_181 : memref<8x4096xi32, #tpu.memory_space<hbm>>) dst(%arg6 : memref<8x4096xi32, #tpu.memory_space<vmem>>)
      tpu.yield
    }) : () -> ()
    %parallel_loop3A_144 = arith.constant 0 : i32
    %parallel_loop3A_145 = arith.constant 256 : i32
    %parallel_loop3A_146 = arith.constant 1 : i32
    scf.for %parallel_loop3A_174 = %parallel_loop3A_144 to %parallel_loop3A_145 step %parallel_loop3A_146  : i32 {
      %parallel_loop3A_175 = arith.constant 16 : i32
      %parallel_loop3A_176 = arith.muli %parallel_loop3A_174, %parallel_loop3A_175 : i32
      %parallel_loop3A_177 = arith.constant 0 : i32
      %parallel_loop3A_178 = arith.index_cast %parallel_loop3A_177 : i32 to index
      %parallel_loop3A_179 = arith.index_cast %parallel_loop3A_176 : i32 to index
      %parallel_loop3A_180 = tpu.vector_load %arg6[%parallel_loop3A_178, %parallel_loop3A_179] {strides = array<i32>} : memref<8x4096xi32, #tpu.memory_space<vmem>>, vector<16xi32>,
      %parallel_loop3A_181 = arith.constant 100 : i32
      %parallel_loop3A_182 = arith.muli %select_n3A_124, %parallel_loop3A_181 : i32
      %parallel_loop3A_183 = vector.broadcast %parallel_loop3A_182 : i32 to vector<16xi32>
      %parallel_loop3A_184 = arith.addi %parallel_loop3A_180, %parallel_loop3A_183 : vector<16xi32>
      %parallel_loop3A_185 = tpu.vector_load_idx %arg5[%parallel_loop3A_184] : memref<1000xf32, #tpu.memory_space<vmem>>[vector<16xi32>], vector<16xf32>,
      %parallel_loop3A_186 = arith.constant 16 : i32
      %parallel_loop3A_187 = arith.muli %parallel_loop3A_174, %parallel_loop3A_186 : i32
      %parallel_loop3A_188 = arith.constant 0 : i32
      %parallel_loop3A_189 = arith.index_cast %parallel_loop3A_188 : i32 to index
      %parallel_loop3A_190 = arith.index_cast %parallel_loop3A_187 : i32 to index
      %parallel_loop3A_191 = tpu.vector_load %arg7[%parallel_loop3A_189, %parallel_loop3A_190] {strides = array<i32>} : memref<8x4096xf32, #tpu.memory_space<vmem>>, vector<16xf32>,
      tpu.vector_store %arg7[%parallel_loop3A_189, %parallel_loop3A_190], %parallel_loop3A_185 {strides = array<i32>} : memref<8x4096xf32, #tpu.memory_space<vmem>>, vector<16xf32>,
      %parallel_loop3A_192 = arith.constant 16 : i32
      %parallel_loop3A_193 = arith.muli %parallel_loop3A_174, %parallel_loop3A_192 : i32
      %parallel_loop3A_194 = arith.constant 1 : i32
      %parallel_loop3A_195 = arith.index_cast %parallel_loop3A_194 : i32 to index
      %parallel_loop3A_196 = arith.index_cast %parallel_loop3A_193 : i32 to index
      %parallel_loop3A_197 = tpu.vector_load %arg6[%parallel_loop3A_195, %parallel_loop3A_196] {strides = array<i32>} : memref<8x4096xi32, #tpu.memory_space<vmem>>, vector<16xi32>,
      %parallel_loop3A_198 = arith.constant 100 : i32
      %parallel_loop3A_199 = arith.muli %select_n3A_124, %parallel_loop3A_198 : i32
      %parallel_loop3A_200 = vector.broadcast %parallel_loop3A_199 : i32 to vector<16xi32>
      %parallel_loop3A_201 = arith.addi %parallel_loop3A_197, %parallel_loop3A_200 : vector<16xi32>
      %parallel_loop3A_202 = tpu.vector_load_idx %arg5[%parallel_loop3A_201] : memref<1000xf32, #tpu.memory_space<vmem>>[vector<16xi32>], vector<16xf32>,
      %parallel_loop3A_203 = arith.constant 16 : i32
      %parallel_loop3A_204 = arith.muli %parallel_loop3A_174, %parallel_loop3A_203 : i32
      %parallel_loop3A_205 = arith.constant 1 : i32
      %parallel_loop3A_206 = arith.index_cast %parallel_loop3A_205 : i32 to index
      %parallel_loop3A_207 = arith.index_cast %parallel_loop3A_204 : i32 to index
      %parallel_loop3A_208 = tpu.vector_load %arg7[%parallel_loop3A_206, %parallel_loop3A_207] {strides = array<i32>} : memref<8x4096xf32, #tpu.memory_space<vmem>>, vector<16xf32>,
      tpu.vector_store %arg7[%parallel_loop3A_206, %parallel_loop3A_207], %parallel_loop3A_202 {strides = array<i32>} : memref<8x4096xf32, #tpu.memory_space<vmem>>, vector<16xf32>,
      %parallel_loop3A_209 = arith.constant 16 : i32
      %parallel_loop3A_210 = arith.muli %parallel_loop3A_174, %parallel_loop3A_209 : i32
      %parallel_loop3A_211 = arith.constant 2 : i32
      %parallel_loop3A_212 = arith.index_cast %parallel_loop3A_211 : i32 to index
      %parallel_loop3A_213 = arith.index_cast %parallel_loop3A_210 : i32 to index
      %parallel_loop3A_214 = tpu.vector_load %arg6[%parallel_loop3A_212, %parallel_loop3A_213] {strides = array<i32>} : memref<8x4096xi32, #tpu.memory_space<vmem>>, vector<16xi32>,
      %parallel_loop3A_215 = arith.constant 100 : i32
      %parallel_loop3A_216 = arith.muli %select_n3A_124, %parallel_loop3A_215 : i32
      %parallel_loop3A_217 = vector.broadcast %parallel_loop3A_216 : i32 to vector<16xi32>
      %parallel_loop3A_218 = arith.addi %parallel_loop3A_214, %parallel_loop3A_217 : vector<16xi32>
      %parallel_loop3A_219 = tpu.vector_load_idx %arg5[%parallel_loop3A_218] : memref<1000xf32, #tpu.memory_space<vmem>>[vector<16xi32>], vector<16xf32>,
      %parallel_loop3A_220 = arith.constant 16 : i32
      %parallel_loop3A_221 = arith.muli %parallel_loop3A_174, %parallel_loop3A_220 : i32
      %parallel_loop3A_222 = arith.constant 2 : i32
      %parallel_loop3A_223 = arith.index_cast %parallel_loop3A_222 : i32 to index
      %parallel_loop3A_224 = arith.index_cast %parallel_loop3A_221 : i32 to index
      %parallel_loop3A_225 = tpu.vector_load %arg7[%parallel_loop3A_223, %parallel_loop3A_224] {strides = array<i32>} : memref<8x4096xf32, #tpu.memory_space<vmem>>, vector<16xf32>,
      tpu.vector_store %arg7[%parallel_loop3A_223, %parallel_loop3A_224], %parallel_loop3A_219 {strides = array<i32>} : memref<8x4096xf32, #tpu.memory_space<vmem>>, vector<16xf32>,
      %parallel_loop3A_226 = arith.constant 16 : i32
      %parallel_loop3A_227 = arith.muli %parallel_loop3A_174, %parallel_loop3A_226 : i32
      %parallel_loop3A_228 = arith.constant 3 : i32
      %parallel_loop3A_229 = arith.index_cast %parallel_loop3A_228 : i32 to index
      %parallel_loop3A_230 = arith.index_cast %parallel_loop3A_227 : i32 to index
      %parallel_loop3A_231 = tpu.vector_load %arg6[%parallel_loop3A_229, %parallel_loop3A_230] {strides = array<i32>} : memref<8x4096xi32, #tpu.memory_space<vmem>>, vector<16xi32>,
      %parallel_loop3A_232 = arith.constant 100 : i32
      %parallel_loop3A_233 = arith.muli %select_n3A_124, %parallel_loop3A_232 : i32
      %parallel_loop3A_234 = vector.broadcast %parallel_loop3A_233 : i32 to vector<16xi32>
      %parallel_loop3A_235 = arith.addi %parallel_loop3A_231, %parallel_loop3A_234 : vector<16xi32>
      %parallel_loop3A_236 = tpu.vector_load_idx %arg5[%parallel_loop3A_235] : memref<1000xf32, #tpu.memory_space<vmem>>[vector<16xi32>], vector<16xf32>,
      %parallel_loop3A_237 = arith.constant 16 : i32
      %parallel_loop3A_238 = arith.muli %parallel_loop3A_174, %parallel_loop3A_237 : i32
      %parallel_loop3A_239 = arith.constant 3 : i32
      %parallel_loop3A_240 = arith.index_cast %parallel_loop3A_239 : i32 to index
      %parallel_loop3A_241 = arith.index_cast %parallel_loop3A_238 : i32 to index
      %parallel_loop3A_242 = tpu.vector_load %arg7[%parallel_loop3A_240, %parallel_loop3A_241] {strides = array<i32>} : memref<8x4096xf32, #tpu.memory_space<vmem>>, vector<16xf32>,
      tpu.vector_store %arg7[%parallel_loop3A_240, %parallel_loop3A_241], %parallel_loop3A_236 {strides = array<i32>} : memref<8x4096xf32, #tpu.memory_space<vmem>>, vector<16xf32>,
      %parallel_loop3A_243 = arith.constant 16 : i32
      %parallel_loop3A_244 = arith.muli %parallel_loop3A_174, %parallel_loop3A_243 : i32
      %parallel_loop3A_245 = arith.constant 4 : i32
      %parallel_loop3A_246 = arith.index_cast %parallel_loop3A_245 : i32 to index
      %parallel_loop3A_247 = arith.index_cast %parallel_loop3A_244 : i32 to index
      %parallel_loop3A_248 = tpu.vector_load %arg6[%parallel_loop3A_246, %parallel_loop3A_247] {strides = array<i32>} : memref<8x4096xi32, #tpu.memory_space<vmem>>, vector<16xi32>,
      %parallel_loop3A_249 = arith.constant 100 : i32
      %parallel_loop3A_250 = arith.muli %select_n3A_124, %parallel_loop3A_249 : i32
      %parallel_loop3A_251 = vector.broadcast %parallel_loop3A_250 : i32 to vector<16xi32>
      %parallel_loop3A_252 = arith.addi %parallel_loop3A_248, %parallel_loop3A_251 : vector<16xi32>
      %parallel_loop3A_253 = tpu.vector_load_idx %arg5[%parallel_loop3A_252] : memref<1000xf32, #tpu.memory_space<vmem>>[vector<16xi32>], vector<16xf32>,
      %parallel_loop3A_254 = arith.constant 16 : i32
      %parallel_loop3A_255 = arith.muli %parallel_loop3A_174, %parallel_loop3A_254 : i32
      %parallel_loop3A_256 = arith.constant 4 : i32
      %parallel_loop3A_257 = arith.index_cast %parallel_loop3A_256 : i32 to index
      %parallel_loop3A_258 = arith.index_cast %parallel_loop3A_255 : i32 to index
      %parallel_loop3A_259 = tpu.vector_load %arg7[%parallel_loop3A_257, %parallel_loop3A_258] {strides = array<i32>} : memref<8x4096xf32, #tpu.memory_space<vmem>>, vector<16xf32>,
      tpu.vector_store %arg7[%parallel_loop3A_257, %parallel_loop3A_258], %parallel_loop3A_253 {strides = array<i32>} : memref<8x4096xf32, #tpu.memory_space<vmem>>, vector<16xf32>,
      %parallel_loop3A_260 = arith.constant 16 : i32
      %parallel_loop3A_261 = arith.muli %parallel_loop3A_174, %parallel_loop3A_260 : i32
      %parallel_loop3A_262 = arith.constant 5 : i32
      %parallel_loop3A_263 = arith.index_cast %parallel_loop3A_262 : i32 to index
      %parallel_loop3A_264 = arith.index_cast %parallel_loop3A_261 : i32 to index
      %parallel_loop3A_265 = tpu.vector_load %arg6[%parallel_loop3A_263, %parallel_loop3A_264] {strides = array<i32>} : memref<8x4096xi32, #tpu.memory_space<vmem>>, vector<16xi32>,
      %parallel_loop3A_266 = arith.constant 100 : i32
      %parallel_loop3A_267 = arith.muli %select_n3A_124, %parallel_loop3A_266 : i32
      %parallel_loop3A_268 = vector.broadcast %parallel_loop3A_267 : i32 to vector<16xi32>
      %parallel_loop3A_269 = arith.addi %parallel_loop3A_265, %parallel_loop3A_268 : vector<16xi32>
      %parallel_loop3A_270 = tpu.vector_load_idx %arg5[%parallel_loop3A_269] : memref<1000xf32, #tpu.memory_space<vmem>>[vector<16xi32>], vector<16xf32>,
      %parallel_loop3A_271 = arith.constant 16 : i32
      %parallel_loop3A_272 = arith.muli %parallel_loop3A_174, %parallel_loop3A_271 : i32
      %parallel_loop3A_273 = arith.constant 5 : i32
      %parallel_loop3A_274 = arith.index_cast %parallel_loop3A_273 : i32 to index
      %parallel_loop3A_275 = arith.index_cast %parallel_loop3A_272 : i32 to index
      %parallel_loop3A_276 = tpu.vector_load %arg7[%parallel_loop3A_274, %parallel_loop3A_275] {strides = array<i32>} : memref<8x4096xf32, #tpu.memory_space<vmem>>, vector<16xf32>,
      tpu.vector_store %arg7[%parallel_loop3A_274, %parallel_loop3A_275], %parallel_loop3A_270 {strides = array<i32>} : memref<8x4096xf32, #tpu.memory_space<vmem>>, vector<16xf32>,
      %parallel_loop3A_277 = arith.constant 16 : i32
      %parallel_loop3A_278 = arith.muli %parallel_loop3A_174, %parallel_loop3A_277 : i32
      %parallel_loop3A_279 = arith.constant 6 : i32
      %parallel_loop3A_280 = arith.index_cast %parallel_loop3A_279 : i32 to index
      %parallel_loop3A_281 = arith.index_cast %parallel_loop3A_278 : i32 to index
      %parallel_loop3A_282 = tpu.vector_load %arg6[%parallel_loop3A_280, %parallel_loop3A_281] {strides = array<i32>} : memref<8x4096xi32, #tpu.memory_space<vmem>>, vector<16xi32>,
      %parallel_loop3A_283 = arith.constant 100 : i32
      %parallel_loop3A_284 = arith.muli %select_n3A_124, %parallel_loop3A_283 : i32
      %parallel_loop3A_285 = vector.broadcast %parallel_loop3A_284 : i32 to vector<16xi32>
      %parallel_loop3A_286 = arith.addi %parallel_loop3A_282, %parallel_loop3A_285 : vector<16xi32>
      %parallel_loop3A_287 = tpu.vector_load_idx %arg5[%parallel_loop3A_286] : memref<1000xf32, #tpu.memory_space<vmem>>[vector<16xi32>], vector<16xf32>,
      %parallel_loop3A_288 = arith.constant 16 : i32
      %parallel_loop3A_289 = arith.muli %parallel_loop3A_174, %parallel_loop3A_288 : i32
      %parallel_loop3A_290 = arith.constant 6 : i32
      %parallel_loop3A_291 = arith.index_cast %parallel_loop3A_290 : i32 to index
      %parallel_loop3A_292 = arith.index_cast %parallel_loop3A_289 : i32 to index
      %parallel_loop3A_293 = tpu.vector_load %arg7[%parallel_loop3A_291, %parallel_loop3A_292] {strides = array<i32>} : memref<8x4096xf32, #tpu.memory_space<vmem>>, vector<16xf32>,
      tpu.vector_store %arg7[%parallel_loop3A_291, %parallel_loop3A_292], %parallel_loop3A_287 {strides = array<i32>} : memref<8x4096xf32, #tpu.memory_space<vmem>>, vector<16xf32>,
      %parallel_loop3A_294 = arith.constant 16 : i32
      %parallel_loop3A_295 = arith.muli %parallel_loop3A_174, %parallel_loop3A_294 : i32
      %parallel_loop3A_296 = arith.constant 7 : i32
      %parallel_loop3A_297 = arith.index_cast %parallel_loop3A_296 : i32 to index
      %parallel_loop3A_298 = arith.index_cast %parallel_loop3A_295 : i32 to index
      %parallel_loop3A_299 = tpu.vector_load %arg6[%parallel_loop3A_297, %parallel_loop3A_298] {strides = array<i32>} : memref<8x4096xi32, #tpu.memory_space<vmem>>, vector<16xi32>,
      %parallel_loop3A_300 = arith.constant 100 : i32
      %parallel_loop3A_301 = arith.muli %select_n3A_124, %parallel_loop3A_300 : i32
      %parallel_loop3A_302 = vector.broadcast %parallel_loop3A_301 : i32 to vector<16xi32>
      %parallel_loop3A_303 = arith.addi %parallel_loop3A_299, %parallel_loop3A_302 : vector<16xi32>
      %parallel_loop3A_304 = tpu.vector_load_idx %arg5[%parallel_loop3A_303] : memref<1000xf32, #tpu.memory_space<vmem>>[vector<16xi32>], vector<16xf32>,
      %parallel_loop3A_305 = arith.constant 16 : i32
      %parallel_loop3A_306 = arith.muli %parallel_loop3A_174, %parallel_loop3A_305 : i32
      %parallel_loop3A_307 = arith.constant 7 : i32
      %parallel_loop3A_308 = arith.index_cast %parallel_loop3A_307 : i32 to index
      %parallel_loop3A_309 = arith.index_cast %parallel_loop3A_306 : i32 to index
      %parallel_loop3A_310 = tpu.vector_load %arg7[%parallel_loop3A_308, %parallel_loop3A_309] {strides = array<i32>} : memref<8x4096xf32, #tpu.memory_space<vmem>>, vector<16xf32>,
      tpu.vector_store %arg7[%parallel_loop3A_308, %parallel_loop3A_309], %parallel_loop3A_304 {strides = array<i32>} : memref<8x4096xf32, #tpu.memory_space<vmem>>, vector<16xf32>,
    } {sc.loop_unroll_factor = 2 : i64, sc.parallel_access}
    %dma_start3A_147 = arith.constant 0 : i32
    %dma_start3A_148 = tpu.memref_slice %arg4[%select_n3A_124, %multiple_of3A_143, %dma_start3A_147] : memref<10x100x4096xf32, #tpu.memory_space<hbm>> -> memref<1x8x4096xf32, #tpu.memory_space<hbm>>
    %dma_start3A_149 = tpu.memref_squeeze %dma_start3A_148 : memref<1x8x4096xf32, #tpu.memory_space<hbm>> -> memref<8x4096xf32, #tpu.memory_space<hbm>>
    %dma_start3A_150 = arith.constant 0 : i32
    %dma_start3A_151 = tpu.memref_slice %arg4[%select_n3A_124, %multiple_of3A_143, %dma_start3A_150] : memref<10x100x4096xf32, #tpu.memory_space<hbm>> -> memref<1x8x4096xf32, #tpu.memory_space<hbm>>
    %dma_start3A_152 = tpu.memref_squeeze %dma_start3A_151 : memref<1x8x4096xf32, #tpu.memory_space<hbm>> -> memref<8x4096xf32, #tpu.memory_space<hbm>>
    tpu.enqueue_dma source(%arg7 : memref<8x4096xf32, #tpu.memory_space<vmem>>) target(%dma_start3A_152 : memref<8x4096xf32, #tpu.memory_space<hbm>>) target_semaphore(%arg9 : memref<!tpu.dma_semaphore, #tpu.memory_space<semaphore_mem>>)
    %dma_wait3A_153 = arith.constant 0 : i32
    %dma_wait3A_154 = tpu.memref_slice %arg4[%select_n3A_65, %multiple_of3A_84, %dma_wait3A_153] : memref<10x100x4096xf32, #tpu.memory_space<hbm>> -> memref<1x8x4096xf32, #tpu.memory_space<hbm>>
    %dma_wait3A_155 = tpu.memref_squeeze %dma_wait3A_154 : memref<1x8x4096xf32, #tpu.memory_space<hbm>> -> memref<8x4096xf32, #tpu.memory_space<hbm>>
    %dma_wait3A_156 = arith.constant 0 : i32
    %dma_wait3A_157 = tpu.memref_slice %arg4[%select_n3A_65, %multiple_of3A_84, %dma_wait3A_156] : memref<10x100x4096xf32, #tpu.memory_space<hbm>> -> memref<1x8x4096xf32, #tpu.memory_space<hbm>>
    %dma_wait3A_158 = tpu.memref_squeeze %dma_wait3A_157 : memref<1x8x4096xf32, #tpu.memory_space<hbm>> -> memref<8x4096xf32, #tpu.memory_space<hbm>>
    tpu.wait_dma2 semaphore(%arg9 : memref<!tpu.dma_semaphore, #tpu.memory_space<semaphore_mem>>) src(%arg8 : memref<8x4096xf32, #tpu.memory_space<vmem>>) dst(%dma_wait3A_158 : memref<8x4096xf32, #tpu.memory_space<hbm>>)
    %lt3A_159 = arith.constant 24 : i32
    %lt3A_160 = arith.cmpi slt, %add3A, %lt3A_159 : i32
    %convert_element_type3A = arith.extui %lt3A_160 : i1 to i32
    %cond3A = arith.constant 0 : i32
    %cond3A_161 = arith.cmpi ne, %convert_element_type3A, %cond3A : i32
    scf.if %cond3A_161 {
      %add3A_174 = arith.constant 96 : i32
      %add3A_175 = arith.addi %add3A_174, %add3A : i32
      %jit3A_176 = arith.constant 12 : i32
      %div3A_177 = arith.divsi %add3A_175, %jit3A_176 : i32
      %sign3A_178 = arith.constant 0 : i32
      %sign3A_179 = arith.cmpi sgt, %add3A_175, %sign3A_178 : i32
      %sign3A_180 = arith.extui %sign3A_179 : i1 to i32
      %sign3A_181 = arith.constant 0 : i32
      %sign3A_182 = arith.cmpi slt, %add3A_175, %sign3A_181 : i32
      %sign3A_183 = arith.extui %sign3A_182 : i1 to i32
      %sign3A_184 = arith.subi %sign3A_180, %sign3A_183 : i32
      %sign3A_185 = arith.constant 0 : i32
      %sign3A_186 = arith.cmpi sgt, %jit3A_176, %sign3A_185 : i32
      %sign3A_187 = arith.extui %sign3A_186 : i1 to i32
      %sign3A_188 = arith.constant 0 : i32
      %sign3A_189 = arith.cmpi slt, %jit3A_176, %sign3A_188 : i32
      %sign3A_190 = arith.extui %sign3A_189 : i1 to i32
      %sign3A_191 = arith.subi %sign3A_187, %sign3A_190 : i32
      %ne3A_192 = arith.cmpi ne, %sign3A_184, %sign3A_191 : i32
      %rem3A_193 = arith.remsi %add3A_175, %jit3A_176 : i32
      %ne3A_194 = arith.constant 0 : i32
      %ne3A_195 = arith.cmpi ne, %rem3A_193, %ne3A_194 : i32
      %and3A_196 = arith.andi %ne3A_192, %ne3A_195 : i1
      %sub3A_197 = arith.constant 1 : i32
      %sub3A_198 = arith.subi %div3A_177, %sub3A_197 : i32
      %select_n3A_199 = arith.select %and3A_196, %sub3A_198, %div3A_177 : i32
      %jit3A_200 = arith.constant 12 : i32
      %eq3A_201 = arith.constant 0 : i32
      %eq3A_202 = arith.cmpi eq, %jit3A_200, %eq3A_201 : i32
      %jit3A_203 = arith.constant 1 : i32
      %select_n3A_204 = arith.select %eq3A_202, %jit3A_203, %jit3A_200 : i32
      %rem3A_205 = arith.remsi %add3A_175, %select_n3A_204 : i32
      %ne3A_206 = arith.constant 0 : i32
      %ne3A_207 = arith.cmpi ne, %rem3A_205, %ne3A_206 : i32
      %lt3A_208 = arith.constant 0 : i32
      %lt3A_209 = arith.cmpi slt, %rem3A_205, %lt3A_208 : i32
      %lt3A_210 = arith.constant 0 : i32
      %lt3A_211 = arith.cmpi slt, %select_n3A_204, %lt3A_210 : i32
      %ne3A_212 = arith.xori %lt3A_209, %lt3A_211 : i1
      %and3A_213 = arith.andi %ne3A_212, %ne3A_207 : i1
      %add3A_214 = arith.addi %rem3A_205, %select_n3A_204 : i32
      %select_n3A_215 = arith.select %and3A_213, %add3A_214, %rem3A_205 : i32
      %mul3A_216 = arith.constant 8 : i32
      %mul3A_217 = arith.muli %select_n3A_215, %mul3A_216 : i32
      %multiple_of3A_218 = tpu.assume_multiple %mul3A_217, 8 : i32
      "tpu.region"() ({
        %run_scoped3A = tpu.sem_alloc : memref<!tpu.dma_semaphore, #tpu.memory_space<semaphore_mem>>
        %dma_start3A_222 = arith.constant 0 : i32
        %dma_start3A_223 = tpu.memref_slice %arg2[%multiple_of3A_218, %dma_start3A_222] : memref<100x4096xi32, #tpu.memory_space<hbm>> -> memref<8x4096xi32, #tpu.memory_space<hbm>>
        %dma_start3A_224 = arith.constant 0 : i32
        %dma_start3A_225 = tpu.memref_slice %arg2[%multiple_of3A_218, %dma_start3A_224] : memref<100x4096xi32, #tpu.memory_space<hbm>> -> memref<8x4096xi32, #tpu.memory_space<hbm>>
        tpu.enqueue_dma source(%dma_start3A_225 : memref<8x4096xi32, #tpu.memory_space<hbm>>) target(%arg6 : memref<8x4096xi32, #tpu.memory_space<vmem>>) target_semaphore(%run_scoped3A : memref<!tpu.dma_semaphore, #tpu.memory_space<semaphore_mem>>)
        %dma_wait3A_226 = arith.constant 0 : i32
        %dma_wait3A_227 = tpu.memref_slice %arg2[%multiple_of3A_218, %dma_wait3A_226] : memref<100x4096xi32, #tpu.memory_space<hbm>> -> memref<8x4096xi32, #tpu.memory_space<hbm>>
        %dma_wait3A_228 = arith.constant 0 : i32
        %dma_wait3A_229 = tpu.memref_slice %arg2[%multiple_of3A_218, %dma_wait3A_228] : memref<100x4096xi32, #tpu.memory_space<hbm>> -> memref<8x4096xi32, #tpu.memory_space<hbm>>
        tpu.wait_dma2 semaphore(%run_scoped3A : memref<!tpu.dma_semaphore, #tpu.memory_space<semaphore_mem>>) src(%dma_wait3A_229 : memref<8x4096xi32, #tpu.memory_space<hbm>>) dst(%arg6 : memref<8x4096xi32, #tpu.memory_space<vmem>>)
        tpu.yield
      }) : () -> ()
      %parallel_loop3A_219 = arith.constant 0 : i32
      %parallel_loop3A_220 = arith.constant 256 : i32
      %parallel_loop3A_221 = arith.constant 1 : i32
      scf.for %parallel_loop3A_222 = %parallel_loop3A_219 to %parallel_loop3A_220 step %parallel_loop3A_221  : i32 {
        %parallel_loop3A_223 = arith.constant 16 : i32
        %parallel_loop3A_224 = arith.muli %parallel_loop3A_222, %parallel_loop3A_223 : i32
        %parallel_loop3A_225 = arith.constant 0 : i32
        %parallel_loop3A_226 = arith.index_cast %parallel_loop3A_225 : i32 to index
        %parallel_loop3A_227 = arith.index_cast %parallel_loop3A_224 : i32 to index
        %parallel_loop3A_228 = tpu.vector_load %arg6[%parallel_loop3A_226, %parallel_loop3A_227] {strides = array<i32>} : memref<8x4096xi32, #tpu.memory_space<vmem>>, vector<16xi32>,
        %parallel_loop3A_229 = arith.constant 100 : i32
        %parallel_loop3A_230 = arith.muli %select_n3A_199, %parallel_loop3A_229 : i32
        %parallel_loop3A_231 = vector.broadcast %parallel_loop3A_230 : i32 to vector<16xi32>
        %parallel_loop3A_232 = arith.addi %parallel_loop3A_228, %parallel_loop3A_231 : vector<16xi32>
        %parallel_loop3A_233 = tpu.vector_load_idx %arg5[%parallel_loop3A_232] : memref<1000xf32, #tpu.memory_space<vmem>>[vector<16xi32>], vector<16xf32>,
        %parallel_loop3A_234 = arith.constant 16 : i32
        %parallel_loop3A_235 = arith.muli %parallel_loop3A_222, %parallel_loop3A_234 : i32
        %parallel_loop3A_236 = arith.constant 0 : i32
        %parallel_loop3A_237 = arith.index_cast %parallel_loop3A_236 : i32 to index
        %parallel_loop3A_238 = arith.index_cast %parallel_loop3A_235 : i32 to index
        %parallel_loop3A_239 = tpu.vector_load %arg8[%parallel_loop3A_237, %parallel_loop3A_238] {strides = array<i32>} : memref<8x4096xf32, #tpu.memory_space<vmem>>, vector<16xf32>,
        tpu.vector_store %arg8[%parallel_loop3A_237, %parallel_loop3A_238], %parallel_loop3A_233 {strides = array<i32>} : memref<8x4096xf32, #tpu.memory_space<vmem>>, vector<16xf32>,
        %parallel_loop3A_240 = arith.constant 16 : i32
        %parallel_loop3A_241 = arith.muli %parallel_loop3A_222, %parallel_loop3A_240 : i32
        %parallel_loop3A_242 = arith.constant 1 : i32
        %parallel_loop3A_243 = arith.index_cast %parallel_loop3A_242 : i32 to index
        %parallel_loop3A_244 = arith.index_cast %parallel_loop3A_241 : i32 to index
        %parallel_loop3A_245 = tpu.vector_load %arg6[%parallel_loop3A_243, %parallel_loop3A_244] {strides = array<i32>} : memref<8x4096xi32, #tpu.memory_space<vmem>>, vector<16xi32>,
        %parallel_loop3A_246 = arith.constant 100 : i32
        %parallel_loop3A_247 = arith.muli %select_n3A_199, %parallel_loop3A_246 : i32
        %parallel_loop3A_248 = vector.broadcast %parallel_loop3A_247 : i32 to vector<16xi32>
        %parallel_loop3A_249 = arith.addi %parallel_loop3A_245, %parallel_loop3A_248 : vector<16xi32>
        %parallel_loop3A_250 = tpu.vector_load_idx %arg5[%parallel_loop3A_249] : memref<1000xf32, #tpu.memory_space<vmem>>[vector<16xi32>], vector<16xf32>,
        %parallel_loop3A_251 = arith.constant 16 : i32
        %parallel_loop3A_252 = arith.muli %parallel_loop3A_222, %parallel_loop3A_251 : i32
        %parallel_loop3A_253 = arith.constant 1 : i32
        %parallel_loop3A_254 = arith.index_cast %parallel_loop3A_253 : i32 to index
        %parallel_loop3A_255 = arith.index_cast %parallel_loop3A_252 : i32 to index
        %parallel_loop3A_256 = tpu.vector_load %arg8[%parallel_loop3A_254, %parallel_loop3A_255] {strides = array<i32>} : memref<8x4096xf32, #tpu.memory_space<vmem>>, vector<16xf32>,
        tpu.vector_store %arg8[%parallel_loop3A_254, %parallel_loop3A_255], %parallel_loop3A_250 {strides = array<i32>} : memref<8x4096xf32, #tpu.memory_space<vmem>>, vector<16xf32>,
        %parallel_loop3A_257 = arith.constant 16 : i32
        %parallel_loop3A_258 = arith.muli %parallel_loop3A_222, %parallel_loop3A_257 : i32
        %parallel_loop3A_259 = arith.constant 2 : i32
        %parallel_loop3A_260 = arith.index_cast %parallel_loop3A_259 : i32 to index
        %parallel_loop3A_261 = arith.index_cast %parallel_loop3A_258 : i32 to index
        %parallel_loop3A_262 = tpu.vector_load %arg6[%parallel_loop3A_260, %parallel_loop3A_261] {strides = array<i32>} : memref<8x4096xi32, #tpu.memory_space<vmem>>, vector<16xi32>,
        %parallel_loop3A_263 = arith.constant 100 : i32
        %parallel_loop3A_264 = arith.muli %select_n3A_199, %parallel_loop3A_263 : i32
        %parallel_loop3A_265 = vector.broadcast %parallel_loop3A_264 : i32 to vector<16xi32>
        %parallel_loop3A_266 = arith.addi %parallel_loop3A_262, %parallel_loop3A_265 : vector<16xi32>
        %parallel_loop3A_267 = tpu.vector_load_idx %arg5[%parallel_loop3A_266] : memref<1000xf32, #tpu.memory_space<vmem>>[vector<16xi32>], vector<16xf32>,
        %parallel_loop3A_268 = arith.constant 16 : i32
        %parallel_loop3A_269 = arith.muli %parallel_loop3A_222, %parallel_loop3A_268 : i32
        %parallel_loop3A_270 = arith.constant 2 : i32
        %parallel_loop3A_271 = arith.index_cast %parallel_loop3A_270 : i32 to index
        %parallel_loop3A_272 = arith.index_cast %parallel_loop3A_269 : i32 to index
        %parallel_loop3A_273 = tpu.vector_load %arg8[%parallel_loop3A_271, %parallel_loop3A_272] {strides = array<i32>} : memref<8x4096xf32, #tpu.memory_space<vmem>>, vector<16xf32>,
        tpu.vector_store %arg8[%parallel_loop3A_271, %parallel_loop3A_272], %parallel_loop3A_267 {strides = array<i32>} : memref<8x4096xf32, #tpu.memory_space<vmem>>, vector<16xf32>,
        %parallel_loop3A_274 = arith.constant 16 : i32
        %parallel_loop3A_275 = arith.muli %parallel_loop3A_222, %parallel_loop3A_274 : i32
        %parallel_loop3A_276 = arith.constant 3 : i32
        %parallel_loop3A_277 = arith.index_cast %parallel_loop3A_276 : i32 to index
        %parallel_loop3A_278 = arith.index_cast %parallel_loop3A_275 : i32 to index
        %parallel_loop3A_279 = tpu.vector_load %arg6[%parallel_loop3A_277, %parallel_loop3A_278] {strides = array<i32>} : memref<8x4096xi32, #tpu.memory_space<vmem>>, vector<16xi32>,
        %parallel_loop3A_280 = arith.constant 100 : i32
        %parallel_loop3A_281 = arith.muli %select_n3A_199, %parallel_loop3A_280 : i32
        %parallel_loop3A_282 = vector.broadcast %parallel_loop3A_281 : i32 to vector<16xi32>
        %parallel_loop3A_283 = arith.addi %parallel_loop3A_279, %parallel_loop3A_282 : vector<16xi32>
        %parallel_loop3A_284 = tpu.vector_load_idx %arg5[%parallel_loop3A_283] : memref<1000xf32, #tpu.memory_space<vmem>>[vector<16xi32>], vector<16xf32>,
        %parallel_loop3A_285 = arith.constant 16 : i32
        %parallel_loop3A_286 = arith.muli %parallel_loop3A_222, %parallel_loop3A_285 : i32
        %parallel_loop3A_287 = arith.constant 3 : i32
        %parallel_loop3A_288 = arith.index_cast %parallel_loop3A_287 : i32 to index
        %parallel_loop3A_289 = arith.index_cast %parallel_loop3A_286 : i32 to index
        %parallel_loop3A_290 = tpu.vector_load %arg8[%parallel_loop3A_288, %parallel_loop3A_289] {strides = array<i32>} : memref<8x4096xf32, #tpu.memory_space<vmem>>, vector<16xf32>,
        tpu.vector_store %arg8[%parallel_loop3A_288, %parallel_loop3A_289], %parallel_loop3A_284 {strides = array<i32>} : memref<8x4096xf32, #tpu.memory_space<vmem>>, vector<16xf32>,
        %parallel_loop3A_291 = arith.constant 16 : i32
        %parallel_loop3A_292 = arith.muli %parallel_loop3A_222, %parallel_loop3A_291 : i32
        %parallel_loop3A_293 = arith.constant 4 : i32
        %parallel_loop3A_294 = arith.index_cast %parallel_loop3A_293 : i32 to index
        %parallel_loop3A_295 = arith.index_cast %parallel_loop3A_292 : i32 to index
        %parallel_loop3A_296 = tpu.vector_load %arg6[%parallel_loop3A_294, %parallel_loop3A_295] {strides = array<i32>} : memref<8x4096xi32, #tpu.memory_space<vmem>>, vector<16xi32>,
        %parallel_loop3A_297 = arith.constant 100 : i32
        %parallel_loop3A_298 = arith.muli %select_n3A_199, %parallel_loop3A_297 : i32
        %parallel_loop3A_299 = vector.broadcast %parallel_loop3A_298 : i32 to vector<16xi32>
        %parallel_loop3A_300 = arith.addi %parallel_loop3A_296, %parallel_loop3A_299 : vector<16xi32>
        %parallel_loop3A_301 = tpu.vector_load_idx %arg5[%parallel_loop3A_300] : memref<1000xf32, #tpu.memory_space<vmem>>[vector<16xi32>], vector<16xf32>,
        %parallel_loop3A_302 = arith.constant 16 : i32
        %parallel_loop3A_303 = arith.muli %parallel_loop3A_222, %parallel_loop3A_302 : i32
        %parallel_loop3A_304 = arith.constant 4 : i32
        %parallel_loop3A_305 = arith.index_cast %parallel_loop3A_304 : i32 to index
        %parallel_loop3A_306 = arith.index_cast %parallel_loop3A_303 : i32 to index
        %parallel_loop3A_307 = tpu.vector_load %arg8[%parallel_loop3A_305, %parallel_loop3A_306] {strides = array<i32>} : memref<8x4096xf32, #tpu.memory_space<vmem>>, vector<16xf32>,
        tpu.vector_store %arg8[%parallel_loop3A_305, %parallel_loop3A_306], %parallel_loop3A_301 {strides = array<i32>} : memref<8x4096xf32, #tpu.memory_space<vmem>>, vector<16xf32>,
        %parallel_loop3A_308 = arith.constant 16 : i32
        %parallel_loop3A_309 = arith.muli %parallel_loop3A_222, %parallel_loop3A_308 : i32
        %parallel_loop3A_310 = arith.constant 5 : i32
        %parallel_loop3A_311 = arith.index_cast %parallel_loop3A_310 : i32 to index
        %parallel_loop3A_312 = arith.index_cast %parallel_loop3A_309 : i32 to index
        %parallel_loop3A_313 = tpu.vector_load %arg6[%parallel_loop3A_311, %parallel_loop3A_312] {strides = array<i32>} : memref<8x4096xi32, #tpu.memory_space<vmem>>, vector<16xi32>,
        %parallel_loop3A_314 = arith.constant 100 : i32
        %parallel_loop3A_315 = arith.muli %select_n3A_199, %parallel_loop3A_314 : i32
        %parallel_loop3A_316 = vector.broadcast %parallel_loop3A_315 : i32 to vector<16xi32>
        %parallel_loop3A_317 = arith.addi %parallel_loop3A_313, %parallel_loop3A_316 : vector<16xi32>
        %parallel_loop3A_318 = tpu.vector_load_idx %arg5[%parallel_loop3A_317] : memref<1000xf32, #tpu.memory_space<vmem>>[vector<16xi32>], vector<16xf32>,
        %parallel_loop3A_319 = arith.constant 16 : i32
        %parallel_loop3A_320 = arith.muli %parallel_loop3A_222, %parallel_loop3A_319 : i32
        %parallel_loop3A_321 = arith.constant 5 : i32
        %parallel_loop3A_322 = arith.index_cast %parallel_loop3A_321 : i32 to index
        %parallel_loop3A_323 = arith.index_cast %parallel_loop3A_320 : i32 to index
        %parallel_loop3A_324 = tpu.vector_load %arg8[%parallel_loop3A_322, %parallel_loop3A_323] {strides = array<i32>} : memref<8x4096xf32, #tpu.memory_space<vmem>>, vector<16xf32>,
        tpu.vector_store %arg8[%parallel_loop3A_322, %parallel_loop3A_323], %parallel_loop3A_318 {strides = array<i32>} : memref<8x4096xf32, #tpu.memory_space<vmem>>, vector<16xf32>,
        %parallel_loop3A_325 = arith.constant 16 : i32
        %parallel_loop3A_326 = arith.muli %parallel_loop3A_222, %parallel_loop3A_325 : i32
        %parallel_loop3A_327 = arith.constant 6 : i32
        %parallel_loop3A_328 = arith.index_cast %parallel_loop3A_327 : i32 to index
        %parallel_loop3A_329 = arith.index_cast %parallel_loop3A_326 : i32 to index
        %parallel_loop3A_330 = tpu.vector_load %arg6[%parallel_loop3A_328, %parallel_loop3A_329] {strides = array<i32>} : memref<8x4096xi32, #tpu.memory_space<vmem>>, vector<16xi32>,
        %parallel_loop3A_331 = arith.constant 100 : i32
        %parallel_loop3A_332 = arith.muli %select_n3A_199, %parallel_loop3A_331 : i32
        %parallel_loop3A_333 = vector.broadcast %parallel_loop3A_332 : i32 to vector<16xi32>
        %parallel_loop3A_334 = arith.addi %parallel_loop3A_330, %parallel_loop3A_333 : vector<16xi32>
        %parallel_loop3A_335 = tpu.vector_load_idx %arg5[%parallel_loop3A_334] : memref<1000xf32, #tpu.memory_space<vmem>>[vector<16xi32>], vector<16xf32>,
        %parallel_loop3A_336 = arith.constant 16 : i32
        %parallel_loop3A_337 = arith.muli %parallel_loop3A_222, %parallel_loop3A_336 : i32
        %parallel_loop3A_338 = arith.constant 6 : i32
        %parallel_loop3A_339 = arith.index_cast %parallel_loop3A_338 : i32 to index
        %parallel_loop3A_340 = arith.index_cast %parallel_loop3A_337 : i32 to index
        %parallel_loop3A_341 = tpu.vector_load %arg8[%parallel_loop3A_339, %parallel_loop3A_340] {strides = array<i32>} : memref<8x4096xf32, #tpu.memory_space<vmem>>, vector<16xf32>,
        tpu.vector_store %arg8[%parallel_loop3A_339, %parallel_loop3A_340], %parallel_loop3A_335 {strides = array<i32>} : memref<8x4096xf32, #tpu.memory_space<vmem>>, vector<16xf32>,
        %parallel_loop3A_342 = arith.constant 16 : i32
        %parallel_loop3A_343 = arith.muli %parallel_loop3A_222, %parallel_loop3A_342 : i32
        %parallel_loop3A_344 = arith.constant 7 : i32
        %parallel_loop3A_345 = arith.index_cast %parallel_loop3A_344 : i32 to index
        %parallel_loop3A_346 = arith.index_cast %parallel_loop3A_343 : i32 to index
        %parallel_loop3A_347 = tpu.vector_load %arg6[%parallel_loop3A_345, %parallel_loop3A_346] {strides = array<i32>} : memref<8x4096xi32, #tpu.memory_space<vmem>>, vector<16xi32>,
        %parallel_loop3A_348 = arith.constant 100 : i32
        %parallel_loop3A_349 = arith.muli %select_n3A_199, %parallel_loop3A_348 : i32
        %parallel_loop3A_350 = vector.broadcast %parallel_loop3A_349 : i32 to vector<16xi32>
        %parallel_loop3A_351 = arith.addi %parallel_loop3A_347, %parallel_loop3A_350 : vector<16xi32>
        %parallel_loop3A_352 = tpu.vector_load_idx %arg5[%parallel_loop3A_351] : memref<1000xf32, #tpu.memory_space<vmem>>[vector<16xi32>], vector<16xf32>,
        %parallel_loop3A_353 = arith.constant 16 : i32
        %parallel_loop3A_354 = arith.muli %parallel_loop3A_222, %parallel_loop3A_353 : i32
        %parallel_loop3A_355 = arith.constant 7 : i32
        %parallel_loop3A_356 = arith.index_cast %parallel_loop3A_355 : i32 to index
        %parallel_loop3A_357 = arith.index_cast %parallel_loop3A_354 : i32 to index
        %parallel_loop3A_358 = tpu.vector_load %arg8[%parallel_loop3A_356, %parallel_loop3A_357] {strides = array<i32>} : memref<8x4096xf32, #tpu.memory_space<vmem>>, vector<16xf32>,
        tpu.vector_store %arg8[%parallel_loop3A_356, %parallel_loop3A_357], %parallel_loop3A_352 {strides = array<i32>} : memref<8x4096xf32, #tpu.memory_space<vmem>>, vector<16xf32>,
      } {sc.loop_unroll_factor = 2 : i64, sc.parallel_access}
      "tpu.region"() ({
        %run_scoped3A = tpu.sem_alloc : memref<!tpu.dma_semaphore, #tpu.memory_space<semaphore_mem>>
        %dma_start3A_222 = arith.constant 0 : i32
        %dma_start3A_223 = tpu.memref_slice %arg4[%select_n3A_199, %multiple_of3A_218, %dma_start3A_222] : memref<10x100x4096xf32, #tpu.memory_space<hbm>> -> memref<1x8x4096xf32, #tpu.memory_space<hbm>>
        %dma_start3A_224 = tpu.memref_squeeze %dma_start3A_223 : memref<1x8x4096xf32, #tpu.memory_space<hbm>> -> memref<8x4096xf32, #tpu.memory_space<hbm>>
        %dma_start3A_225 = arith.constant 0 : i32
        %dma_start3A_226 = tpu.memref_slice %arg4[%select_n3A_199, %multiple_of3A_218, %dma_start3A_225] : memref<10x100x4096xf32, #tpu.memory_space<hbm>> -> memref<1x8x4096xf32, #tpu.memory_space<hbm>>
        %dma_start3A_227 = tpu.memref_squeeze %dma_start3A_226 : memref<1x8x4096xf32, #tpu.memory_space<hbm>> -> memref<8x4096xf32, #tpu.memory_space<hbm>>
        tpu.enqueue_dma source(%arg8 : memref<8x4096xf32, #tpu.memory_space<vmem>>) target(%dma_start3A_227 : memref<8x4096xf32, #tpu.memory_space<hbm>>) target_semaphore(%run_scoped3A : memref<!tpu.dma_semaphore, #tpu.memory_space<semaphore_mem>>)
        %dma_wait3A_228 = arith.constant 0 : i32
        %dma_wait3A_229 = tpu.memref_slice %arg4[%select_n3A_199, %multiple_of3A_218, %dma_wait3A_228] : memref<10x100x4096xf32, #tpu.memory_space<hbm>> -> memref<1x8x4096xf32, #tpu.memory_space<hbm>>
        %dma_wait3A_230 = tpu.memref_squeeze %dma_wait3A_229 : memref<1x8x4096xf32, #tpu.memory_space<hbm>> -> memref<8x4096xf32, #tpu.memory_space<hbm>>
        %dma_wait3A_231 = arith.constant 0 : i32
        %dma_wait3A_232 = tpu.memref_slice %arg4[%select_n3A_199, %multiple_of3A_218, %dma_wait3A_231] : memref<10x100x4096xf32, #tpu.memory_space<hbm>> -> memref<1x8x4096xf32, #tpu.memory_space<hbm>>
        %dma_wait3A_233 = tpu.memref_squeeze %dma_wait3A_232 : memref<1x8x4096xf32, #tpu.memory_space<hbm>> -> memref<8x4096xf32, #tpu.memory_space<hbm>>
        tpu.wait_dma2 semaphore(%run_scoped3A : memref<!tpu.dma_semaphore, #tpu.memory_space<semaphore_mem>>) src(%arg8 : memref<8x4096xf32, #tpu.memory_space<vmem>>) dst(%dma_wait3A_233 : memref<8x4096xf32, #tpu.memory_space<hbm>>)
        tpu.yield
      }) : () -> ()
    } else {
    }
    %dma_wait3A_162 = arith.constant 0 : i32
    %dma_wait3A_163 = tpu.memref_slice %arg4[%select_n3A_124, %multiple_of3A_143, %dma_wait3A_162] : memref<10x100x4096xf32, #tpu.memory_space<hbm>> -> memref<1x8x4096xf32, #tpu.memory_space<hbm>>
    %dma_wait3A_164 = tpu.memref_squeeze %dma_wait3A_163 : memref<1x8x4096xf32, #tpu.memory_space<hbm>> -> memref<8x4096xf32, #tpu.memory_space<hbm>>
    %dma_wait3A_165 = arith.constant 0 : i32
    %dma_wait3A_166 = tpu.memref_slice %arg4[%select_n3A_124, %multiple_of3A_143, %dma_wait3A_165] : memref<10x100x4096xf32, #tpu.memory_space<hbm>> -> memref<1x8x4096xf32, #tpu.memory_space<hbm>>
    %dma_wait3A_167 = tpu.memref_squeeze %dma_wait3A_166 : memref<1x8x4096xf32, #tpu.memory_space<hbm>> -> memref<8x4096xf32, #tpu.memory_space<hbm>>
    tpu.wait_dma2 semaphore(%arg9 : memref<!tpu.dma_semaphore, #tpu.memory_space<semaphore_mem>>) src(%arg7 : memref<8x4096xf32, #tpu.memory_space<vmem>>) dst(%dma_wait3A_167 : memref<8x4096xf32, #tpu.memory_space<hbm>>)
    %ge3A = arith.constant 24 : i32
    %ge3A_168 = arith.cmpi sge, %add3A, %ge3A : i32
    %lt3A_169 = arith.constant 2 : i32
    %lt3A_170 = arith.cmpi slt, %add3A, %lt3A_169 : i32
    %or3A = arith.ori %ge3A_168, %lt3A_170 : i1
    %convert_element_type3A_171 = arith.extui %or3A : i1 to i32
    %cond3A_172 = arith.constant 0 : i32
    %cond3A_173 = arith.cmpi ne, %convert_element_type3A_171, %cond3A_172 : i32
    scf.if %cond3A_173 {
      %lt3A_174 = arith.constant 2 : i32
      %lt3A_175 = arith.cmpi slt, %add3A, %lt3A_174 : i32
      %add3A_176 = arith.constant 8 : i32
      %add3A_177 = arith.addi %add3A, %add3A_176 : i32
      %sub3A_178 = arith.constant 24 : i32
      %sub3A_179 = arith.subi %add3A, %sub3A_178 : i32
      %select_n3A_180 = arith.select %lt3A_175, %add3A_177, %sub3A_179 : i32
      "tpu.region"() ({
        %run_scoped3A = tpu.sem_alloc : memref<!tpu.dma_semaphore, #tpu.memory_space<semaphore_mem>>
        %dma_start3A_184 = arith.constant 0 : i32
        %dma_start3A_185 = arith.constant 0 : i32
        %dma_start3A_186 = tpu.memref_slice %arg6[%dma_start3A_184, %dma_start3A_185] : memref<8x4096xi32, #tpu.memory_space<vmem>> -> memref<4x4096xi32, #tpu.memory_space<vmem>>
        %dma_start3A_187 = arith.constant 96 : i32
        %dma_start3A_188 = arith.constant 0 : i32
        %dma_start3A_189 = tpu.memref_slice %arg2[%dma_start3A_187, %dma_start3A_188] : memref<100x4096xi32, #tpu.memory_space<hbm>> -> memref<4x4096xi32, #tpu.memory_space<hbm>>
        %dma_start3A_190 = arith.constant 0 : i32
        %dma_start3A_191 = arith.constant 0 : i32
        %dma_start3A_192 = tpu.memref_slice %arg6[%dma_start3A_190, %dma_start3A_191] : memref<8x4096xi32, #tpu.memory_space<vmem>> -> memref<4x4096xi32, #tpu.memory_space<vmem>>
        %dma_start3A_193 = arith.constant 96 : i32
        %dma_start3A_194 = arith.constant 0 : i32
        %dma_start3A_195 = tpu.memref_slice %arg2[%dma_start3A_193, %dma_start3A_194] : memref<100x4096xi32, #tpu.memory_space<hbm>> -> memref<4x4096xi32, #tpu.memory_space<hbm>>
        tpu.enqueue_dma source(%dma_start3A_195 : memref<4x4096xi32, #tpu.memory_space<hbm>>) target(%dma_start3A_192 : memref<4x4096xi32, #tpu.memory_space<vmem>>) target_semaphore(%run_scoped3A : memref<!tpu.dma_semaphore, #tpu.memory_space<semaphore_mem>>)
        %dma_wait3A_196 = arith.constant 0 : i32
        %dma_wait3A_197 = arith.constant 0 : i32
        %dma_wait3A_198 = tpu.memref_slice %arg6[%dma_wait3A_196, %dma_wait3A_197] : memref<8x4096xi32, #tpu.memory_space<vmem>> -> memref<4x4096xi32, #tpu.memory_space<vmem>>
        %dma_wait3A_199 = arith.constant 96 : i32
        %dma_wait3A_200 = arith.constant 0 : i32
        %dma_wait3A_201 = tpu.memref_slice %arg2[%dma_wait3A_199, %dma_wait3A_200] : memref<100x4096xi32, #tpu.memory_space<hbm>> -> memref<4x4096xi32, #tpu.memory_space<hbm>>
        %dma_wait3A_202 = arith.constant 0 : i32
        %dma_wait3A_203 = arith.constant 0 : i32
        %dma_wait3A_204 = tpu.memref_slice %arg6[%dma_wait3A_202, %dma_wait3A_203] : memref<8x4096xi32, #tpu.memory_space<vmem>> -> memref<4x4096xi32, #tpu.memory_space<vmem>>
        %dma_wait3A_205 = arith.constant 96 : i32
        %dma_wait3A_206 = arith.constant 0 : i32
        %dma_wait3A_207 = tpu.memref_slice %arg2[%dma_wait3A_205, %dma_wait3A_206] : memref<100x4096xi32, #tpu.memory_space<hbm>> -> memref<4x4096xi32, #tpu.memory_space<hbm>>
        tpu.wait_dma2 semaphore(%run_scoped3A : memref<!tpu.dma_semaphore, #tpu.memory_space<semaphore_mem>>) src(%dma_wait3A_207 : memref<4x4096xi32, #tpu.memory_space<hbm>>) dst(%dma_wait3A_204 : memref<4x4096xi32, #tpu.memory_space<vmem>>)
        tpu.yield
      }) : () -> ()
      %parallel_loop3A_181 = arith.constant 0 : i32
      %parallel_loop3A_182 = arith.constant 256 : i32
      %parallel_loop3A_183 = arith.constant 1 : i32
      scf.for %parallel_loop3A_184 = %parallel_loop3A_181 to %parallel_loop3A_182 step %parallel_loop3A_183  : i32 {
        %parallel_loop3A_185 = arith.constant 16 : i32
        %parallel_loop3A_186 = arith.muli %parallel_loop3A_184, %parallel_loop3A_185 : i32
        %parallel_loop3A_187 = arith.constant 0 : i32
        %parallel_loop3A_188 = arith.index_cast %parallel_loop3A_187 : i32 to index
        %parallel_loop3A_189 = arith.index_cast %parallel_loop3A_186 : i32 to index
        %parallel_loop3A_190 = tpu.vector_load %arg6[%parallel_loop3A_188, %parallel_loop3A_189] {strides = array<i32>} : memref<8x4096xi32, #tpu.memory_space<vmem>>, vector<16xi32>,
        %parallel_loop3A_191 = arith.constant 100 : i32
        %parallel_loop3A_192 = arith.muli %select_n3A_180, %parallel_loop3A_191 : i32
        %parallel_loop3A_193 = vector.broadcast %parallel_loop3A_192 : i32 to vector<16xi32>
        %parallel_loop3A_194 = arith.addi %parallel_loop3A_190, %parallel_loop3A_193 : vector<16xi32>
        %parallel_loop3A_195 = tpu.vector_load_idx %arg5[%parallel_loop3A_194] : memref<1000xf32, #tpu.memory_space<vmem>>[vector<16xi32>], vector<16xf32>,
        %parallel_loop3A_196 = arith.constant 16 : i32
        %parallel_loop3A_197 = arith.muli %parallel_loop3A_184, %parallel_loop3A_196 : i32
        %parallel_loop3A_198 = arith.constant 0 : i32
        %parallel_loop3A_199 = arith.index_cast %parallel_loop3A_198 : i32 to index
        %parallel_loop3A_200 = arith.index_cast %parallel_loop3A_197 : i32 to index
        %parallel_loop3A_201 = tpu.vector_load %arg7[%parallel_loop3A_199, %parallel_loop3A_200] {strides = array<i32>} : memref<8x4096xf32, #tpu.memory_space<vmem>>, vector<16xf32>,
        tpu.vector_store %arg7[%parallel_loop3A_199, %parallel_loop3A_200], %parallel_loop3A_195 {strides = array<i32>} : memref<8x4096xf32, #tpu.memory_space<vmem>>, vector<16xf32>,
        %parallel_loop3A_202 = arith.constant 16 : i32
        %parallel_loop3A_203 = arith.muli %parallel_loop3A_184, %parallel_loop3A_202 : i32
        %parallel_loop3A_204 = arith.constant 1 : i32
        %parallel_loop3A_205 = arith.index_cast %parallel_loop3A_204 : i32 to index
        %parallel_loop3A_206 = arith.index_cast %parallel_loop3A_203 : i32 to index
        %parallel_loop3A_207 = tpu.vector_load %arg6[%parallel_loop3A_205, %parallel_loop3A_206] {strides = array<i32>} : memref<8x4096xi32, #tpu.memory_space<vmem>>, vector<16xi32>,
        %parallel_loop3A_208 = arith.constant 100 : i32
        %parallel_loop3A_209 = arith.muli %select_n3A_180, %parallel_loop3A_208 : i32
        %parallel_loop3A_210 = vector.broadcast %parallel_loop3A_209 : i32 to vector<16xi32>
        %parallel_loop3A_211 = arith.addi %parallel_loop3A_207, %parallel_loop3A_210 : vector<16xi32>
        %parallel_loop3A_212 = tpu.vector_load_idx %arg5[%parallel_loop3A_211] : memref<1000xf32, #tpu.memory_space<vmem>>[vector<16xi32>], vector<16xf32>,
        %parallel_loop3A_213 = arith.constant 16 : i32
        %parallel_loop3A_214 = arith.muli %parallel_loop3A_184, %parallel_loop3A_213 : i32
        %parallel_loop3A_215 = arith.constant 1 : i32
        %parallel_loop3A_216 = arith.index_cast %parallel_loop3A_215 : i32 to index
        %parallel_loop3A_217 = arith.index_cast %parallel_loop3A_214 : i32 to index
        %parallel_loop3A_218 = tpu.vector_load %arg7[%parallel_loop3A_216, %parallel_loop3A_217] {strides = array<i32>} : memref<8x4096xf32, #tpu.memory_space<vmem>>, vector<16xf32>,
        tpu.vector_store %arg7[%parallel_loop3A_216, %parallel_loop3A_217], %parallel_loop3A_212 {strides = array<i32>} : memref<8x4096xf32, #tpu.memory_space<vmem>>, vector<16xf32>,
        %parallel_loop3A_219 = arith.constant 16 : i32
        %parallel_loop3A_220 = arith.muli %parallel_loop3A_184, %parallel_loop3A_219 : i32
        %parallel_loop3A_221 = arith.constant 2 : i32
        %parallel_loop3A_222 = arith.index_cast %parallel_loop3A_221 : i32 to index
        %parallel_loop3A_223 = arith.index_cast %parallel_loop3A_220 : i32 to index
        %parallel_loop3A_224 = tpu.vector_load %arg6[%parallel_loop3A_222, %parallel_loop3A_223] {strides = array<i32>} : memref<8x4096xi32, #tpu.memory_space<vmem>>, vector<16xi32>,
        %parallel_loop3A_225 = arith.constant 100 : i32
        %parallel_loop3A_226 = arith.muli %select_n3A_180, %parallel_loop3A_225 : i32
        %parallel_loop3A_227 = vector.broadcast %parallel_loop3A_226 : i32 to vector<16xi32>
        %parallel_loop3A_228 = arith.addi %parallel_loop3A_224, %parallel_loop3A_227 : vector<16xi32>
        %parallel_loop3A_229 = tpu.vector_load_idx %arg5[%parallel_loop3A_228] : memref<1000xf32, #tpu.memory_space<vmem>>[vector<16xi32>], vector<16xf32>,
        %parallel_loop3A_230 = arith.constant 16 : i32
        %parallel_loop3A_231 = arith.muli %parallel_loop3A_184, %parallel_loop3A_230 : i32
        %parallel_loop3A_232 = arith.constant 2 : i32
        %parallel_loop3A_233 = arith.index_cast %parallel_loop3A_232 : i32 to index
        %parallel_loop3A_234 = arith.index_cast %parallel_loop3A_231 : i32 to index
        %parallel_loop3A_235 = tpu.vector_load %arg7[%parallel_loop3A_233, %parallel_loop3A_234] {strides = array<i32>} : memref<8x4096xf32, #tpu.memory_space<vmem>>, vector<16xf32>,
        tpu.vector_store %arg7[%parallel_loop3A_233, %parallel_loop3A_234], %parallel_loop3A_229 {strides = array<i32>} : memref<8x4096xf32, #tpu.memory_space<vmem>>, vector<16xf32>,
        %parallel_loop3A_236 = arith.constant 16 : i32
        %parallel_loop3A_237 = arith.muli %parallel_loop3A_184, %parallel_loop3A_236 : i32
        %parallel_loop3A_238 = arith.constant 3 : i32
        %parallel_loop3A_239 = arith.index_cast %parallel_loop3A_238 : i32 to index
        %parallel_loop3A_240 = arith.index_cast %parallel_loop3A_237 : i32 to index
        %parallel_loop3A_241 = tpu.vector_load %arg6[%parallel_loop3A_239, %parallel_loop3A_240] {strides = array<i32>} : memref<8x4096xi32, #tpu.memory_space<vmem>>, vector<16xi32>,
        %parallel_loop3A_242 = arith.constant 100 : i32
        %parallel_loop3A_243 = arith.muli %select_n3A_180, %parallel_loop3A_242 : i32
        %parallel_loop3A_244 = vector.broadcast %parallel_loop3A_243 : i32 to vector<16xi32>
        %parallel_loop3A_245 = arith.addi %parallel_loop3A_241, %parallel_loop3A_244 : vector<16xi32>
        %parallel_loop3A_246 = tpu.vector_load_idx %arg5[%parallel_loop3A_245] : memref<1000xf32, #tpu.memory_space<vmem>>[vector<16xi32>], vector<16xf32>,
        %parallel_loop3A_247 = arith.constant 16 : i32
        %parallel_loop3A_248 = arith.muli %parallel_loop3A_184, %parallel_loop3A_247 : i32
        %parallel_loop3A_249 = arith.constant 3 : i32
        %parallel_loop3A_250 = arith.index_cast %parallel_loop3A_249 : i32 to index
        %parallel_loop3A_251 = arith.index_cast %parallel_loop3A_248 : i32 to index
        %parallel_loop3A_252 = tpu.vector_load %arg7[%parallel_loop3A_250, %parallel_loop3A_251] {strides = array<i32>} : memref<8x4096xf32, #tpu.memory_space<vmem>>, vector<16xf32>,
        tpu.vector_store %arg7[%parallel_loop3A_250, %parallel_loop3A_251], %parallel_loop3A_246 {strides = array<i32>} : memref<8x4096xf32, #tpu.memory_space<vmem>>, vector<16xf32>,
      } {sc.loop_unroll_factor = 2 : i64, sc.parallel_access}
      "tpu.region"() ({
        %run_scoped3A = tpu.sem_alloc : memref<!tpu.dma_semaphore, #tpu.memory_space<semaphore_mem>>
        %dma_start3A_184 = arith.constant 0 : i32
        %dma_start3A_185 = arith.constant 0 : i32
        %dma_start3A_186 = tpu.memref_slice %arg7[%dma_start3A_184, %dma_start3A_185] : memref<8x4096xf32, #tpu.memory_space<vmem>> -> memref<4x4096xf32, #tpu.memory_space<vmem>>
        %dma_start3A_187 = arith.constant 96 : i32
        %dma_start3A_188 = arith.constant 0 : i32
        %dma_start3A_189 = tpu.memref_slice %arg4[%select_n3A_180, %dma_start3A_187, %dma_start3A_188] : memref<10x100x4096xf32, #tpu.memory_space<hbm>> -> memref<1x4x4096xf32, #tpu.memory_space<hbm>>
        %dma_start3A_190 = tpu.memref_squeeze %dma_start3A_189 : memref<1x4x4096xf32, #tpu.memory_space<hbm>> -> memref<4x4096xf32, #tpu.memory_space<hbm>>
        %dma_start3A_191 = arith.constant 96 : i32
        %dma_start3A_192 = arith.constant 0 : i32
        %dma_start3A_193 = tpu.memref_slice %arg4[%select_n3A_180, %dma_start3A_191, %dma_start3A_192] : memref<10x100x4096xf32, #tpu.memory_space<hbm>> -> memref<1x4x4096xf32, #tpu.memory_space<hbm>>
        %dma_start3A_194 = tpu.memref_squeeze %dma_start3A_193 : memref<1x4x4096xf32, #tpu.memory_space<hbm>> -> memref<4x4096xf32, #tpu.memory_space<hbm>>
        %dma_start3A_195 = arith.constant 0 : i32
        %dma_start3A_196 = arith.constant 0 : i32
        %dma_start3A_197 = tpu.memref_slice %arg7[%dma_start3A_195, %dma_start3A_196] : memref<8x4096xf32, #tpu.memory_space<vmem>> -> memref<4x4096xf32, #tpu.memory_space<vmem>>
        tpu.enqueue_dma source(%dma_start3A_197 : memref<4x4096xf32, #tpu.memory_space<vmem>>) target(%dma_start3A_194 : memref<4x4096xf32, #tpu.memory_space<hbm>>) target_semaphore(%run_scoped3A : memref<!tpu.dma_semaphore, #tpu.memory_space<semaphore_mem>>)
        %dma_wait3A_198 = arith.constant 0 : i32
        %dma_wait3A_199 = arith.constant 0 : i32
        %dma_wait3A_200 = tpu.memref_slice %arg7[%dma_wait3A_198, %dma_wait3A_199] : memref<8x4096xf32, #tpu.memory_space<vmem>> -> memref<4x4096xf32, #tpu.memory_space<vmem>>
        %dma_wait3A_201 = arith.constant 96 : i32
        %dma_wait3A_202 = arith.constant 0 : i32
        %dma_wait3A_203 = tpu.memref_slice %arg4[%select_n3A_180, %dma_wait3A_201, %dma_wait3A_202] : memref<10x100x4096xf32, #tpu.memory_space<hbm>> -> memref<1x4x4096xf32, #tpu.memory_space<hbm>>
        %dma_wait3A_204 = tpu.memref_squeeze %dma_wait3A_203 : memref<1x4x4096xf32, #tpu.memory_space<hbm>> -> memref<4x4096xf32, #tpu.memory_space<hbm>>
        %dma_wait3A_205 = arith.constant 96 : i32
        %dma_wait3A_206 = arith.constant 0 : i32
        %dma_wait3A_207 = tpu.memref_slice %arg4[%select_n3A_180, %dma_wait3A_205, %dma_wait3A_206] : memref<10x100x4096xf32, #tpu.memory_space<hbm>> -> memref<1x4x4096xf32, #tpu.memory_space<hbm>>
        %dma_wait3A_208 = tpu.memref_squeeze %dma_wait3A_207 : memref<1x4x4096xf32, #tpu.memory_space<hbm>> -> memref<4x4096xf32, #tpu.memory_space<hbm>>
        %dma_wait3A_209 = arith.constant 0 : i32
        %dma_wait3A_210 = arith.constant 0 : i32
        %dma_wait3A_211 = tpu.memref_slice %arg7[%dma_wait3A_209, %dma_wait3A_210] : memref<8x4096xf32, #tpu.memory_space<vmem>> -> memref<4x4096xf32, #tpu.memory_space<vmem>>
        tpu.wait_dma2 semaphore(%run_scoped3A : memref<!tpu.dma_semaphore, #tpu.memory_space<semaphore_mem>>) src(%dma_wait3A_211 : memref<4x4096xf32, #tpu.memory_space<vmem>>) dst(%dma_wait3A_208 : memref<4x4096xf32, #tpu.memory_space<hbm>>)
        tpu.yield
      }) : () -> ()
    } else {
    }
    return
  }
}

module attributes {stable_mosaic.version = 14 : i64} {
  func.func @_scale_body(%arg0: memref<4096x128xf32, #tpu.memory_space<vmem>>, %arg1: memref<4096x128xf32, #tpu.memory_space<vmem>>) attributes {dimension_semantics = [], scalar_prefetch = 0 : i64, scratch_operands = 0 : i64, tpu.core_type = #tpu.core_type<tc>} {
    %get3A = arith.constant 0 : index
    %get3A_0 = arith.constant 0 : index
    %get3A_1 = vector.load %arg0[%get3A, %get3A_0] : memref<4096x128xf32, #tpu.memory_space<vmem>>, vector<4096x128xf32>
    %mul3A = arith.constant 5.000000e-01 : f32
    %mul3A_2 = vector.broadcast %mul3A : f32 to vector<4096x128xf32>
    %mul3A_3 = arith.mulf %get3A_1, %mul3A_2 : vector<4096x128xf32>
    %add3A = arith.constant 2.000000e+00 : f32
    %add3A_4 = vector.broadcast %add3A : f32 to vector<4096x128xf32>
    %add3A_5 = arith.addf %mul3A_3, %add3A_4 : vector<4096x128xf32>
    %swap3A = arith.constant 0 : index
    %swap3A_6 = arith.constant 0 : index
    %swap3A_7 = vector.load %arg1[%swap3A, %swap3A_6] : memref<4096x128xf32, #tpu.memory_space<vmem>>, vector<4096x128xf32>
    tpu.vector_store %arg1[%swap3A, %swap3A_6], %add3A_5 {strides = array<i32>} : memref<4096x128xf32, #tpu.memory_space<vmem>>, vector<4096x128xf32>,
    return
  }
}

</mosaic_0001>

<sc_bundles>
// kernel: kernel.4.cloned.1.call-start
scs
__scs_entry_jumppad:
0x0: {  	(pc) =	sbr.rel $0x88, $3  }
0x1: {  	(tag) =	ssettag $0x0;
	lr =	simm.s32 $0x1  }
0x2: {  	[smem:$0x3F9E] =	sst lr;
	_ =	strace $0xD0000000  }
0x3: {  	_ = 	snop  }
0x4: {  	_ = 	snop  }
0x5: {  	_ = 	snop  }
0x6: {  	_ = 	snop  }
0x7: {  	_ = 	snop  }
__scs_overlays_trampoline_lowered:
0x8: {  	[smem:$0x3FAD] =	sst s0  }
0x9: {  	[smem:$0x3FAE] =	sst s1  }
0xa: {  	[smem:$0x3FAF] =	sst s2  }
0xb: {  	[smem:$0x3FB0] =	sst s3  }
0xc: {  	[smem:$0x3FB1] =	sst s4  }
0xd: {  	[smem:$0x3FB2] =	sst s5  }
0xe: {  	[smem:$0x3FB3] =	sst s6  }
0xf: {  	[smem:$0x3FB4] =	sst s7  }
0x10: {  	[smem:$0x3FB5] =	sst s8  }
0x11: {  	[smem:$0x3FB6] =	sst s9;
	s0 =	simm.s32 @!p0 $0x0  }
0x12: {  	s1 =	sld [smem:$0x3F9C];
	s0 =	simm.s32 @p0 $0x1  }
0x13: {  	[smem:$0x3FB7] =	sst s0;
	s0 =	simm.s32 @!p1 $0x0  }
0x14: {  	s2 =	sld [smem:$0x3F9B];
	s0 =	simm.s32 @p1 $0x1  }
0x15: {  	[smem:$0x3FB8] =	sst s0;
	s0 =	simm.s32 @!p2 $0x0  }
0x16: {  	s3 =	sld [smem:$0x3FDB];
	s0 =	simm.s32 @p2 $0x1  }
0x17: {  	s4 =	simm.s32 $0x1BF5;
	[smem:$0x3FBA] =	sst s0  }
0x18: {  	s0 =	sld [smem:$0x3F9D];
	_ =	swait.ge [sflag:s4], $0x0  }
0x19: {  	s7 =	sld [smem:$0x3F9E]  }
0x1a: {  	s8 =	sadd.s32 $0xFFFFE003, lr  }
0x1b: {  	s9 =	sadd.s32 $0xFFFFFEF7, lr;
	s5 =	simm.s32 $0xFFFFFFFF;
	p2 =	slt.u32 s8, $0xFFFFF086  }
0x1c: {  	p1 =	slt.u32 s9, $0xF7A;
	s5 =	simm.s32 @!p2 $0x0  }
0x1d: {  	s5 =	simm.s32 @p1 $0x1;
	p0 =	seq.s32 s7, s2  }
0x1e: {  	s7 =	smul.u32 @!p0 $0xF7A, s2;
	p2 =	seq.s32 @!p0 s5, $0x0  }
0x1f: {  	s9 =	smul.u32 $0xF7A, s1;
	s8 =	simm.s32 @!p0 $0x1BF5;
	p2 =	por !p2, p0  }
0x20: {  	[sflag:s8] =	ssyncset.s32 @!p0 $0xFFFFF086;
	s6 =	sadd.s32 @!p0 s3, s7;
	s7 =	simm.s32 @!p0 $0x108  }
0x21: {  	s3 =	sadd.s32 s3, s9;
	s6 =	sadd.s32 @!p0 $0x88, s6;
	s7 =	simm.s32 @p2 $0x1082  }
0x22: {  	[simem:s7], [sflag:s8] =	dma.local @!p0 [hbm:s6], $0xF7A  }
0x23: {  	s9 =	sor.u32 $0xD0000000, s2;
	s6 =	simm.s32 $0x108;
	_ =	swait.ge @!p0 [sflag:s8], $0x0  }
0x24: {  	s3 =	sadd.s32 $0x88, s3;
	s6 =	simm.s32 @!p1 $0x1082;
	[sflag:s4] =	ssyncset.s32 $0xFFFFF086  }
0x25: {  	[simem:s6], [sflag:s4] =	dma.local [hbm:s3], $0xF7A  }
0x26: {  	[smem:$0x3F9E] =	sst s1;
	(tag) =	ssettag s2;
	_ =	strace s9  }
0x27: {  	s1 =	sld [smem:$0x3FAE]  }
0x28: {  	s2 =	sld [smem:$0x3FAF]  }
0x29: {  	s4 =	sld [smem:$0x3FB1]  }
0x2a: {  	p0 =	seq.s32 s5, $0x0;
	s5 =	sld [smem:$0x3FB2]  }
0x2b: {  	s6 =	sld [smem:$0x3FB3]  }
0x2c: {  	s7 =	sld [smem:$0x3FB4]  }
0x2d: {  	s3 =	simm.s32 $0x108;
	s8 =	sld [smem:$0x3FB5]  }
0x2e: {  	s3 =	simm.s32 @!p0 $0x1082;
	s9 =	sld [smem:$0x3FB6]  }
0x2f: {  	lr =	sadd.s32 s0, s3;
	s0 =	sld [smem:$0x3FAD]  }
0x30: {  	s3 =	sld [smem:$0x3FB0]  }
0x31: {  	[smem:$0x3FB9] =	sst s10  }
0x32: {  	s10 =	sld [smem:$0x3FB7];
	_ =	sdelay $0x3  }
0x33: {  	p0 =	seq.s32 s10, $0x1;
	s10 =	sld [smem:$0x3FB9];
	_ =	sdelay $0x3  }
0x34: {  	[smem:$0x3FB9] =	sst s10  }
0x35: {  	s10 =	sld [smem:$0x3FB8];
	_ =	sdelay $0x3  }
0x36: {  	p1 =	seq.s32 s10, $0x1;
	s10 =	sld [smem:$0x3FB9];
	_ =	sdelay $0x3  }
0x37: {  	[smem:$0x3FB9] =	sst s10  }
0x38: {  	s10 =	sld [smem:$0x3FBA]  }
0x39: {  	_ = 	snop;
	(pc) =	sbr.ind lr, $3  }
0x3a: {  	_ = 	snop  }
0x3b: {  	_ = 	snop  }
0x3c: {  	p2 =	seq.s32 s10, $0x1;
	s10 =	sld [smem:$0x3FB9]  }
0x3d: {  	_ =	shalt  }
0x3e: {  	_ =	shalt  }
0x3f: {  	_ =	shalt  }
0x40: {  	_ =	shalt  }
0x41: {  	_ =	shalt  }
0x42: {  	_ =	shalt  }
0x43: {  	_ =	shalt  }
0x44: {  	_ =	shalt  }
0x45: {  	_ =	shalt  }
0x46: {  	_ =	shalt  }
0x47: {  	_ =	shalt  }
0x48: {  	_ =	shalt  }
0x49: {  	_ =	shalt  }
0x4a: {  	_ =	shalt  }
0x4b: {  	_ =	shalt  }
0x4c: {  	_ =	shalt  }
0x4d: {  	_ =	shalt  }
0x4e: {  	_ =	shalt  }
0x4f: {  	_ =	shalt  }
0x50: {  	_ =	shalt  }
0x51: {  	_ =	shalt  }
0x52: {  	_ =	shalt  }
0x53: {  	_ =	shalt  }
0x54: {  	_ =	shalt  }
0x55: {  	_ =	shalt  }
0x56: {  	_ =	shalt  }
0x57: {  	_ =	shalt  }
0x58: {  	_ =	shalt  }
0x59: {  	_ =	shalt  }
0x5a: {  	_ =	shalt  }
0x5b: {  	_ =	shalt  }
0x5c: {  	_ =	shalt  }
0x5d: {  	_ =	shalt  }
0x5e: {  	_ =	shalt  }
0x5f: {  	_ =	shalt  }
0x60: {  	_ =	shalt  }
0x61: {  	_ =	shalt  }
0x62: {  	_ =	shalt  }
0x63: {  	_ =	shalt  }
0x64: {  	_ =	shalt  }
0x65: {  	_ =	shalt  }
0x66: {  	_ =	shalt  }
0x67: {  	_ =	shalt  }
0x68: {  	_ =	shalt  }
0x69: {  	_ =	shalt  }
0x6a: {  	_ =	shalt  }
0x6b: {  	_ =	shalt  }
0x6c: {  	_ =	shalt  }
0x6d: {  	_ =	shalt  }
0x6e: {  	_ =	shalt  }
0x6f: {  	_ =	shalt  }
0x70: {  	_ =	shalt  }
0x71: {  	_ =	shalt  }
0x72: {  	_ =	shalt  }
0x73: {  	_ =	shalt  }
0x74: {  	_ =	shalt  }
0x75: {  	_ =	shalt  }
0x76: {  	_ =	shalt  }
0x77: {  	_ =	shalt  }
0x78: {  	_ =	shalt  }
0x79: {  	_ =	shalt  }
0x7a: {  	_ =	shalt  }
0x7b: {  	_ =	shalt  }
0x7c: {  	_ =	shalt  }
0x7d: {  	_ =	shalt  }
0x7e: {  	_ =	shalt  }
0x7f: {  	_ =	shalt  }
0x80: {  	_ =	shalt  }
0x81: {  	_ =	shalt  }
0x82: {  	_ =	shalt  }
0x83: {  	_ =	shalt  }
0x84: {  	_ =	shalt  }
0x85: {  	_ =	shalt  }
0x86: {  	_ =	shalt  }
0x87: {  	_ =	shalt  }
.Lfunc_end0:
.L_simem_size_0:
called_computation_lowered:
.L_overlay_start_0:
0x88: {  	s2 =	sld [smem:$0x3FD9]  }
0x89: {  	s3 =	sld [smem:$0x3FFE];
	_ =	sdelay $0x1  }
0x8a: {  	s1 =	srdreg.scid  }
0x8b: {  	s0 =	sand.u32 $0x1, s1  }
0x8c: {  	s14 =	sshll.u32 s0, $0xA;
	s2 =	sadd.s32 s3, s2  }
0x8d: {  	s2 =	sadd.s32 s2, s14  }
0x8e: {  	[smem:$0x3FC5] =	sst s2  }
0x8f: {  	_ = 	snop  }
0x90: {  	s2 =	sld [smem:$0x3FD0];
	_ =	sdelay $0x2  }
0x91: {  	s4 =	simm.s32 $0xA;
	s5 =	simm.s32 $0x10;
	s15 =	sld [smem:$0x3FC8]  }
0x92: {  	[smem:s5], [sflag:s4] =	dma.local [hbm:s2], $0x1  }
0x93: {  	_ =	swait.eq [sflag:s4], $0x1  }
0x94: {  	[sflag:s4] =	ssyncset.done $0x0  }
0x95: {  	[sflag:s4] =	ssyncadd.s32 $0xFFFFFFFF  }
0x96: {  	s16 =	sld [smem:$0x11];
	(tm) =	ssettm $0x1  }
0x97: {  	s17 =	sld [smem:$0x3FFB];
	_ =	sdelay $0x3  }
0x98: {  	_ =	strace s17  }
0x99: {  	s4 =	sld [smem:$0x3FFC];
	_ =	sdelay $0x3  }
0x9a: {  	_ =	strace s4  }
0x9b: {  	s4 =	sld [smem:$0x3FFD];
	_ =	sdelay $0x3  }
0x9c: {  	_ =	strace s4  }
0x9d: {  	_ =	strace $0x8FFFFFFF  }
0x9e: {  	s18 =	sld [smem:$0x3FDB];
	_ =	sdelay $0x1  }
0x9f: {  	s19 =	simm.s32 $_scs_section_size  }
0xa0: {  	s6 =	simm.s32 $_size__tile_overlayer_lowered;
	s7 =	simm.s32 $_tile_overlayer_lowered  }
0xa1: {  	s22 =	simm.s32 $0x1BFF;
	s21 =	sshll.u32 s7, $0x1;
	s4 =	sadd.s32 s19, s18  }
0xa2: {  	s8 =	simm.s32 $0x0;
	s20 =	sshll.u32 s6, $0x1;
	s6 =	sadd.s32 s21, s4  }
0xa3: {  	[timem:s8], [sflag:s22] =	dma.local [hbm:s6], s20  }
0xa4: {  	_ =	swait.ge [sflag:s22], s20  }
0xa5: {  	s5 =	ssub.s32 $0x0, s20;
	[sflag:s22] =	ssyncset.done $0x0  }
0xa6: {  	[sflag:s22] =	ssyncadd.s32 s5;
	_ =	sdelay $0x1  }
0xa7: {  	s23 =	simm.s32 $0x1B8B  }
0xa8: {  	_ =	swait.ge [sflag:s23], $0x1  }
0xa9: {  	[sflag:s23] =	ssyncset.done $0x0  }
0xaa: {  	s25 =	simm.s32 $0x1B8E;
	s24 =	sld [smem:$0x3FFE];
	[sflag:s23] =	ssyncadd.s32 $0xFFFFFFFF  }
0xab: {  	s26 =	simm.s32 $execute0_lowered;
	[smem:$0x3FD2] =	sst s25  }
0xac: {  	s6 =	sshll.u32 s26, $0x1;
	_ =	strace $0x80000046;
	[dreg:$0x1] =	wrdreg $0xFFFFFFFF  }
0xad: {  	s28 =	simm.s32 $_size_execute0_lowered;
	s4 =	sadd.s32 s4, s6;
	[dreg:$0x0] =	wrdreg $0x0  }
0xae: {  	s6 =	sshll.u32 s28, $0x1;
	[dreg:$0x2] =	wrdreg s4  }
0xaf: {  	[dreg:$0x3] =	wrdreg s6  }
0xb0: {  	[dreg:$0x4] =	wrdreg $0xC0  }
0xb1: {  	_ =	task [dreg:s8], $0x5FFFF  }
0xb2: {  	[dreg:$0x1] =	wrdreg $0xFFFFFFFF  }
0xb3: {  	[dreg:$0x0] =	wrdreg $0x60  }
0xb4: {  	[dreg:$0x2] =	wrdreg s15  }
0xb5: {  	[dreg:$0x3] =	wrdreg s24  }
0xb6: {  	[dreg:$0x4] =	wrdreg s16  }
0xb7: {  	[dreg:$0x5] =	wrdreg $0x9  }
0xb8: {  	_ =	task.clear_ibuf [dreg:s8], $0x6FFFF;
	_ =	strace $0x90000046  }
0xb9: {  	s29 =	simm.s32 $0x9;
	_ =	strace $0x80000048  }
0xba: {  	_ =	swait.ge [sflag:s29], $0x1  }
0xbb: {  	[sflag:s29] =	ssyncadd.s32 $0xFFFFFFFF  }
0xbc: {  	_ =	strace $0x90000048  }
0xbd: {  	_ =	sfence  }
0xbe: {  	s30 =	sld [smem:$0x0];
	_ =	sdelay $0x2  }
0xbf: {  	s31 =	sshll.u32 s1, $0xD;
	s1 =	sshrl.u32 s1, $0x2  }
0xc0: {  	s3 =	sand.u32 $0x4000, s31;
	s1 =	sadd.s32 s1, s30  }
0xc1: {  	s0 =	sor.u32 s3, s0;
	s1 =	sshll.u32 s1, $0x11  }
0xc2: {  	s0 =	sor.u32 s1, s0  }
0xc3: {  	s0 =	sadd.s32 $0x8F2B, s0  }
0xc4: {  	[sflag:s0] =	ssyncadd.remote.s32 $0x1  }
0xc5: {  	_ =	sfence.sel $0xFFFF  }
0xc6: {  	[dreg:$0x0] =	wrdreg $0xFFFFFFFF;
	(pc) =	sbr.abs _section_cstart, $3  }
0xc7: {  	[dreg:$0x1] =	wrdreg $0xFFFFFFFF  }
0xc8: {  	_ =	task.clear_ibuf [dreg:s8], $0x2FFFF;
	_ =	strace $0x9FFFFFFF  }
0xc9: {  	(tm) =	ssettm $0x7FFFFFFF  }
tec
execute0_lowered:
.L_overlay_start_1:
0x0: {  	(tag) =	ssettag $0x1  }
0x1: {  	s0 =	rddreg [dreg:$0x0];
	s1 =	srdreg.scid  }
0x2: {  	s21 =	stileid.u32;
	s4 =	rddreg [dreg:$0x1];
	s2 =	simm.s32 $0x0  }
0x3: {  	s5 =	sand.u32 $0x1, s1;
	s3 =	sshll.u32 s21, $0x1;
	s1 =	rddreg [dreg:$0x2]  }
0x4: {  	[smem:$0x7FF] =	sst s2;
	s7 =	smul.u32 $0x2B, s21;
	s9 =	sor.u32 s5, s3  }
0x5: {  	s4 =	sadd.s32 $0x600, s4;
	s6 =	smul.u32 $0x16, s9;
	s8 =	sor.u32 $0x20, s9  }
0x6: {  	_ =	strace $0x80000047;
	s31 =	sshrl.u32 s7, $0x8;
	s10 =	smul.u32 $0x2B, s8  }
0x7: {  	s5 =	ssub.s32 $0x2, s5;
	s14 =	sor.u32 $0x40, s9;
	s7 =	smul.u32 $0x68000, s31  }
0x8: {  	[dreg:$0x4] =	wrdreg s4;
	s30 =	sshrl.u32 s5, $0x1;
	s15 =	smul.u32 $0x2B, s14  }
0x9: {  	s4 =	ssub.s32 s5, s30;
	s5 =	smul.u32 $0x64, s31;
	s6 =	sshrl.u32 s6, $0x8  }
0xa: {  	p0 =	seq.s32 s21, $0x0;
	s6 =	smul.u32 $0xC, s6;
	s10 =	sshrl.u32 s10, $0x9  }
0xb: {  	s3 =	sadd.s32 $0xFFFFFFE8, s3;
	s20 =	sor.u32 $0x60, s9;
	s12 =	smul.u32 $0xC, s10  }
0xc: {  	p1 =	sgt.u32 s3, $0xFFFFFFE9;
	s17 =	smul.u32 $0x68000, s10;
	s6 =	ssub.s32 s9, s6  }
0xd: {  	s10 =	smul.u32 $0x64, s10;
	s6 =	sand.u32 $0xFF, s6;
	s8 =	ssub.s32 s8, s12  }
0xe: {  	s11 =	sshll.u32 s6, $0xF;
	s6 =	sshll.u32 s6, $0xC;
	s16 =	sand.u32 $0xFF, s8  }
0xf: {  	s6 =	sadd.s32 s0, s6;
	s13 =	sadd.s32 s7, s11;
	s8 =	sshll.u32 s16, $0xC  }
0x10: {  	s11 =	sshrl.u32 s15, $0x9;
	[dreg:$0x5] =	wrdreg s6;
	s6 =	sshrl.u32 s13, $0x3  }
0x11: {  	s13 =	sshll.u32 s16, $0xF;
	s18 =	sadd.s32 s0, s8;
	s19 =	smul.u32 $0xC, s11  }
0x12: {  	s6 =	sadd.s32 s1, s6;
	[dreg:$0x7] =	wrdreg s18;
	s18 =	smul.u32 $0x64, s11  }
0x13: {  	s12 =	sadd.s32 s13, s17;
	s11 =	smul.u32 $0x68000, s11;
	[dreg:$0x6] =	wrdreg s6  }
0x14: {  	s12 =	sshrl.u32 s12, $0x3;
	s8 =	ssub.s32 s14, s19;
	s14 =	smul.u32 $0x2B, s20  }
0x15: {  	s19 =	simm.s32 $0x1;
	s7 =	sadd.s32 s1, s12;
	s8 =	sand.u32 $0xFF, s8  }
0x16: {  	s22 =	sshll.u32 s8, $0xC;
	s14 =	sshrl.u32 s14, $0x9;
	s15 =	sshll.u32 s8, $0xF  }
0x17: {  	s8 =	sadd.s32 s0, s22;
	s23 =	smul.u32 $0xC, s14;
	s11 =	sadd.s32 s15, s11  }
0x18: {  	s15 =	simm.s32 $0x8;
	s24 =	smul.u32 $0x68000, s14;
	s11 =	sshrl.u32 s11, $0x3  }
0x19: {  	s15 =	simm.s32 @!p0 $0xFFFFFFE8;
	p0 =	sgt.u32 s21, $0xB;
	s12 =	ssub.s32 s20, s23  }
0x1a: {  	s15 =	sadd.s32 s15, s9;
	s9 =	sadd.s32 s1, s11;
	s20 =	smul.u32 $0x64, s14  }
0x1b: {  	s14 =	smax.u32 s4, $0x1;
	s12 =	sand.u32 $0xFF, s12;
	s17 =	smul.u32 $0x68000, s15  }
0x1c: {  	s31 =	smul.u32 $0x64, s15;
	s15 =	simm.s32 $0x2;
	s16 =	sshll.u32 s12, $0xF  }
.Ltmp0:
0x1d: {  	s12 =	sshll.u32 s12, $0xC;
	v3 =	vmov s20;
	s20 =	simm.s32 $0x0;
	(pc) =	sbr.rel .LBB2_1-.Ltmp0, $4  }
0x1e: {  	s25 =	sadd.s32 s0, s12;
	s26 =	sadd.s32 s16, s24;
	s28 =	sadd.s32 $0x60000, s17  }
0x1f: {  	s12 =	sadd.s32 $0xC000, s0;
	s16 =	simm.s32 $0x400;
	s11 =	sshrl.u32 s26, $0x3  }
0x20: {  	v0 =	vmov s5;
	[dreg:$0x8] =	wrdreg s25;
	s30 =	sshrl.u32 s28, $0x3;
	s29 =	sadd.s32 s1, s11  }
0x21: {  	v1 =	vmov s10;
	v2 =	vmov s18;
	s17 =	simm.s32 $0x8400;
	v4 =	vmov s31;
	s13 =	sadd.s32 s1, s30;
	[dreg:$0x9] =	wrdreg s29  }
.LBB2_18:
0x22: {  	[hbm4b:s4+s2] =	stream.linear.scatter [tilespmem:s0], [sflag:$0x2], $0x200, $0x38;
	[tilespmem:$0x18400] =	vst v63  }
0x23: {  	_ =	swait.ge [sflag:s15], $0x4000  }
0x24: {  	[sflag:s15] =	ssyncset.done $0x0  }
0x25: {  	[sflag:s15] =	ssyncadd.s32 $0xFFFFC000  }
.LBB2_19:
0x26: {  	s20 =	sadd.s32 $0x1, s20  }
0x27: {  	p2 =	sne.s32 s20, s14  }
.Ltmp1:
0x28: {  	_ = 	snop;
	(pc) =	sbr.rel @!p2 .LBB2_20-.Ltmp1, $1  }
0x29: {  	_ =	sdelay $0x3  }
.LBB2_1:
0x2a: {  	s0 =	rddreg [dreg:$0x4]  }
0x2b: {  	[tilespmem:s2], [sflag:$0x2] =	stream.linear.gather [hbm4b:s0+s2], $0x400, $0x38;
	[tilespmem:$0x18400] =	vst v63  }
0x2c: {  	_ =	swait.ge [sflag:s15], $0x400  }
0x2d: {  	[sflag:s15] =	ssyncset.done $0x0  }
0x2e: {  	s3 =	rddreg [dreg:$0x5];
	[sflag:s15] =	ssyncadd.s32 $0xFFFFFC00  }
0x2f: {  	[tilespmem:s16], [sflag:$0x2] =	stream.linear.gather [hbm4b:s3+s2], $0x8000, $0x38;
	[tilespmem:$0x18400] =	vst v63  }
0x30: {  	_ =	swait.ge [sflag:s15], $0x8000  }
0x31: {  	s4 =	sand.u32 $0x60, s2;
	s1 =	sand.u32 $0x7C00, s2;
	[sflag:s15] =	ssyncset.done $0x0  }
0x32: {  	s0 =	sor.u32 s4, s1;
	[sflag:s15] =	ssyncadd.s32 $0xFFFF8000  }
0x33: {  	v5 =	vld [tilespmem:s0+$0x410];
	_ =	sdelay $0x4  }
0x34: {  	v5 =	vadd.s32 v0, v5  }
0x35: {  	v6 =	vld [tilespmem:s0+$0x490];
	_ =	sdelay $0x3  }
0x36: {  	v5 =	vld.idx.msk [tilespmem:v5+s2+$0x0], $0xffff  }
0x37: {  	v7 =	vld [tilespmem:s0+$0x400];
	v6 =	vadd.s32 v0, v6  }
0x38: {  	v8 =	vld [tilespmem:s0+$0x510];
	_ =	sdelay $0x2  }
0x39: {  	[tilespmem:s0+$0x8410] =	vst v5  }
0x3a: {  	v5 =	vadd.s32 v0, v7;
	v6 =	vld.idx.msk [tilespmem:v6+s2+$0x0], $0xffff  }
0x3b: {  	v8 =	vadd.s32 v0, v8;
	v7 =	vld [tilespmem:s0+$0x480]  }
0x3c: {  	v9 =	vld [tilespmem:s0+$0x590];
	_ =	sdelay $0x1  }
0x3d: {  	v10 =	vld [tilespmem:s0+$0x500]  }
0x3e: {  	v5 =	vld.idx.msk [tilespmem:v5+s2+$0x0], $0xffff;
	[tilespmem:s0+$0x8490] =	vst v6  }
0x3f: {  	v6 =	vadd.s32 v0, v7;
	v7 =	vld.idx.msk [tilespmem:v8+s2+$0x0], $0xffff  }
0x40: {  	v11 =	vld [tilespmem:s0+$0x580];
	v8 =	vadd.s32 v0, v9  }
0x41: {  	v9 =	vld [tilespmem:s0+$0x610]  }
0x42: {  	v12 =	vld [tilespmem:s0+$0x600]  }
0x43: {  	s5 =	simm.s32 $0x100;
	s3 =	simm.s32 $0x20;
	v13 =	vld [tilespmem:s0+$0x680];
	[tilespmem:s0+$0x8400] =	vst v5  }
0x44: {  	s1 =	sand.u32 $0x7C00, s5;
	s3 =	sand.u32 $0x60, s3;
	v5 =	vld.idx.msk [tilespmem:v6+s2+$0x0], $0xffff;
	[tilespmem:s0+$0x8510] =	vst v7  }
0x45: {  	s22 =	sor.u32 s3, s1;
	v6 =	vld.idx.msk [tilespmem:v8+s2+$0x0], $0xffff  }
0x46: {  	v7 =	vld [tilespmem:s22+$0x410];
	v8 =	vadd.s32 v0, v9  }
0x47: {  	s4 =	simm.s32 $0x200;
	s5 =	simm.s32 $0x40;
	v9 =	vld [tilespmem:s0+$0x690]  }
0x48: {  	s5 =	sand.u32 $0x60, s5;
	s4 =	sand.u32 $0x7C00, s4;
	v14 =	vld [tilespmem:s22+$0x400];
	v10 =	vadd.s32 v0, v10  }
0x49: {  	s25 =	sor.u32 s5, s4;
	v15 =	vld [tilespmem:s22+$0x500]  }
0x4a: {  	v16 =	vld [tilespmem:s25+$0x480];
	[tilespmem:s0+$0x8590] =	vst v6  }
0x4b: {  	v6 =	vadd.s32 v0, v7;
	v7 =	vld.idx.msk [tilespmem:v8+s2+$0x0], $0xffff  }
0x4c: {  	[tilespmem:s0+$0x8480] =	vst v5;
	v5 =	vld [tilespmem:s22+$0x490];
	v8 =	vadd.s32 v0, v9  }
0x4d: {  	v9 =	vld.idx.msk [tilespmem:v10+s2+$0x0], $0xffff  }
0x4e: {  	v17 =	vld [tilespmem:s25+$0x500];
	v10 =	vadd.s32 v0, v11  }
0x4f: {  	v14 =	vadd.s32 v0, v14;
	v11 =	vld [tilespmem:s22+$0x480]  }
0x50: {  	v6 =	vld.idx.msk [tilespmem:v6+s2+$0x0], $0xffff;
	[tilespmem:s0+$0x8610] =	vst v7  }
0x51: {  	v5 =	vadd.s32 v0, v5;
	v7 =	vld.idx.msk [tilespmem:v8+s2+$0x0], $0xffff  }
0x52: {  	[tilespmem:s0+$0x8500] =	vst v9;
	v8 =	vld [tilespmem:s22+$0x510]  }
0x53: {  	s6 =	sand.u32 $0x3, s2;
	v9 =	vld.idx.msk [tilespmem:v10+s2+$0x0], $0xffff  }
0x54: {  	s1 =	sshll.u32 s6, $0x5;
	v10 =	vadd.s32 v0, v12;
	v12 =	vld.idx.msk [tilespmem:v14+s2+$0x0], $0xffff  }
0x55: {  	s21 =	sadd.s32 $0x0, s1;
	v14 =	vld [tilespmem:s22+$0x580];
	[tilespmem:s22+$0x8410] =	vst v6  }
0x56: {  	s1 =	sadd.s32 $0x10, s21;
	v11 =	vadd.s32 v0, v11;
	v5 =	vld.idx.msk [tilespmem:v5+s2+$0x0], $0xffff  }
0x57: {  	s10 =	sor.u32 $0x300, s1;
	[tilespmem:s0+$0x8690] =	vst v7;
	v6 =	vadd.s32 v0, v8;
	v8 =	vld [tilespmem:s22+$0x590]  }
0x58: {  	[tilespmem:s0+$0x8580] =	vst v9;
	v7 =	vld [tilespmem:s10+$0x400]  }
0x59: {  	[tilespmem:s22+$0x8400] =	vst v12;
	v12 =	vadd.s32 v0, v15;
	v15 =	vld [tilespmem:s25+$0x400]  }
0x5a: {  	v9 =	vld.idx.msk [tilespmem:v10+s2+$0x0], $0xffff  }
0x5b: {  	v10 =	vadd.s32 v0, v13;
	v11 =	vld.idx.msk [tilespmem:v11+s2+$0x0], $0xffff  }
0x5c: {  	v13 =	vld [tilespmem:s22+$0x600];
	[tilespmem:s22+$0x8490] =	vst v5  }
0x5d: {  	v5 =	vld.idx.msk [tilespmem:v6+s2+$0x0], $0xffff;
	v6 =	vadd.s32 v0, v7  }
0x5e: {  	v8 =	vadd.s32 v0, v8;
	v7 =	vld [tilespmem:s22+$0x680]  }
0x5f: {  	[tilespmem:s0+$0x8600] =	vst v9;
	v9 =	vld [tilespmem:s22+$0x610]  }
0x60: {  	[tilespmem:s22+$0x8480] =	vst v11;
	v10 =	vld.idx.msk [tilespmem:v10+s2+$0x0], $0xffff  }
0x61: {  	v11 =	vld.idx.msk [tilespmem:v12+s2+$0x0], $0xffff  }
0x62: {  	[tilespmem:s22+$0x8510] =	vst v5;
	v5 =	vld.idx.msk [tilespmem:v6+s2+$0x0], $0xffff  }
0x63: {  	v6 =	vld.idx.msk [tilespmem:v8+s2+$0x0], $0xffff  }
0x64: {  	s5 =	simm.s32 $0x300;
	s6 =	simm.s32 $0x60;
	v8 =	vld [tilespmem:s25+$0x410];
	v9 =	vadd.s32 v0, v9  }
0x65: {  	s4 =	sand.u32 $0x60, s6;
	v12 =	vld [tilespmem:s22+$0x690];
	[tilespmem:s0+$0x8680] =	vst v10;
	s0 =	sand.u32 $0x7C00, s5  }
0x66: {  	[tilespmem:s22+$0x8500] =	vst v11;
	v11 =	vadd.s32 v0, v15;
	v15 =	vld [tilespmem:s25+$0x580];
	s28 =	sor.u32 s4, s0  }
0x67: {  	v19 =	vld [tilespmem:s28+$0x500];
	[tilespmem:s10+$0x8400] =	vst v5  }
0x68: {  	v5 =	vadd.s32 v0, v14;
	[tilespmem:s22+$0x8590] =	vst v6;
	v14 =	vld [tilespmem:s25+$0x490]  }
0x69: {  	s23 =	sor.u32 $0x380, s1;
	v8 =	vadd.s32 v0, v8;
	v9 =	vld.idx.msk [tilespmem:v9+s2+$0x0], $0xffff  }
0x6a: {  	v12 =	vadd.s32 v0, v12;
	v6 =	vld [tilespmem:s23+$0x400]  }
0x6b: {  	v20 =	vld [tilespmem:s28+$0x600]  }
0x6c: {  	v11 =	vld.idx.msk [tilespmem:v11+s2+$0x0], $0xffff  }
0x6d: {  	v16 =	vadd.s32 v0, v16;
	v18 =	vld.idx.msk [tilespmem:v5+s2+$0x0], $0xffff  }
0x6e: {  	v8 =	vld.idx.msk [tilespmem:v8+s2+$0x0], $0xffff;
	[tilespmem:s22+$0x8610] =	vst v9  }
0x6f: {  	s11 =	simm.s32 $0x1;
	v5 =	vadd.s32 v0, v6;
	v6 =	vadd.s32 v0, v14;
	v9 =	vld.idx.msk [tilespmem:v12+s2+$0x0], $0xffff  }
0x70: {  	s1 =	sand.u32 $0x3, s11;
	v12 =	vld [tilespmem:s25+$0x510]  }
0x71: {  	s1 =	sshll.u32 s1, $0x5;
	v14 =	vld [tilespmem:s25+$0x600];
	[tilespmem:s25+$0x8400] =	vst v11  }
0x72: {  	s24 =	sadd.s32 $0x100, s1;
	v13 =	vadd.s32 v0, v13;
	v11 =	vld.idx.msk [tilespmem:v16+s2+$0x0], $0xffff  }
0x73: {  	s1 =	sadd.s32 $0x10, s24;
	v16 =	vadd.s32 v0, v17;
	v17 =	vld [tilespmem:s25+$0x680];
	[tilespmem:s25+$0x8410] =	vst v8  }
0x74: {  	s18 =	sor.u32 $0x300, s1;
	v6 =	vld.idx.msk [tilespmem:v6+s2+$0x0], $0xffff;
	[tilespmem:s22+$0x8690] =	vst v9  }
0x75: {  	v8 =	vadd.s32 v0, v12;
	v9 =	vld [tilespmem:s18+$0x400]  }
0x76: {  	[tilespmem:s22+$0x8580] =	vst v18;
	v12 =	vld [tilespmem:s25+$0x590]  }
0x77: {  	v13 =	vld.idx.msk [tilespmem:v13+s2+$0x0], $0xffff  }
0x78: {  	v7 =	vadd.s32 v0, v7;
	v18 =	vld [tilespmem:s28+$0x480]  }
0x79: {  	v5 =	vld.idx.msk [tilespmem:v5+s2+$0x0], $0xffff;
	[tilespmem:s25+$0x8490] =	vst v6  }
0x7a: {  	[tilespmem:s25+$0x8480] =	vst v11;
	v6 =	vld.idx.msk [tilespmem:v8+s2+$0x0], $0xffff;
	v8 =	vadd.s32 v0, v9  }
0x7b: {  	v11 =	vld.idx.msk [tilespmem:v16+s2+$0x0], $0xffff;
	v10 =	vadd.s32 v0, v12  }
0x7c: {  	[tilespmem:s22+$0x8600] =	vst v13;
	v12 =	vld [tilespmem:s25+$0x610]  }
0x7d: {  	s26 =	sor.u32 $0x300, s21;
	v7 =	vld.idx.msk [tilespmem:v7+s2+$0x0], $0xffff  }
0x7e: {  	v9 =	vld [tilespmem:s26+$0x400]  }
0x7f: {  	[tilespmem:s25+$0x8510] =	vst v6;
	v6 =	vld.idx.msk [tilespmem:v8+s2+$0x0], $0xffff  }
0x80: {  	v15 =	vadd.s32 v0, v15;
	v8 =	vld.idx.msk [tilespmem:v10+s2+$0x0], $0xffff  }
0x81: {  	v12 =	vadd.s32 v0, v12;
	v10 =	vld [tilespmem:s28+$0x410]  }
0x82: {  	v13 =	vld [tilespmem:s28+$0x400]  }
0x83: {  	v16 =	vld [tilespmem:s25+$0x690]  }
0x84: {  	[tilespmem:s25+$0x8500] =	vst v11;
	v11 =	vld [tilespmem:s28+$0x580]  }
0x85: {  	s10 =	simm.s32 $0x2;
	v15 =	vld.idx.msk [tilespmem:v15+s2+$0x0], $0xffff;
	v9 =	vadd.s32 v0, v9;
	[tilespmem:s25+$0x8590] =	vst v8  }
0x86: {  	s0 =	sand.u32 $0x3, s10;
	s10 =	simm.s32 $0x80;
	[tilespmem:s22+$0x8680] =	vst v7;
	s22 =	simm.s32 $0x400;
	v8 =	vadd.s32 v0, v10;
	v10 =	vld.idx.msk [tilespmem:v12+s2+$0x0], $0xffff  }
0x87: {  	s10 =	sand.u32 $0x60, s10;
	s5 =	sand.u32 $0x7C00, s22;
	[tilespmem:s18+$0x8400] =	vst v6;
	v6 =	vadd.s32 v0, v13;
	v12 =	vld [tilespmem:s28+$0x490]  }
0x88: {  	v16 =	vadd.s32 v0, v16;
	v7 =	vld [tilespmem:s28+$0x680];
	s10 =	sor.u32 s10, s5  }
0x89: {  	v21 =	vld [tilespmem:s10+$0x500]  }
0x8a: {  	v9 =	vld.idx.msk [tilespmem:v9+s2+$0x0], $0xffff  }
0x8b: {  	v14 =	vadd.s32 v0, v14;
	v8 =	vld.idx.msk [tilespmem:v8+s2+$0x0], $0xffff  }
0x8c: {  	v6 =	vld.idx.msk [tilespmem:v6+s2+$0x0], $0xffff;
	v12 =	vadd.s32 v0, v12;
	[tilespmem:s25+$0x8610] =	vst v10  }
0x8d: {  	v10 =	vadd.s32 v0, v18;
	v16 =	vld.idx.msk [tilespmem:v16+s2+$0x0], $0xffff  }
0x8e: {  	s30 =	sor.u32 $0x380, s1;
	v18 =	vld [tilespmem:s28+$0x510]  }
0x8f: {  	s0 =	sshll.u32 s0, $0x5;
	[tilespmem:s25+$0x8580] =	vst v15;
	v13 =	vld [tilespmem:s30+$0x400]  }
0x90: {  	s1 =	sadd.s32 $0x200, s0;
	[tilespmem:s28+$0x8410] =	vst v8;
	v8 =	vld.idx.msk [tilespmem:v14+s2+$0x0], $0xffff  }
0x91: {  	s11 =	sadd.s32 $0x10, s1;
	[tilespmem:s28+$0x8400] =	vst v6;
	v12 =	vld.idx.msk [tilespmem:v12+s2+$0x0], $0xffff  }
0x92: {  	s18 =	sor.u32 $0x300, s11;
	v10 =	vld.idx.msk [tilespmem:v10+s2+$0x0], $0xffff;
	[tilespmem:s25+$0x8690] =	vst v16  }
0x93: {  	v14 =	vadd.s32 v0, v18;
	v15 =	vld [tilespmem:s18+$0x400]  }
0x94: {  	v13 =	vadd.s32 v0, v13;
	v16 =	vadd.s32 v0, v17;
	v17 =	vld [tilespmem:s28+$0x590]  }
0x95: {  	v22 =	vld [tilespmem:s10+$0x600]  }
0x96: {  	v58 =	vld [tilespmem:s10+$0x690];
	[tilespmem:s26+$0x8400] =	vst v9  }
0x97: {  	v9 =	vld [tilespmem:s10+$0x610];
	[tilespmem:s28+$0x8490] =	vst v12  }
0x98: {  	[tilespmem:s25+$0x8600] =	vst v8;
	v8 =	vld.idx.msk [tilespmem:v14+s2+$0x0], $0xffff;
	v12 =	vadd.s32 v0, v15  }
0x99: {  	v6 =	vld.idx.msk [tilespmem:v13+s2+$0x0], $0xffff;
	[tilespmem:s28+$0x8480] =	vst v10;
	v10 =	vadd.s32 v0, v17  }
0x9a: {  	v14 =	vld.idx.msk [tilespmem:v16+s2+$0x0], $0xffff  }
0x9b: {  	v16 =	vld [tilespmem:s28+$0x610]  }
0x9c: {  	v17 =	vld [tilespmem:s10+$0x400]  }
0x9d: {  	v18 =	vadd.s32 v0, v19;
	[tilespmem:s28+$0x8510] =	vst v8;
	v8 =	vld.idx.msk [tilespmem:v12+s2+$0x0], $0xffff  }
0x9e: {  	v10 =	vld.idx.msk [tilespmem:v10+s2+$0x0], $0xffff  }
0x9f: {  	s0 =	sor.u32 $0x300, s24;
	v12 =	vld [tilespmem:s10+$0x410]  }
0xa0: {  	v13 =	vld [tilespmem:s0+$0x400];
	v16 =	vadd.s32 v0, v16  }
0xa1: {  	v19 =	vld [tilespmem:s28+$0x690]  }
0xa2: {  	v15 =	vld.idx.msk [tilespmem:v18+s2+$0x0], $0xffff  }
0xa3: {  	v11 =	vadd.s32 v0, v11;
	v18 =	vld [tilespmem:s10+$0x480];
	[tilespmem:s18+$0x8400] =	vst v8  }
0xa4: {  	v8 =	vadd.s32 v0, v12;
	[tilespmem:s28+$0x8590] =	vst v10;
	v12 =	vadd.s32 v0, v17;
	v17 =	vld [tilespmem:s10+$0x490]  }
0xa5: {  	v16 =	vld.idx.msk [tilespmem:v16+s2+$0x0], $0xffff  }
0xa6: {  	v19 =	vadd.s32 v0, v19;
	[tilespmem:s25+$0x8680] =	vst v14;
	v14 =	vld [tilespmem:s10+$0x680]  }
0xa7: {  	[tilespmem:s28+$0x8500] =	vst v15;
	v15 =	vld [tilespmem:s10+$0x580]  }
0xa8: {  	v11 =	vld.idx.msk [tilespmem:v11+s2+$0x0], $0xffff  }
0xa9: {  	v8 =	vld.idx.msk [tilespmem:v8+s2+$0x0], $0xffff  }
0xaa: {  	s3 =	sor.u32 $0x380, s11;
	v12 =	vld.idx.msk [tilespmem:v12+s2+$0x0], $0xffff;
	v17 =	vadd.s32 v0, v17;
	[tilespmem:s28+$0x8610] =	vst v16  }
0xab: {  	s5 =	simm.s32 $0x3;
	s26 =	simm.s32 $0x500;
	s18 =	simm.s32 $0xA0;
	v16 =	vadd.s32 v0, v18;
	v18 =	vld.idx.msk [tilespmem:v19+s2+$0x0], $0xffff  }
0xac: {  	s4 =	sand.u32 $0x3, s5;
	s6 =	sand.u32 $0x7C00, s26;
	s18 =	sand.u32 $0x60, s18;
	v19 =	vld [tilespmem:s10+$0x510]  }
0xad: {  	s4 =	sshll.u32 s4, $0x5;
	v10 =	vld [tilespmem:s3+$0x400];
	[tilespmem:s28+$0x8580] =	vst v11;
	s25 =	sor.u32 s18, s6  }
0xae: {  	s4 =	sadd.s32 $0x300, s4;
	v57 =	vld [tilespmem:s25+$0x480];
	[tilespmem:s10+$0x8410] =	vst v8  }
0xaf: {  	s5 =	sadd.s32 $0x10, s4;
	[tilespmem:s10+$0x8400] =	vst v12;
	v11 =	vld.idx.msk [tilespmem:v17+s2+$0x0], $0xffff  }
0xb0: {  	s11 =	sor.u32 $0x300, s5;
	v12 =	vld.idx.msk [tilespmem:v16+s2+$0x0], $0xffff;
	[tilespmem:s28+$0x8690] =	vst v18  }
0xb1: {  	v16 =	vadd.s32 v0, v19;
	v17 =	vld [tilespmem:s11+$0x400]  }
0xb2: {  	v19 =	vld [tilespmem:s10+$0x590]  }
0xb3: {  	v20 =	vadd.s32 v0, v20;
	v23 =	vld [tilespmem:s25+$0x500]  }
0xb4: {  	v24 =	vld [tilespmem:s25+$0x600];
	v10 =	vadd.s32 v0, v10  }
0xb5: {  	v60 =	vld [tilespmem:s25+$0x510];
	[tilespmem:s10+$0x8490] =	vst v11  }
0xb6: {  	[tilespmem:s10+$0x8480] =	vst v12;
	v11 =	vld.idx.msk [tilespmem:v16+s2+$0x0], $0xffff;
	v12 =	vadd.s32 v0, v17  }
0xb7: {  	v61 =	vld [tilespmem:s25+$0x590];
	v17 =	vadd.s32 v0, v19  }
0xb8: {  	v8 =	vld.idx.msk [tilespmem:v20+s2+$0x0], $0xffff  }
0xb9: {  	v10 =	vld.idx.msk [tilespmem:v10+s2+$0x0], $0xffff  }
0xba: {  	v7 =	vadd.s32 v0, v7;
	v19 =	vld [tilespmem:s25+$0x400]  }
0xbb: {  	v18 =	vadd.s32 v0, v21;
	[tilespmem:s10+$0x8510] =	vst v11;
	v11 =	vld.idx.msk [tilespmem:v12+s2+$0x0], $0xffff  }
0xbc: {  	v13 =	vadd.s32 v0, v13;
	v12 =	vld.idx.msk [tilespmem:v17+s2+$0x0], $0xffff  }
0xbd: {  	s22 =	sor.u32 $0x300, s1;
	v17 =	vld [tilespmem:s25+$0x410]  }
0xbe: {  	[tilespmem:s28+$0x8600] =	vst v8;
	v8 =	vld [tilespmem:s22+$0x400]  }
0xbf: {  	v9 =	vadd.s32 v0, v9;
	v7 =	vld.idx.msk [tilespmem:v7+s2+$0x0], $0xffff  }
0xc0: {  	v16 =	vld.idx.msk [tilespmem:v18+s2+$0x0], $0xffff  }
0xc1: {  	v15 =	vadd.s32 v0, v15;
	v18 =	vld.idx.msk [tilespmem:v13+s2+$0x0], $0xffff  }
0xc2: {  	s5 =	sor.u32 $0x380, s5;
	[tilespmem:s11+$0x8400] =	vst v11;
	v11 =	vadd.s32 v0, v17;
	v17 =	vadd.s32 v0, v19;
	v19 =	vld [tilespmem:s25+$0x490]  }
0xc3: {  	[tilespmem:s10+$0x8590] =	vst v12;
	v12 =	vld [tilespmem:s5+$0x400]  }
0xc4: {  	s21 =	sor.u32 $0x380, s21;
	v9 =	vld.idx.msk [tilespmem:v9+s2+$0x0], $0xffff  }
0xc5: {  	v21 =	vadd.s32 v0, v58;
	v13 =	vld [tilespmem:s21+$0x400];
	[tilespmem:s10+$0x8500] =	vst v16  }
0xc6: {  	v15 =	vld.idx.msk [tilespmem:v15+s2+$0x0], $0xffff  }
0xc7: {  	v22 =	vadd.s32 v0, v22;
	v11 =	vld.idx.msk [tilespmem:v11+s2+$0x0], $0xffff  }
0xc8: {  	v16 =	vld [tilespmem:s25+$0x580];
	v12 =	vadd.s32 v0, v12  }
0xc9: {  	v17 =	vld.idx.msk [tilespmem:v17+s2+$0x0], $0xffff;
	v19 =	vadd.s32 v0, v19;
	[tilespmem:s10+$0x8610] =	vst v9  }
0xca: {  	s31 =	simm.s32 $0x4;
	s29 =	sor.u32 $0x300, s4;
	[tilespmem:s28+$0x8680] =	vst v7;
	v9 =	vadd.s32 v0, v57;
	v59 =	vld.idx.msk [tilespmem:v21+s2+$0x0], $0xffff  }
0xcb: {  	s18 =	sand.u32 $0x3, s31;
	v62 =	vld [tilespmem:s29+$0x400];
	[tilespmem:s10+$0x8580] =	vst v15  }
0xcc: {  	v25 =	vadd.s32 v0, v13;
	s11 =	sshll.u32 s18, $0x5;
	[tilespmem:s25+$0x8410] =	vst v11;
	v11 =	vld.idx.msk [tilespmem:v22+s2+$0x0], $0xffff  }
0xcd: {  	s6 =	sadd.s32 $0x400, s11;
	v12 =	vld.idx.msk [tilespmem:v12+s2+$0x0], $0xffff  }
0xce: {  	v7 =	vadd.s32 v0, v8;
	s11 =	sadd.s32 $0x10, s6;
	[tilespmem:s25+$0x8400] =	vst v17;
	v15 =	vld.idx.msk [tilespmem:v19+s2+$0x0], $0xffff  }
0xcf: {  	v14 =	vadd.s32 v0, v14;
	s18 =	sor.u32 $0x300, s11;
	v9 =	vld.idx.msk [tilespmem:v9+s2+$0x0], $0xffff;
	[tilespmem:s10+$0x8690] =	vst v59  }
0xd0: {  	[tilespmem:s23+$0x8400] =	vst v5;
	v19 =	vadd.s32 v0, v60;
	v20 =	vld [tilespmem:s18+$0x400]  }
0xd1: {  	v5 =	vadd.s32 v0, v23;
	[tilespmem:s3+$0x8400] =	vst v10;
	v10 =	vld.idx.msk [tilespmem:v25+s2+$0x0], $0xffff  }
0xd2: {  	v17 =	vld [tilespmem:s25+$0x680];
	[tilespmem:s10+$0x8600] =	vst v11  }
0xd3: {  	v11 =	vld.idx.msk [tilespmem:v7+s2+$0x0], $0xffff;
	[tilespmem:s25+$0x8490] =	vst v15  }
0xd4: {  	v63 =	vld.idx.msk [tilespmem:v14+s2+$0x0], $0xffff;
	[tilespmem:s25+$0x8480] =	vst v9  }
0xd5: {  	[tilespmem:s5+$0x8400] =	vst v12;
	v14 =	vld.idx.msk [tilespmem:v19+s2+$0x0], $0xffff;
	v12 =	vadd.s32 v0, v20  }
0xd6: {  	s23 =	sor.u32 $0x380, s24;
	[tilespmem:s0+$0x8400] =	vst v18;
	v8 =	vadd.s32 v0, v16;
	v16 =	vadd.s32 v0, v61;
	v13 =	vld.idx.msk [tilespmem:v5+s2+$0x0], $0xffff  }
0xd7: {  	s24 =	sor.u32 $0x380, s1;
	v9 =	vld [tilespmem:s23+$0x400]  }
0xd8: {  	s1 =	simm.s32 $0xA;
	[tilespmem:s30+$0x8400] =	vst v6;
	s30 =	simm.s32 $0xC0;
	s3 =	simm.s32 $0x600;
	v15 =	vld [tilespmem:s25+$0x610]  }
0xd9: {  	s28 =	sor.u32 $0x380, s4;
	s4 =	sor.u32 $0x300, s6;
	s0 =	sor.u32 $0x380, s6;
	v7 =	vadd.s32 v0, v24;
	v6 =	vadd.s32 v0, v17;
	v5 =	vadd.s32 v0, v62;
	[tilespmem:s10+$0x8680] =	vst v63  }
.LBB2_2:
0xda: {  	s5 =	sand.u32 $0x60, s30;
	s6 =	sand.u32 $0x7C00, s3;
	s1 =	sadd.s32 $0x2, s1;
	[tilespmem:s25+$0x8510] =	vst v14;
	v12 =	vld.idx.msk [tilespmem:v12+s2+$0x0], $0xffff  }
0xdb: {  	s10 =	sor.u32 s5, s6;
	p2 =	slt.u32 s1, $0xFE;
	[tilespmem:s25+$0x8500] =	vst v13;
	v13 =	vld.idx.msk [tilespmem:v16+s2+$0x0], $0xffff  }
0xdc: {  	v14 =	vld [tilespmem:s10+$0x410];
	[tilespmem:s22+$0x8400] =	vst v11;
	v17 =	vadd.s32 v0, v9;
	s22 =	smov.u32 s29;
	s29 =	smov.u32 s4  }
0xdd: {  	v9 =	vld [tilespmem:s10+$0x400];
	v11 =	vadd.s32 v0, v15  }
0xde: {  	v15 =	vld [tilespmem:s10+$0x480]  }
0xdf: {  	v16 =	vld [tilespmem:s25+$0x690];
	[tilespmem:s21+$0x8400] =	vst v10;
	s21 =	smov.u32 s23;
	s23 =	smov.u32 s24;
	s24 =	smov.u32 s28  }
0xe0: {  	s5 =	sor.u32 $0x380, s11;
	s28 =	smov.u32 s0;
	v10 =	vld [tilespmem:s10+$0x500];
	[tilespmem:s18+$0x8400] =	vst v12  }
0xe1: {  	v12 =	vadd.s32 v0, v14;
	[tilespmem:s25+$0x8590] =	vst v13;
	v13 =	vld [tilespmem:s5+$0x400]  }
0xe2: {  	v9 =	vadd.s32 v0, v9;
	v11 =	vld.idx.msk [tilespmem:v11+s2+$0x0], $0xffff  }
0xe3: {  	v14 =	vadd.s32 v0, v15;
	v15 =	vld [tilespmem:s10+$0x490]  }
0xe4: {  	v18 =	vld [tilespmem:s10+$0x580];
	v16 =	vadd.s32 v0, v16  }
0xe5: {  	v10 =	vadd.s32 v0, v10;
	v19 =	vld.idx.msk [tilespmem:v8+s2+$0x0], $0xffff  }
0xe6: {  	v12 =	vld.idx.msk [tilespmem:v12+s2+$0x0], $0xffff;
	v13 =	vadd.s32 v0, v13  }
0xe7: {  	v9 =	vld.idx.msk [tilespmem:v9+s2+$0x0], $0xffff  }
0xe8: {  	v20 =	vld [tilespmem:s10+$0x600];
	v15 =	vadd.s32 v0, v15;
	[tilespmem:s25+$0x8610] =	vst v11  }
0xe9: {  	v8 =	vadd.s32 v0, v18;
	v11 =	vld.idx.msk [tilespmem:v16+s2+$0x0], $0xffff  }
0xea: {  	s31 =	sadd.s32 $0x1, s31;
	v16 =	vld [tilespmem:s10+$0x510]  }
0xeb: {  	s0 =	sand.u32 $0x3, s31;
	[tilespmem:s25+$0x8580] =	vst v19;
	v13 =	vld.idx.msk [tilespmem:v13+s2+$0x0], $0xffff  }
0xec: {  	s0 =	sshll.u32 s0, $0x5;
	[tilespmem:s10+$0x8410] =	vst v12;
	v12 =	vld.idx.msk [tilespmem:v7+s2+$0x0], $0xffff  }
0xed: {  	s6 =	sadd.s32 s0, s26;
	s26 =	smov.u32 s3;
	[tilespmem:s10+$0x8400] =	vst v9;
	v7 =	vadd.s32 v0, v20;
	v9 =	vld.idx.msk [tilespmem:v15+s2+$0x0], $0xffff  }
0xee: {  	s4 =	sor.u32 $0x300, s6;
	s0 =	sor.u32 $0x380, s6;
	s11 =	sadd.s32 $0x10, s6;
	v14 =	vld.idx.msk [tilespmem:v14+s2+$0x0], $0xffff  }
0xef: {  	s18 =	sor.u32 $0x300, s11;
	v15 =	vld [tilespmem:s10+$0x680];
	v16 =	vadd.s32 v0, v16;
	[tilespmem:s25+$0x8690] =	vst v11  }
0xf0: {  	v11 =	vld [tilespmem:s18+$0x400]  }
0xf1: {  	v18 =	vld [tilespmem:s10+$0x590];
	[tilespmem:s5+$0x8400] =	vst v13  }
0xf2: {  	[tilespmem:s25+$0x8600] =	vst v12;
	v19 =	vld [tilespmem:s29+$0x400]  }
0xf3: {  	[tilespmem:s10+$0x8490] =	vst v9;
	v20 =	vld.idx.msk [tilespmem:v6+s2+$0x0], $0xffff  }
0xf4: {  	[tilespmem:s10+$0x8480] =	vst v14;
	v6 =	vadd.s32 v0, v15;
	v14 =	vld.idx.msk [tilespmem:v16+s2+$0x0], $0xffff  }
.Ltmp2:
0xf5: {  	v13 =	vld.idx.msk [tilespmem:v10+s2+$0x0], $0xffff;
	v12 =	vadd.s32 v0, v11;
	(pc) =	sbr.rel @p2 .LBB2_2-.Ltmp2, $4  }
0xf6: {  	v16 =	vadd.s32 v0, v18;
	v11 =	vld.idx.msk [tilespmem:v5+s2+$0x0], $0xffff  }
0xf7: {  	v5 =	vadd.s32 v0, v19;
	v9 =	vld [tilespmem:s23+$0x400]  }
0xf8: {  	v15 =	vld [tilespmem:s10+$0x610]  }
0xf9: {  	s30 =	sadd.s32 $0x20, s30;
	s3 =	sadd.s32 $0x100, s3;
	[tilespmem:s25+$0x8680] =	vst v20;
	v10 =	vld.idx.msk [tilespmem:v17+s2+$0x0], $0xffff;
	s25 =	smov.u32 s10  }
0xfa: {  	_ =	sdelay $0x2  }
0xfb: {  	[tilespmem:s25+$0x8500] =	vst v13  }
0xfc: {  	[tilespmem:s25+$0x8510] =	vst v14;
	v8 =	vld.idx.msk [tilespmem:v8+s2+$0x0], $0xffff  }
0xfd: {  	v14 =	vld.idx.msk [tilespmem:v16+s2+$0x0], $0xffff  }
0xfe: {  	v15 =	vadd.s32 v0, v15  }
0xff: {  	v16 =	vld [tilespmem:s25+$0x690];
	_ =	sdelay $0x1  }
0x100: {  	[tilespmem:s25+$0x8580] =	vst v8  }
0x101: {  	[tilespmem:s25+$0x8590] =	vst v14;
	v7 =	vld.idx.msk [tilespmem:v7+s2+$0x0], $0xffff  }
0x102: {  	v13 =	vld.idx.msk [tilespmem:v15+s2+$0x0], $0xffff  }
0x103: {  	v14 =	vadd.s32 v0, v16;
	_ =	sdelay $0x2  }
0x104: {  	[tilespmem:s25+$0x8600] =	vst v7  }
0x105: {  	[tilespmem:s25+$0x8610] =	vst v13;
	v6 =	vld.idx.msk [tilespmem:v6+s2+$0x0], $0xffff  }
0x106: {  	v8 =	vld.idx.msk [tilespmem:v14+s2+$0x0], $0xffff  }
0x107: {  	s1 =	sadd.s32 $0x1, s31  }
0x108: {  	s1 =	sand.u32 $0x3, s1  }
0x109: {  	s1 =	sshll.u32 s1, $0x5  }
0x10a: {  	s1 =	sadd.s32 s1, s26;
	[tilespmem:s25+$0x8680] =	vst v6  }
0x10b: {  	s3 =	sadd.s32 $0x10, s1;
	s6 =	sor.u32 $0x300, s1;
	[tilespmem:s25+$0x8690] =	vst v8;
	v8 =	vld [tilespmem:s4+$0x400]  }
0x10c: {  	s5 =	sor.u32 $0x300, s3;
	v6 =	vld [tilespmem:s6+$0x400]  }
0x10d: {  	v7 =	vld [tilespmem:s5+$0x400]  }
0x10e: {  	v12 =	vld.idx.msk [tilespmem:v12+s2+$0x0], $0xffff;
	_ =	sdelay $0x1  }
0x10f: {  	v8 =	vadd.s32 v0, v8  }
0x110: {  	v6 =	vadd.s32 v0, v6  }
0x111: {  	v7 =	vadd.s32 v0, v7  }
0x112: {  	s10 =	sor.u32 $0x380, s11;
	v5 =	vld.idx.msk [tilespmem:v5+s2+$0x0], $0xffff;
	[tilespmem:s18+$0x8400] =	vst v12  }
0x113: {  	v12 =	vld [tilespmem:s10+$0x400]  }
0x114: {  	v8 =	vld.idx.msk [tilespmem:v8+s2+$0x0], $0xffff  }
0x115: {  	v6 =	vld.idx.msk [tilespmem:v6+s2+$0x0], $0xffff  }
0x116: {  	v7 =	vld.idx.msk [tilespmem:v7+s2+$0x0], $0xffff  }
0x117: {  	[tilespmem:s22+$0x8400] =	vst v11  }
0x118: {  	v11 =	vld [tilespmem:s24+$0x400];
	[tilespmem:s29+$0x8400] =	vst v5  }
0x119: {  	v5 =	vld [tilespmem:s28+$0x400];
	[tilespmem:s4+$0x8400] =	vst v8  }
0x11a: {  	s1 =	sor.u32 $0x380, s1;
	v8 =	vadd.s32 v0, v12;
	[tilespmem:s6+$0x8400] =	vst v6;
	v12 =	vld [tilespmem:s0+$0x400]  }
0x11b: {  	s3 =	sor.u32 $0x380, s3;
	v6 =	vadd.s32 v0, v9;
	[tilespmem:s5+$0x8400] =	vst v7;
	v9 =	vld [tilespmem:s1+$0x400]  }
0x11c: {  	v7 =	vld [tilespmem:s3+$0x400]  }
0x11d: {  	v11 =	vadd.s32 v0, v11  }
0x11e: {  	v5 =	vadd.s32 v0, v5  }
0x11f: {  	v8 =	vld.idx.msk [tilespmem:v8+s2+$0x0], $0xffff;
	v12 =	vadd.s32 v0, v12  }
0x120: {  	v6 =	vld.idx.msk [tilespmem:v6+s2+$0x0], $0xffff;
	v9 =	vadd.s32 v0, v9  }
0x121: {  	v7 =	vadd.s32 v0, v7  }
0x122: {  	v11 =	vld.idx.msk [tilespmem:v11+s2+$0x0], $0xffff  }
0x123: {  	v5 =	vld.idx.msk [tilespmem:v5+s2+$0x0], $0xffff  }
0x124: {  	[tilespmem:s10+$0x8400] =	vst v8;
	v8 =	vld.idx.msk [tilespmem:v12+s2+$0x0], $0xffff  }
0x125: {  	[tilespmem:s23+$0x8400] =	vst v6;
	v6 =	vld.idx.msk [tilespmem:v9+s2+$0x0], $0xffff  }
0x126: {  	[tilespmem:s21+$0x8400] =	vst v10;
	v7 =	vld.idx.msk [tilespmem:v7+s2+$0x0], $0xffff  }
0x127: {  	[tilespmem:s24+$0x8400] =	vst v11  }
0x128: {  	[tilespmem:s28+$0x8400] =	vst v5  }
0x129: {  	[tilespmem:s0+$0x8400] =	vst v8  }
0x12a: {  	[tilespmem:s1+$0x8400] =	vst v6  }
0x12b: {  	[tilespmem:s3+$0x8400] =	vst v7  }
0x12c: {  	s18 =	simm.s32 $0x0;
	s0 =	rddreg [dreg:$0x6]  }
0x12d: {  	[hbm4b:s0+s18] =	stream.linear.scatter [tilespmem:s17], [sflag:$0x1], $0x8000, $0x38;
	[tilespmem:$0x18400] =	vst v63  }
0x12e: {  	s21 =	rddreg [dreg:$0x7]  }
0x12f: {  	[tilespmem:s16], [sflag:$0x2] =	stream.linear.gather [hbm4b:s21+s18], $0x8000, $0x38;
	[tilespmem:$0x18400] =	vst v63  }
0x130: {  	_ =	swait.ge [sflag:s15], $0x8000  }
0x131: {  	s22 =	sand.u32 $0x60, s18;
	s23 =	sand.u32 $0x7C00, s18;
	[sflag:s15] =	ssyncset.done $0x0  }
0x132: {  	s0 =	sor.u32 s22, s23;
	[sflag:s15] =	ssyncadd.s32 $0xFFFF8000  }
0x133: {  	v5 =	vld [tilespmem:s0+$0x410];
	_ =	sdelay $0x4  }
0x134: {  	v5 =	vadd.s32 v1, v5  }
0x135: {  	v6 =	vld [tilespmem:s0+$0x490];
	_ =	sdelay $0x3  }
0x136: {  	v5 =	vld.idx.msk [tilespmem:v5+s2+$0x0], $0xffff  }
0x137: {  	v7 =	vld [tilespmem:s0+$0x400];
	v6 =	vadd.s32 v1, v6  }
0x138: {  	v8 =	vld [tilespmem:s0+$0x510];
	_ =	sdelay $0x2  }
0x139: {  	[tilespmem:s0+$0x10410] =	vst v5  }
0x13a: {  	v5 =	vadd.s32 v1, v7;
	v6 =	vld.idx.msk [tilespmem:v6+s2+$0x0], $0xffff  }
0x13b: {  	v8 =	vadd.s32 v1, v8;
	v7 =	vld [tilespmem:s0+$0x480]  }
0x13c: {  	v9 =	vld [tilespmem:s0+$0x590];
	_ =	sdelay $0x1  }
0x13d: {  	v10 =	vld [tilespmem:s0+$0x500]  }
0x13e: {  	v5 =	vld.idx.msk [tilespmem:v5+s2+$0x0], $0xffff;
	[tilespmem:s0+$0x10490] =	vst v6  }
0x13f: {  	v6 =	vadd.s32 v1, v7;
	v7 =	vld.idx.msk [tilespmem:v8+s2+$0x0], $0xffff  }
0x140: {  	v11 =	vld [tilespmem:s0+$0x580];
	v8 =	vadd.s32 v1, v9  }
0x141: {  	v9 =	vld [tilespmem:s0+$0x610]  }
0x142: {  	v12 =	vld [tilespmem:s0+$0x600]  }
0x143: {  	s24 =	simm.s32 $0x100;
	s25 =	simm.s32 $0x20;
	v13 =	vld [tilespmem:s0+$0x680];
	[tilespmem:s0+$0x10400] =	vst v5  }
0x144: {  	s4 =	sand.u32 $0x60, s25;
	s3 =	sand.u32 $0x7C00, s24;
	v5 =	vld.idx.msk [tilespmem:v6+s2+$0x0], $0xffff;
	[tilespmem:s0+$0x10510] =	vst v7  }
0x145: {  	s22 =	sor.u32 s4, s3;
	v6 =	vld.idx.msk [tilespmem:v8+s2+$0x0], $0xffff  }
0x146: {  	v7 =	vld [tilespmem:s22+$0x410];
	v8 =	vadd.s32 v1, v9  }
0x147: {  	s6 =	simm.s32 $0x200;
	s10 =	simm.s32 $0x40;
	v9 =	vld [tilespmem:s0+$0x690]  }
0x148: {  	s5 =	sand.u32 $0x60, s10;
	s4 =	sand.u32 $0x7C00, s6;
	v14 =	vld [tilespmem:s22+$0x400];
	v10 =	vadd.s32 v1, v10  }
0x149: {  	s25 =	sor.u32 s5, s4;
	v15 =	vld [tilespmem:s22+$0x500]  }
0x14a: {  	v16 =	vld [tilespmem:s25+$0x480];
	[tilespmem:s0+$0x10590] =	vst v6  }
0x14b: {  	v6 =	vadd.s32 v1, v7;
	v7 =	vld.idx.msk [tilespmem:v8+s2+$0x0], $0xffff  }
0x14c: {  	[tilespmem:s0+$0x10480] =	vst v5;
	v5 =	vld [tilespmem:s22+$0x490];
	v8 =	vadd.s32 v1, v9  }
0x14d: {  	v9 =	vld.idx.msk [tilespmem:v10+s2+$0x0], $0xffff  }
0x14e: {  	v17 =	vld [tilespmem:s25+$0x500];
	v10 =	vadd.s32 v1, v11  }
0x14f: {  	v14 =	vadd.s32 v1, v14;
	v11 =	vld [tilespmem:s22+$0x480]  }
0x150: {  	v6 =	vld.idx.msk [tilespmem:v6+s2+$0x0], $0xffff;
	[tilespmem:s0+$0x10610] =	vst v7  }
0x151: {  	v5 =	vadd.s32 v1, v5;
	v7 =	vld.idx.msk [tilespmem:v8+s2+$0x0], $0xffff  }
0x152: {  	[tilespmem:s0+$0x10500] =	vst v9;
	v8 =	vld [tilespmem:s22+$0x510]  }
0x153: {  	s1 =	sand.u32 $0x3, s18;
	v9 =	vld.idx.msk [tilespmem:v10+s2+$0x0], $0xffff  }
0x154: {  	s1 =	sshll.u32 s1, $0x5;
	v10 =	vadd.s32 v1, v12;
	v12 =	vld.idx.msk [tilespmem:v14+s2+$0x0], $0xffff  }
0x155: {  	s21 =	sadd.s32 $0x0, s1;
	v14 =	vld [tilespmem:s22+$0x580];
	[tilespmem:s22+$0x10410] =	vst v6  }
0x156: {  	s1 =	sadd.s32 $0x10, s21;
	v11 =	vadd.s32 v1, v11;
	v5 =	vld.idx.msk [tilespmem:v5+s2+$0x0], $0xffff  }
0x157: {  	s26 =	sor.u32 $0x300, s1;
	[tilespmem:s0+$0x10690] =	vst v7;
	v6 =	vadd.s32 v1, v8;
	v8 =	vld [tilespmem:s22+$0x590]  }
0x158: {  	[tilespmem:s0+$0x10580] =	vst v9;
	v7 =	vld [tilespmem:s26+$0x400]  }
0x159: {  	[tilespmem:s22+$0x10400] =	vst v12;
	v12 =	vadd.s32 v1, v15;
	v15 =	vld [tilespmem:s25+$0x400]  }
0x15a: {  	v9 =	vld.idx.msk [tilespmem:v10+s2+$0x0], $0xffff  }
0x15b: {  	v10 =	vadd.s32 v1, v13;
	v11 =	vld.idx.msk [tilespmem:v11+s2+$0x0], $0xffff  }
0x15c: {  	v13 =	vld [tilespmem:s22+$0x600];
	[tilespmem:s22+$0x10490] =	vst v5  }
0x15d: {  	v5 =	vld.idx.msk [tilespmem:v6+s2+$0x0], $0xffff;
	v6 =	vadd.s32 v1, v7  }
0x15e: {  	v8 =	vadd.s32 v1, v8;
	v7 =	vld [tilespmem:s22+$0x680]  }
0x15f: {  	[tilespmem:s0+$0x10600] =	vst v9;
	v9 =	vld [tilespmem:s22+$0x610]  }
0x160: {  	[tilespmem:s22+$0x10480] =	vst v11;
	v10 =	vld.idx.msk [tilespmem:v10+s2+$0x0], $0xffff  }
0x161: {  	v11 =	vld.idx.msk [tilespmem:v12+s2+$0x0], $0xffff  }
0x162: {  	[tilespmem:s22+$0x10510] =	vst v5;
	v5 =	vld.idx.msk [tilespmem:v6+s2+$0x0], $0xffff  }
0x163: {  	v6 =	vld.idx.msk [tilespmem:v8+s2+$0x0], $0xffff  }
0x164: {  	s6 =	simm.s32 $0x60;
	s5 =	simm.s32 $0x300;
	v8 =	vld [tilespmem:s25+$0x410];
	v9 =	vadd.s32 v1, v9  }
0x165: {  	s4 =	sand.u32 $0x60, s6;
	v12 =	vld [tilespmem:s22+$0x690];
	[tilespmem:s0+$0x10680] =	vst v10;
	s0 =	sand.u32 $0x7C00, s5  }
0x166: {  	[tilespmem:s22+$0x10500] =	vst v11;
	v11 =	vadd.s32 v1, v15;
	v15 =	vld [tilespmem:s25+$0x580];
	s28 =	sor.u32 s4, s0  }
0x167: {  	v19 =	vld [tilespmem:s28+$0x500];
	[tilespmem:s26+$0x10400] =	vst v5  }
0x168: {  	v5 =	vadd.s32 v1, v14;
	[tilespmem:s22+$0x10590] =	vst v6;
	v14 =	vld [tilespmem:s25+$0x490]  }
0x169: {  	s23 =	sor.u32 $0x380, s1;
	v8 =	vadd.s32 v1, v8;
	v9 =	vld.idx.msk [tilespmem:v9+s2+$0x0], $0xffff  }
0x16a: {  	v12 =	vadd.s32 v1, v12;
	v6 =	vld [tilespmem:s23+$0x400]  }
0x16b: {  	v20 =	vld [tilespmem:s28+$0x600]  }
0x16c: {  	v11 =	vld.idx.msk [tilespmem:v11+s2+$0x0], $0xffff  }
0x16d: {  	v16 =	vadd.s32 v1, v16;
	v18 =	vld.idx.msk [tilespmem:v5+s2+$0x0], $0xffff  }
0x16e: {  	v8 =	vld.idx.msk [tilespmem:v8+s2+$0x0], $0xffff;
	[tilespmem:s22+$0x10610] =	vst v9  }
0x16f: {  	s11 =	simm.s32 $0x1;
	v5 =	vadd.s32 v1, v6;
	v6 =	vadd.s32 v1, v14;
	v9 =	vld.idx.msk [tilespmem:v12+s2+$0x0], $0xffff  }
0x170: {  	s1 =	sand.u32 $0x3, s11;
	v12 =	vld [tilespmem:s25+$0x510]  }
0x171: {  	s1 =	sshll.u32 s1, $0x5;
	v14 =	vld [tilespmem:s25+$0x600];
	[tilespmem:s25+$0x10400] =	vst v11  }
0x172: {  	s24 =	sadd.s32 $0x100, s1;
	v13 =	vadd.s32 v1, v13;
	v11 =	vld.idx.msk [tilespmem:v16+s2+$0x0], $0xffff  }
0x173: {  	s1 =	sadd.s32 $0x10, s24;
	v16 =	vadd.s32 v1, v17;
	v17 =	vld [tilespmem:s25+$0x680];
	[tilespmem:s25+$0x10410] =	vst v8  }
0x174: {  	s18 =	sor.u32 $0x300, s1;
	v6 =	vld.idx.msk [tilespmem:v6+s2+$0x0], $0xffff;
	[tilespmem:s22+$0x10690] =	vst v9  }
0x175: {  	v8 =	vadd.s32 v1, v12;
	v9 =	vld [tilespmem:s18+$0x400]  }
0x176: {  	[tilespmem:s22+$0x10580] =	vst v18;
	v12 =	vld [tilespmem:s25+$0x590]  }
0x177: {  	v13 =	vld.idx.msk [tilespmem:v13+s2+$0x0], $0xffff  }
0x178: {  	v7 =	vadd.s32 v1, v7;
	v18 =	vld [tilespmem:s28+$0x480]  }
0x179: {  	v5 =	vld.idx.msk [tilespmem:v5+s2+$0x0], $0xffff;
	[tilespmem:s25+$0x10490] =	vst v6  }
0x17a: {  	[tilespmem:s25+$0x10480] =	vst v11;
	v6 =	vld.idx.msk [tilespmem:v8+s2+$0x0], $0xffff;
	v8 =	vadd.s32 v1, v9  }
0x17b: {  	v11 =	vld.idx.msk [tilespmem:v16+s2+$0x0], $0xffff;
	v10 =	vadd.s32 v1, v12  }
0x17c: {  	[tilespmem:s22+$0x10600] =	vst v13;
	v12 =	vld [tilespmem:s25+$0x610]  }
0x17d: {  	s26 =	sor.u32 $0x300, s21;
	v7 =	vld.idx.msk [tilespmem:v7+s2+$0x0], $0xffff  }
0x17e: {  	v9 =	vld [tilespmem:s26+$0x400]  }
0x17f: {  	[tilespmem:s25+$0x10510] =	vst v6;
	v6 =	vld.idx.msk [tilespmem:v8+s2+$0x0], $0xffff  }
0x180: {  	v15 =	vadd.s32 v1, v15;
	v8 =	vld.idx.msk [tilespmem:v10+s2+$0x0], $0xffff  }
0x181: {  	v12 =	vadd.s32 v1, v12;
	v10 =	vld [tilespmem:s28+$0x410]  }
0x182: {  	v13 =	vld [tilespmem:s28+$0x400]  }
0x183: {  	v16 =	vld [tilespmem:s25+$0x690]  }
0x184: {  	[tilespmem:s25+$0x10500] =	vst v11;
	v11 =	vld [tilespmem:s28+$0x580]  }
0x185: {  	s10 =	simm.s32 $0x2;
	v15 =	vld.idx.msk [tilespmem:v15+s2+$0x0], $0xffff;
	v9 =	vadd.s32 v1, v9;
	[tilespmem:s25+$0x10590] =	vst v8  }
0x186: {  	s0 =	sand.u32 $0x3, s10;
	s10 =	simm.s32 $0x80;
	[tilespmem:s22+$0x10680] =	vst v7;
	s22 =	simm.s32 $0x400;
	v8 =	vadd.s32 v1, v10;
	v10 =	vld.idx.msk [tilespmem:v12+s2+$0x0], $0xffff  }
0x187: {  	s6 =	sand.u32 $0x60, s10;
	s5 =	sand.u32 $0x7C00, s22;
	[tilespmem:s18+$0x10400] =	vst v6;
	v6 =	vadd.s32 v1, v13;
	v12 =	vld [tilespmem:s28+$0x490]  }
0x188: {  	v16 =	vadd.s32 v1, v16;
	v7 =	vld [tilespmem:s28+$0x680];
	s10 =	sor.u32 s6, s5  }
0x189: {  	v21 =	vld [tilespmem:s10+$0x500]  }
0x18a: {  	v9 =	vld.idx.msk [tilespmem:v9+s2+$0x0], $0xffff  }
0x18b: {  	v14 =	vadd.s32 v1, v14;
	v8 =	vld.idx.msk [tilespmem:v8+s2+$0x0], $0xffff  }
0x18c: {  	v6 =	vld.idx.msk [tilespmem:v6+s2+$0x0], $0xffff;
	v12 =	vadd.s32 v1, v12;
	[tilespmem:s25+$0x10610] =	vst v10  }
0x18d: {  	v10 =	vadd.s32 v1, v18;
	v16 =	vld.idx.msk [tilespmem:v16+s2+$0x0], $0xffff  }
0x18e: {  	s30 =	sor.u32 $0x380, s1;
	v18 =	vld [tilespmem:s28+$0x510]  }
0x18f: {  	s0 =	sshll.u32 s0, $0x5;
	[tilespmem:s25+$0x10580] =	vst v15;
	v13 =	vld [tilespmem:s30+$0x400]  }
0x190: {  	s1 =	sadd.s32 $0x200, s0;
	[tilespmem:s28+$0x10410] =	vst v8;
	v8 =	vld.idx.msk [tilespmem:v14+s2+$0x0], $0xffff  }
0x191: {  	s11 =	sadd.s32 $0x10, s1;
	[tilespmem:s28+$0x10400] =	vst v6;
	v12 =	vld.idx.msk [tilespmem:v12+s2+$0x0], $0xffff  }
0x192: {  	s18 =	sor.u32 $0x300, s11;
	v10 =	vld.idx.msk [tilespmem:v10+s2+$0x0], $0xffff;
	[tilespmem:s25+$0x10690] =	vst v16  }
0x193: {  	v14 =	vadd.s32 v1, v18;
	v15 =	vld [tilespmem:s18+$0x400]  }
0x194: {  	v13 =	vadd.s32 v1, v13;
	v16 =	vadd.s32 v1, v17;
	v17 =	vld [tilespmem:s28+$0x590]  }
0x195: {  	v22 =	vld [tilespmem:s10+$0x600]  }
0x196: {  	v58 =	vld [tilespmem:s10+$0x690];
	[tilespmem:s26+$0x10400] =	vst v9  }
0x197: {  	v9 =	vld [tilespmem:s10+$0x610];
	[tilespmem:s28+$0x10490] =	vst v12  }
0x198: {  	[tilespmem:s25+$0x10600] =	vst v8;
	v8 =	vld.idx.msk [tilespmem:v14+s2+$0x0], $0xffff;
	v12 =	vadd.s32 v1, v15  }
0x199: {  	v6 =	vld.idx.msk [tilespmem:v13+s2+$0x0], $0xffff;
	[tilespmem:s28+$0x10480] =	vst v10;
	v10 =	vadd.s32 v1, v17  }
0x19a: {  	v14 =	vld.idx.msk [tilespmem:v16+s2+$0x0], $0xffff  }
0x19b: {  	v16 =	vld [tilespmem:s28+$0x610]  }
0x19c: {  	v17 =	vld [tilespmem:s10+$0x400]  }
0x19d: {  	v18 =	vadd.s32 v1, v19;
	[tilespmem:s28+$0x10510] =	vst v8;
	v8 =	vld.idx.msk [tilespmem:v12+s2+$0x0], $0xffff  }
0x19e: {  	v10 =	vld.idx.msk [tilespmem:v10+s2+$0x0], $0xffff  }
0x19f: {  	s0 =	sor.u32 $0x300, s24;
	v12 =	vld [tilespmem:s10+$0x410]  }
0x1a0: {  	v13 =	vld [tilespmem:s0+$0x400];
	v16 =	vadd.s32 v1, v16  }
0x1a1: {  	v19 =	vld [tilespmem:s28+$0x690]  }
0x1a2: {  	v15 =	vld.idx.msk [tilespmem:v18+s2+$0x0], $0xffff  }
0x1a3: {  	v11 =	vadd.s32 v1, v11;
	v18 =	vld [tilespmem:s10+$0x480];
	[tilespmem:s18+$0x10400] =	vst v8  }
0x1a4: {  	v8 =	vadd.s32 v1, v12;
	[tilespmem:s28+$0x10590] =	vst v10;
	v12 =	vadd.s32 v1, v17;
	v17 =	vld [tilespmem:s10+$0x490]  }
0x1a5: {  	v16 =	vld.idx.msk [tilespmem:v16+s2+$0x0], $0xffff  }
0x1a6: {  	v19 =	vadd.s32 v1, v19;
	[tilespmem:s25+$0x10680] =	vst v14;
	v14 =	vld [tilespmem:s10+$0x680]  }
0x1a7: {  	[tilespmem:s28+$0x10500] =	vst v15;
	v15 =	vld [tilespmem:s10+$0x580]  }
0x1a8: {  	v11 =	vld.idx.msk [tilespmem:v11+s2+$0x0], $0xffff  }
0x1a9: {  	v8 =	vld.idx.msk [tilespmem:v8+s2+$0x0], $0xffff  }
0x1aa: {  	s3 =	sor.u32 $0x380, s11;
	v12 =	vld.idx.msk [tilespmem:v12+s2+$0x0], $0xffff;
	v17 =	vadd.s32 v1, v17;
	[tilespmem:s28+$0x10610] =	vst v16  }
0x1ab: {  	s11 =	simm.s32 $0x3;
	s26 =	simm.s32 $0x500;
	s18 =	simm.s32 $0xA0;
	v16 =	vadd.s32 v1, v18;
	v18 =	vld.idx.msk [tilespmem:v19+s2+$0x0], $0xffff  }
0x1ac: {  	s4 =	sand.u32 $0x3, s11;
	s25 =	sand.u32 $0x7C00, s26;
	s11 =	sand.u32 $0x60, s18;
	v19 =	vld [tilespmem:s10+$0x510]  }
0x1ad: {  	s4 =	sshll.u32 s4, $0x5;
	v10 =	vld [tilespmem:s3+$0x400];
	[tilespmem:s28+$0x10580] =	vst v11;
	s25 =	sor.u32 s11, s25  }
0x1ae: {  	s4 =	sadd.s32 $0x300, s4;
	v57 =	vld [tilespmem:s25+$0x480];
	[tilespmem:s10+$0x10410] =	vst v8  }
0x1af: {  	s5 =	sadd.s32 $0x10, s4;
	[tilespmem:s10+$0x10400] =	vst v12;
	v11 =	vld.idx.msk [tilespmem:v17+s2+$0x0], $0xffff  }
0x1b0: {  	s6 =	sor.u32 $0x300, s5;
	v12 =	vld.idx.msk [tilespmem:v16+s2+$0x0], $0xffff;
	[tilespmem:s28+$0x10690] =	vst v18  }
0x1b1: {  	v16 =	vadd.s32 v1, v19;
	v17 =	vld [tilespmem:s6+$0x400]  }
0x1b2: {  	v19 =	vld [tilespmem:s10+$0x590]  }
0x1b3: {  	v20 =	vadd.s32 v1, v20;
	v23 =	vld [tilespmem:s25+$0x500]  }
0x1b4: {  	v24 =	vld [tilespmem:s25+$0x600];
	v10 =	vadd.s32 v1, v10  }
0x1b5: {  	v60 =	vld [tilespmem:s25+$0x510];
	[tilespmem:s10+$0x10490] =	vst v11  }
0x1b6: {  	[tilespmem:s10+$0x10480] =	vst v12;
	v11 =	vld.idx.msk [tilespmem:v16+s2+$0x0], $0xffff;
	v12 =	vadd.s32 v1, v17  }
0x1b7: {  	v61 =	vld [tilespmem:s25+$0x590];
	v17 =	vadd.s32 v1, v19  }
0x1b8: {  	v8 =	vld.idx.msk [tilespmem:v20+s2+$0x0], $0xffff  }
0x1b9: {  	v10 =	vld.idx.msk [tilespmem:v10+s2+$0x0], $0xffff  }
0x1ba: {  	v7 =	vadd.s32 v1, v7;
	v19 =	vld [tilespmem:s25+$0x400]  }
0x1bb: {  	v18 =	vadd.s32 v1, v21;
	[tilespmem:s10+$0x10510] =	vst v11;
	v11 =	vld.idx.msk [tilespmem:v12+s2+$0x0], $0xffff  }
0x1bc: {  	v13 =	vadd.s32 v1, v13;
	v12 =	vld.idx.msk [tilespmem:v17+s2+$0x0], $0xffff  }
0x1bd: {  	s22 =	sor.u32 $0x300, s1;
	v17 =	vld [tilespmem:s25+$0x410]  }
0x1be: {  	[tilespmem:s28+$0x10600] =	vst v8;
	v8 =	vld [tilespmem:s22+$0x400]  }
0x1bf: {  	v9 =	vadd.s32 v1, v9;
	v7 =	vld.idx.msk [tilespmem:v7+s2+$0x0], $0xffff  }
0x1c0: {  	v16 =	vld.idx.msk [tilespmem:v18+s2+$0x0], $0xffff  }
0x1c1: {  	v15 =	vadd.s32 v1, v15;
	v18 =	vld.idx.msk [tilespmem:v13+s2+$0x0], $0xffff  }
0x1c2: {  	s5 =	sor.u32 $0x380, s5;
	[tilespmem:s6+$0x10400] =	vst v11;
	v11 =	vadd.s32 v1, v17;
	v17 =	vadd.s32 v1, v19;
	v19 =	vld [tilespmem:s25+$0x490]  }
0x1c3: {  	[tilespmem:s10+$0x10590] =	vst v12;
	v12 =	vld [tilespmem:s5+$0x400]  }
0x1c4: {  	s21 =	sor.u32 $0x380, s21;
	v9 =	vld.idx.msk [tilespmem:v9+s2+$0x0], $0xffff  }
0x1c5: {  	v21 =	vadd.s32 v1, v58;
	v13 =	vld [tilespmem:s21+$0x400];
	[tilespmem:s10+$0x10500] =	vst v16  }
0x1c6: {  	v15 =	vld.idx.msk [tilespmem:v15+s2+$0x0], $0xffff  }
0x1c7: {  	v22 =	vadd.s32 v1, v22;
	v11 =	vld.idx.msk [tilespmem:v11+s2+$0x0], $0xffff  }
0x1c8: {  	v16 =	vld [tilespmem:s25+$0x580];
	v12 =	vadd.s32 v1, v12  }
0x1c9: {  	v17 =	vld.idx.msk [tilespmem:v17+s2+$0x0], $0xffff;
	v19 =	vadd.s32 v1, v19;
	[tilespmem:s10+$0x10610] =	vst v9  }
0x1ca: {  	s31 =	simm.s32 $0x4;
	s29 =	sor.u32 $0x300, s4;
	[tilespmem:s28+$0x10680] =	vst v7;
	v9 =	vadd.s32 v1, v57;
	v59 =	vld.idx.msk [tilespmem:v21+s2+$0x0], $0xffff  }
0x1cb: {  	s18 =	sand.u32 $0x3, s31;
	v62 =	vld [tilespmem:s29+$0x400];
	[tilespmem:s10+$0x10580] =	vst v15  }
0x1cc: {  	v25 =	vadd.s32 v1, v13;
	s6 =	sshll.u32 s18, $0x5;
	[tilespmem:s25+$0x10410] =	vst v11;
	v11 =	vld.idx.msk [tilespmem:v22+s2+$0x0], $0xffff  }
0x1cd: {  	s6 =	sadd.s32 $0x400, s6;
	v12 =	vld.idx.msk [tilespmem:v12+s2+$0x0], $0xffff  }
0x1ce: {  	v7 =	vadd.s32 v1, v8;
	s11 =	sadd.s32 $0x10, s6;
	[tilespmem:s25+$0x10400] =	vst v17;
	v15 =	vld.idx.msk [tilespmem:v19+s2+$0x0], $0xffff  }
0x1cf: {  	v14 =	vadd.s32 v1, v14;
	s18 =	sor.u32 $0x300, s11;
	v9 =	vld.idx.msk [tilespmem:v9+s2+$0x0], $0xffff;
	[tilespmem:s10+$0x10690] =	vst v59  }
0x1d0: {  	[tilespmem:s23+$0x10400] =	vst v5;
	v19 =	vadd.s32 v1, v60;
	v20 =	vld [tilespmem:s18+$0x400]  }
0x1d1: {  	v5 =	vadd.s32 v1, v23;
	[tilespmem:s3+$0x10400] =	vst v10;
	v10 =	vld.idx.msk [tilespmem:v25+s2+$0x0], $0xffff  }
0x1d2: {  	v17 =	vld [tilespmem:s25+$0x680];
	[tilespmem:s10+$0x10600] =	vst v11  }
0x1d3: {  	v11 =	vld.idx.msk [tilespmem:v7+s2+$0x0], $0xffff;
	[tilespmem:s25+$0x10490] =	vst v15  }
0x1d4: {  	v63 =	vld.idx.msk [tilespmem:v14+s2+$0x0], $0xffff;
	[tilespmem:s25+$0x10480] =	vst v9  }
0x1d5: {  	[tilespmem:s5+$0x10400] =	vst v12;
	v14 =	vld.idx.msk [tilespmem:v19+s2+$0x0], $0xffff;
	v12 =	vadd.s32 v1, v20  }
0x1d6: {  	s23 =	sor.u32 $0x380, s24;
	[tilespmem:s0+$0x10400] =	vst v18;
	v8 =	vadd.s32 v1, v16;
	v16 =	vadd.s32 v1, v61;
	v13 =	vld.idx.msk [tilespmem:v5+s2+$0x0], $0xffff  }
0x1d7: {  	s24 =	sor.u32 $0x380, s1;
	v9 =	vld [tilespmem:s23+$0x400]  }
0x1d8: {  	s1 =	simm.s32 $0xA;
	[tilespmem:s30+$0x10400] =	vst v6;
	s30 =	simm.s32 $0xC0;
	s3 =	simm.s32 $0x600;
	v15 =	vld [tilespmem:s25+$0x610]  }
0x1d9: {  	s28 =	sor.u32 $0x380, s4;
	s4 =	sor.u32 $0x300, s6;
	s0 =	sor.u32 $0x380, s6;
	v7 =	vadd.s32 v1, v24;
	v6 =	vadd.s32 v1, v17;
	v5 =	vadd.s32 v1, v62;
	[tilespmem:s10+$0x10680] =	vst v63  }
.LBB2_4:
0x1da: {  	s5 =	sand.u32 $0x60, s30;
	s6 =	sand.u32 $0x7C00, s3;
	s1 =	sadd.s32 $0x2, s1;
	[tilespmem:s25+$0x10510] =	vst v14;
	v12 =	vld.idx.msk [tilespmem:v12+s2+$0x0], $0xffff  }
0x1db: {  	s10 =	sor.u32 s5, s6;
	p2 =	slt.u32 s1, $0xFE;
	[tilespmem:s25+$0x10500] =	vst v13;
	v13 =	vld.idx.msk [tilespmem:v16+s2+$0x0], $0xffff  }
0x1dc: {  	v14 =	vld [tilespmem:s10+$0x410];
	[tilespmem:s22+$0x10400] =	vst v11;
	v17 =	vadd.s32 v1, v9;
	s22 =	smov.u32 s29;
	s29 =	smov.u32 s4  }
0x1dd: {  	v9 =	vld [tilespmem:s10+$0x400];
	v11 =	vadd.s32 v1, v15  }
0x1de: {  	v15 =	vld [tilespmem:s10+$0x480]  }
0x1df: {  	v16 =	vld [tilespmem:s25+$0x690];
	[tilespmem:s21+$0x10400] =	vst v10;
	s21 =	smov.u32 s23;
	s23 =	smov.u32 s24;
	s24 =	smov.u32 s28  }
0x1e0: {  	s5 =	sor.u32 $0x380, s11;
	s28 =	smov.u32 s0;
	v10 =	vld [tilespmem:s10+$0x500];
	[tilespmem:s18+$0x10400] =	vst v12  }
0x1e1: {  	v12 =	vadd.s32 v1, v14;
	[tilespmem:s25+$0x10590] =	vst v13;
	v13 =	vld [tilespmem:s5+$0x400]  }
0x1e2: {  	v9 =	vadd.s32 v1, v9;
	v11 =	vld.idx.msk [tilespmem:v11+s2+$0x0], $0xffff  }
0x1e3: {  	v14 =	vadd.s32 v1, v15;
	v15 =	vld [tilespmem:s10+$0x490]  }
0x1e4: {  	v18 =	vld [tilespmem:s10+$0x580];
	v16 =	vadd.s32 v1, v16  }
0x1e5: {  	v10 =	vadd.s32 v1, v10;
	v19 =	vld.idx.msk [tilespmem:v8+s2+$0x0], $0xffff  }
0x1e6: {  	v12 =	vld.idx.msk [tilespmem:v12+s2+$0x0], $0xffff;
	v13 =	vadd.s32 v1, v13  }
0x1e7: {  	v9 =	vld.idx.msk [tilespmem:v9+s2+$0x0], $0xffff  }
0x1e8: {  	v20 =	vld [tilespmem:s10+$0x600];
	v15 =	vadd.s32 v1, v15;
	[tilespmem:s25+$0x10610] =	vst v11  }
0x1e9: {  	v8 =	vadd.s32 v1, v18;
	v11 =	vld.idx.msk [tilespmem:v16+s2+$0x0], $0xffff  }
0x1ea: {  	s31 =	sadd.s32 $0x1, s31;
	v16 =	vld [tilespmem:s10+$0x510]  }
0x1eb: {  	s0 =	sand.u32 $0x3, s31;
	[tilespmem:s25+$0x10580] =	vst v19;
	v13 =	vld.idx.msk [tilespmem:v13+s2+$0x0], $0xffff  }
0x1ec: {  	s0 =	sshll.u32 s0, $0x5;
	[tilespmem:s10+$0x10410] =	vst v12;
	v12 =	vld.idx.msk [tilespmem:v7+s2+$0x0], $0xffff  }
0x1ed: {  	s6 =	sadd.s32 s0, s26;
	s26 =	smov.u32 s3;
	[tilespmem:s10+$0x10400] =	vst v9;
	v7 =	vadd.s32 v1, v20;
	v9 =	vld.idx.msk [tilespmem:v15+s2+$0x0], $0xffff  }
0x1ee: {  	s4 =	sor.u32 $0x300, s6;
	s0 =	sor.u32 $0x380, s6;
	s11 =	sadd.s32 $0x10, s6;
	v14 =	vld.idx.msk [tilespmem:v14+s2+$0x0], $0xffff  }
0x1ef: {  	s18 =	sor.u32 $0x300, s11;
	v15 =	vld [tilespmem:s10+$0x680];
	v16 =	vadd.s32 v1, v16;
	[tilespmem:s25+$0x10690] =	vst v11  }
0x1f0: {  	v11 =	vld [tilespmem:s18+$0x400]  }
0x1f1: {  	v18 =	vld [tilespmem:s10+$0x590];
	[tilespmem:s5+$0x10400] =	vst v13  }
0x1f2: {  	[tilespmem:s25+$0x10600] =	vst v12;
	v19 =	vld [tilespmem:s29+$0x400]  }
0x1f3: {  	[tilespmem:s10+$0x10490] =	vst v9;
	v20 =	vld.idx.msk [tilespmem:v6+s2+$0x0], $0xffff  }
0x1f4: {  	[tilespmem:s10+$0x10480] =	vst v14;
	v6 =	vadd.s32 v1, v15;
	v14 =	vld.idx.msk [tilespmem:v16+s2+$0x0], $0xffff  }
.Ltmp3:
0x1f5: {  	v13 =	vld.idx.msk [tilespmem:v10+s2+$0x0], $0xffff;
	v12 =	vadd.s32 v1, v11;
	(pc) =	sbr.rel @p2 .LBB2_4-.Ltmp3, $4  }
0x1f6: {  	v16 =	vadd.s32 v1, v18;
	v11 =	vld.idx.msk [tilespmem:v5+s2+$0x0], $0xffff  }
0x1f7: {  	v5 =	vadd.s32 v1, v19;
	v9 =	vld [tilespmem:s23+$0x400]  }
0x1f8: {  	v15 =	vld [tilespmem:s10+$0x610]  }
0x1f9: {  	s30 =	sadd.s32 $0x20, s30;
	s3 =	sadd.s32 $0x100, s3;
	[tilespmem:s25+$0x10680] =	vst v20;
	v10 =	vld.idx.msk [tilespmem:v17+s2+$0x0], $0xffff;
	s25 =	smov.u32 s10  }
0x1fa: {  	_ =	sdelay $0x2  }
0x1fb: {  	[tilespmem:s25+$0x10500] =	vst v13  }
0x1fc: {  	[tilespmem:s25+$0x10510] =	vst v14;
	v8 =	vld.idx.msk [tilespmem:v8+s2+$0x0], $0xffff  }
0x1fd: {  	v14 =	vld.idx.msk [tilespmem:v16+s2+$0x0], $0xffff  }
0x1fe: {  	v15 =	vadd.s32 v1, v15  }
0x1ff: {  	v16 =	vld [tilespmem:s25+$0x690];
	_ =	sdelay $0x1  }
0x200: {  	[tilespmem:s25+$0x10580] =	vst v8  }
0x201: {  	[tilespmem:s25+$0x10590] =	vst v14;
	v7 =	vld.idx.msk [tilespmem:v7+s2+$0x0], $0xffff  }
0x202: {  	v13 =	vld.idx.msk [tilespmem:v15+s2+$0x0], $0xffff  }
0x203: {  	v14 =	vadd.s32 v1, v16;
	_ =	sdelay $0x2  }
0x204: {  	[tilespmem:s25+$0x10600] =	vst v7  }
0x205: {  	[tilespmem:s25+$0x10610] =	vst v13;
	v6 =	vld.idx.msk [tilespmem:v6+s2+$0x0], $0xffff  }
0x206: {  	v8 =	vld.idx.msk [tilespmem:v14+s2+$0x0], $0xffff  }
0x207: {  	s1 =	sadd.s32 $0x1, s31  }
0x208: {  	s1 =	sand.u32 $0x3, s1  }
0x209: {  	s1 =	sshll.u32 s1, $0x5  }
0x20a: {  	s1 =	sadd.s32 s1, s26;
	[tilespmem:s25+$0x10680] =	vst v6  }
0x20b: {  	s3 =	sadd.s32 $0x10, s1;
	s6 =	sor.u32 $0x300, s1;
	[tilespmem:s25+$0x10690] =	vst v8;
	v8 =	vld [tilespmem:s4+$0x400]  }
0x20c: {  	s5 =	sor.u32 $0x300, s3;
	v6 =	vld [tilespmem:s6+$0x400]  }
0x20d: {  	v7 =	vld [tilespmem:s5+$0x400]  }
0x20e: {  	v12 =	vld.idx.msk [tilespmem:v12+s2+$0x0], $0xffff;
	_ =	sdelay $0x1  }
0x20f: {  	v8 =	vadd.s32 v1, v8  }
0x210: {  	v6 =	vadd.s32 v1, v6  }
0x211: {  	v7 =	vadd.s32 v1, v7  }
0x212: {  	s10 =	sor.u32 $0x380, s11;
	v5 =	vld.idx.msk [tilespmem:v5+s2+$0x0], $0xffff;
	[tilespmem:s18+$0x10400] =	vst v12  }
0x213: {  	v12 =	vld [tilespmem:s10+$0x400]  }
0x214: {  	v8 =	vld.idx.msk [tilespmem:v8+s2+$0x0], $0xffff  }
0x215: {  	v6 =	vld.idx.msk [tilespmem:v6+s2+$0x0], $0xffff  }
0x216: {  	v7 =	vld.idx.msk [tilespmem:v7+s2+$0x0], $0xffff  }
0x217: {  	[tilespmem:s22+$0x10400] =	vst v11  }
0x218: {  	v11 =	vld [tilespmem:s24+$0x400];
	[tilespmem:s29+$0x10400] =	vst v5  }
0x219: {  	v5 =	vld [tilespmem:s28+$0x400];
	[tilespmem:s4+$0x10400] =	vst v8  }
0x21a: {  	s1 =	sor.u32 $0x380, s1;
	v8 =	vadd.s32 v1, v12;
	[tilespmem:s6+$0x10400] =	vst v6;
	v12 =	vld [tilespmem:s0+$0x400]  }
0x21b: {  	s3 =	sor.u32 $0x380, s3;
	v6 =	vadd.s32 v1, v9;
	[tilespmem:s5+$0x10400] =	vst v7;
	v9 =	vld [tilespmem:s1+$0x400]  }
0x21c: {  	v7 =	vld [tilespmem:s3+$0x400]  }
0x21d: {  	v11 =	vadd.s32 v1, v11  }
0x21e: {  	v5 =	vadd.s32 v1, v5  }
0x21f: {  	v8 =	vld.idx.msk [tilespmem:v8+s2+$0x0], $0xffff;
	v12 =	vadd.s32 v1, v12  }
0x220: {  	v6 =	vld.idx.msk [tilespmem:v6+s2+$0x0], $0xffff;
	v9 =	vadd.s32 v1, v9  }
0x221: {  	v7 =	vadd.s32 v1, v7  }
0x222: {  	v11 =	vld.idx.msk [tilespmem:v11+s2+$0x0], $0xffff  }
0x223: {  	v5 =	vld.idx.msk [tilespmem:v5+s2+$0x0], $0xffff  }
0x224: {  	[tilespmem:s10+$0x10400] =	vst v8;
	v8 =	vld.idx.msk [tilespmem:v12+s2+$0x0], $0xffff  }
0x225: {  	[tilespmem:s23+$0x10400] =	vst v6;
	v6 =	vld.idx.msk [tilespmem:v9+s2+$0x0], $0xffff  }
0x226: {  	[tilespmem:s21+$0x10400] =	vst v10;
	v7 =	vld.idx.msk [tilespmem:v7+s2+$0x0], $0xffff  }
0x227: {  	[tilespmem:s24+$0x10400] =	vst v11  }
0x228: {  	[tilespmem:s28+$0x10400] =	vst v5  }
0x229: {  	[tilespmem:s0+$0x10400] =	vst v8  }
0x22a: {  	[tilespmem:s1+$0x10400] =	vst v6  }
0x22b: {  	s21 =	simm.s32 $0x10400;
	s18 =	simm.s32 $0x0;
	[tilespmem:s3+$0x10400] =	vst v7  }
0x22c: {  	[hbm4b:s7+s18] =	stream.linear.scatter [tilespmem:s21], [sflag:$0x1], $0x8000, $0x38;
	[tilespmem:$0x18400] =	vst v63  }
0x22d: {  	_ =	swait.ge [sflag:s19], $0x8000  }
0x22e: {  	[sflag:s19] =	ssyncset.done $0x0  }
0x22f: {  	[sflag:s19] =	ssyncadd.s32 $0xFFFF8000  }
0x230: {  	[tilespmem:s16], [sflag:$0x2] =	stream.linear.gather [hbm4b:s8+s18], $0x8000, $0x38;
	[tilespmem:$0x18400] =	vst v63  }
0x231: {  	_ =	swait.ge [sflag:s15], $0x8000  }
0x232: {  	s22 =	sand.u32 $0x60, s18;
	s23 =	sand.u32 $0x7C00, s18;
	[sflag:s15] =	ssyncset.done $0x0  }
0x233: {  	s0 =	sor.u32 s22, s23;
	[sflag:s15] =	ssyncadd.s32 $0xFFFF8000  }
0x234: {  	v5 =	vld [tilespmem:s0+$0x410];
	_ =	sdelay $0x4  }
0x235: {  	v5 =	vadd.s32 v2, v5  }
0x236: {  	v6 =	vld [tilespmem:s0+$0x490];
	_ =	sdelay $0x3  }
0x237: {  	v5 =	vld.idx.msk [tilespmem:v5+s2+$0x0], $0xffff  }
0x238: {  	v7 =	vld [tilespmem:s0+$0x400];
	v6 =	vadd.s32 v2, v6  }
0x239: {  	v8 =	vld [tilespmem:s0+$0x510];
	_ =	sdelay $0x2  }
0x23a: {  	[tilespmem:s0+$0x8410] =	vst v5  }
0x23b: {  	v5 =	vadd.s32 v2, v7;
	v6 =	vld.idx.msk [tilespmem:v6+s2+$0x0], $0xffff  }
0x23c: {  	v8 =	vadd.s32 v2, v8;
	v7 =	vld [tilespmem:s0+$0x480]  }
0x23d: {  	v9 =	vld [tilespmem:s0+$0x590];
	_ =	sdelay $0x1  }
0x23e: {  	v10 =	vld [tilespmem:s0+$0x500]  }
0x23f: {  	v5 =	vld.idx.msk [tilespmem:v5+s2+$0x0], $0xffff;
	[tilespmem:s0+$0x8490] =	vst v6  }
0x240: {  	v6 =	vadd.s32 v2, v7;
	v7 =	vld.idx.msk [tilespmem:v8+s2+$0x0], $0xffff  }
0x241: {  	v11 =	vld [tilespmem:s0+$0x580];
	v8 =	vadd.s32 v2, v9  }
0x242: {  	v9 =	vld [tilespmem:s0+$0x610]  }
0x243: {  	v12 =	vld [tilespmem:s0+$0x600]  }
0x244: {  	s24 =	simm.s32 $0x100;
	s25 =	simm.s32 $0x20;
	v13 =	vld [tilespmem:s0+$0x680];
	[tilespmem:s0+$0x8400] =	vst v5  }
0x245: {  	s4 =	sand.u32 $0x60, s25;
	s3 =	sand.u32 $0x7C00, s24;
	v5 =	vld.idx.msk [tilespmem:v6+s2+$0x0], $0xffff;
	[tilespmem:s0+$0x8510] =	vst v7  }
0x246: {  	s22 =	sor.u32 s4, s3;
	v6 =	vld.idx.msk [tilespmem:v8+s2+$0x0], $0xffff  }
0x247: {  	v7 =	vld [tilespmem:s22+$0x410];
	v8 =	vadd.s32 v2, v9  }
0x248: {  	s6 =	simm.s32 $0x200;
	s10 =	simm.s32 $0x40;
	v9 =	vld [tilespmem:s0+$0x690]  }
0x249: {  	s5 =	sand.u32 $0x60, s10;
	s4 =	sand.u32 $0x7C00, s6;
	v14 =	vld [tilespmem:s22+$0x400];
	v10 =	vadd.s32 v2, v10  }
0x24a: {  	s25 =	sor.u32 s5, s4;
	v15 =	vld [tilespmem:s22+$0x500]  }
0x24b: {  	v16 =	vld [tilespmem:s25+$0x480];
	[tilespmem:s0+$0x8590] =	vst v6  }
0x24c: {  	v6 =	vadd.s32 v2, v7;
	v7 =	vld.idx.msk [tilespmem:v8+s2+$0x0], $0xffff  }
0x24d: {  	[tilespmem:s0+$0x8480] =	vst v5;
	v5 =	vld [tilespmem:s22+$0x490];
	v8 =	vadd.s32 v2, v9  }
0x24e: {  	v9 =	vld.idx.msk [tilespmem:v10+s2+$0x0], $0xffff  }
0x24f: {  	v17 =	vld [tilespmem:s25+$0x500];
	v10 =	vadd.s32 v2, v11  }
0x250: {  	v14 =	vadd.s32 v2, v14;
	v11 =	vld [tilespmem:s22+$0x480]  }
0x251: {  	v6 =	vld.idx.msk [tilespmem:v6+s2+$0x0], $0xffff;
	[tilespmem:s0+$0x8610] =	vst v7  }
0x252: {  	v5 =	vadd.s32 v2, v5;
	v7 =	vld.idx.msk [tilespmem:v8+s2+$0x0], $0xffff  }
0x253: {  	[tilespmem:s0+$0x8500] =	vst v9;
	v8 =	vld [tilespmem:s22+$0x510]  }
0x254: {  	s1 =	sand.u32 $0x3, s18;
	v9 =	vld.idx.msk [tilespmem:v10+s2+$0x0], $0xffff  }
0x255: {  	s1 =	sshll.u32 s1, $0x5;
	v10 =	vadd.s32 v2, v12;
	v12 =	vld.idx.msk [tilespmem:v14+s2+$0x0], $0xffff  }
0x256: {  	s21 =	sadd.s32 $0x0, s1;
	v14 =	vld [tilespmem:s22+$0x580];
	[tilespmem:s22+$0x8410] =	vst v6  }
0x257: {  	s1 =	sadd.s32 $0x10, s21;
	v11 =	vadd.s32 v2, v11;
	v5 =	vld.idx.msk [tilespmem:v5+s2+$0x0], $0xffff  }
0x258: {  	s26 =	sor.u32 $0x300, s1;
	[tilespmem:s0+$0x8690] =	vst v7;
	v6 =	vadd.s32 v2, v8;
	v8 =	vld [tilespmem:s22+$0x590]  }
0x259: {  	[tilespmem:s0+$0x8580] =	vst v9;
	v7 =	vld [tilespmem:s26+$0x400]  }
0x25a: {  	[tilespmem:s22+$0x8400] =	vst v12;
	v12 =	vadd.s32 v2, v15;
	v15 =	vld [tilespmem:s25+$0x400]  }
0x25b: {  	v9 =	vld.idx.msk [tilespmem:v10+s2+$0x0], $0xffff  }
0x25c: {  	v10 =	vadd.s32 v2, v13;
	v11 =	vld.idx.msk [tilespmem:v11+s2+$0x0], $0xffff  }
0x25d: {  	v13 =	vld [tilespmem:s22+$0x600];
	[tilespmem:s22+$0x8490] =	vst v5  }
0x25e: {  	v5 =	vld.idx.msk [tilespmem:v6+s2+$0x0], $0xffff;
	v6 =	vadd.s32 v2, v7  }
0x25f: {  	v8 =	vadd.s32 v2, v8;
	v7 =	vld [tilespmem:s22+$0x680]  }
0x260: {  	[tilespmem:s0+$0x8600] =	vst v9;
	v9 =	vld [tilespmem:s22+$0x610]  }
0x261: {  	[tilespmem:s22+$0x8480] =	vst v11;
	v10 =	vld.idx.msk [tilespmem:v10+s2+$0x0], $0xffff  }
0x262: {  	v11 =	vld.idx.msk [tilespmem:v12+s2+$0x0], $0xffff  }
0x263: {  	[tilespmem:s22+$0x8510] =	vst v5;
	v5 =	vld.idx.msk [tilespmem:v6+s2+$0x0], $0xffff  }
0x264: {  	v6 =	vld.idx.msk [tilespmem:v8+s2+$0x0], $0xffff  }
0x265: {  	s6 =	simm.s32 $0x60;
	s5 =	simm.s32 $0x300;
	v8 =	vld [tilespmem:s25+$0x410];
	v9 =	vadd.s32 v2, v9  }
0x266: {  	s4 =	sand.u32 $0x60, s6;
	v12 =	vld [tilespmem:s22+$0x690];
	[tilespmem:s0+$0x8680] =	vst v10;
	s0 =	sand.u32 $0x7C00, s5  }
0x267: {  	[tilespmem:s22+$0x8500] =	vst v11;
	v11 =	vadd.s32 v2, v15;
	v15 =	vld [tilespmem:s25+$0x580];
	s28 =	sor.u32 s4, s0  }
0x268: {  	v19 =	vld [tilespmem:s28+$0x500];
	[tilespmem:s26+$0x8400] =	vst v5  }
0x269: {  	v5 =	vadd.s32 v2, v14;
	[tilespmem:s22+$0x8590] =	vst v6;
	v14 =	vld [tilespmem:s25+$0x490]  }
0x26a: {  	s23 =	sor.u32 $0x380, s1;
	v8 =	vadd.s32 v2, v8;
	v9 =	vld.idx.msk [tilespmem:v9+s2+$0x0], $0xffff  }
0x26b: {  	v12 =	vadd.s32 v2, v12;
	v6 =	vld [tilespmem:s23+$0x400]  }
0x26c: {  	v20 =	vld [tilespmem:s28+$0x600]  }
0x26d: {  	v11 =	vld.idx.msk [tilespmem:v11+s2+$0x0], $0xffff  }
0x26e: {  	v16 =	vadd.s32 v2, v16;
	v18 =	vld.idx.msk [tilespmem:v5+s2+$0x0], $0xffff  }
0x26f: {  	v8 =	vld.idx.msk [tilespmem:v8+s2+$0x0], $0xffff;
	[tilespmem:s22+$0x8610] =	vst v9  }
0x270: {  	s11 =	simm.s32 $0x1;
	v5 =	vadd.s32 v2, v6;
	v6 =	vadd.s32 v2, v14;
	v9 =	vld.idx.msk [tilespmem:v12+s2+$0x0], $0xffff  }
0x271: {  	s1 =	sand.u32 $0x3, s11;
	v12 =	vld [tilespmem:s25+$0x510]  }
0x272: {  	s1 =	sshll.u32 s1, $0x5;
	v14 =	vld [tilespmem:s25+$0x600];
	[tilespmem:s25+$0x8400] =	vst v11  }
0x273: {  	s24 =	sadd.s32 $0x100, s1;
	v13 =	vadd.s32 v2, v13;
	v11 =	vld.idx.msk [tilespmem:v16+s2+$0x0], $0xffff  }
0x274: {  	s1 =	sadd.s32 $0x10, s24;
	v16 =	vadd.s32 v2, v17;
	v17 =	vld [tilespmem:s25+$0x680];
	[tilespmem:s25+$0x8410] =	vst v8  }
0x275: {  	s18 =	sor.u32 $0x300, s1;
	v6 =	vld.idx.msk [tilespmem:v6+s2+$0x0], $0xffff;
	[tilespmem:s22+$0x8690] =	vst v9  }
0x276: {  	v8 =	vadd.s32 v2, v12;
	v9 =	vld [tilespmem:s18+$0x400]  }
0x277: {  	[tilespmem:s22+$0x8580] =	vst v18;
	v12 =	vld [tilespmem:s25+$0x590]  }
0x278: {  	v13 =	vld.idx.msk [tilespmem:v13+s2+$0x0], $0xffff  }
0x279: {  	v7 =	vadd.s32 v2, v7;
	v18 =	vld [tilespmem:s28+$0x480]  }
0x27a: {  	v5 =	vld.idx.msk [tilespmem:v5+s2+$0x0], $0xffff;
	[tilespmem:s25+$0x8490] =	vst v6  }
0x27b: {  	[tilespmem:s25+$0x8480] =	vst v11;
	v6 =	vld.idx.msk [tilespmem:v8+s2+$0x0], $0xffff;
	v8 =	vadd.s32 v2, v9  }
0x27c: {  	v11 =	vld.idx.msk [tilespmem:v16+s2+$0x0], $0xffff;
	v10 =	vadd.s32 v2, v12  }
0x27d: {  	[tilespmem:s22+$0x8600] =	vst v13;
	v12 =	vld [tilespmem:s25+$0x610]  }
0x27e: {  	s26 =	sor.u32 $0x300, s21;
	v7 =	vld.idx.msk [tilespmem:v7+s2+$0x0], $0xffff  }
0x27f: {  	v9 =	vld [tilespmem:s26+$0x400]  }
0x280: {  	[tilespmem:s25+$0x8510] =	vst v6;
	v6 =	vld.idx.msk [tilespmem:v8+s2+$0x0], $0xffff  }
0x281: {  	v15 =	vadd.s32 v2, v15;
	v8 =	vld.idx.msk [tilespmem:v10+s2+$0x0], $0xffff  }
0x282: {  	v12 =	vadd.s32 v2, v12;
	v10 =	vld [tilespmem:s28+$0x410]  }
0x283: {  	v13 =	vld [tilespmem:s28+$0x400]  }
0x284: {  	v16 =	vld [tilespmem:s25+$0x690]  }
0x285: {  	[tilespmem:s25+$0x8500] =	vst v11;
	v11 =	vld [tilespmem:s28+$0x580]  }
0x286: {  	s10 =	simm.s32 $0x2;
	v15 =	vld.idx.msk [tilespmem:v15+s2+$0x0], $0xffff;
	v9 =	vadd.s32 v2, v9;
	[tilespmem:s25+$0x8590] =	vst v8  }
0x287: {  	s0 =	sand.u32 $0x3, s10;
	s10 =	simm.s32 $0x80;
	[tilespmem:s22+$0x8680] =	vst v7;
	s22 =	simm.s32 $0x400;
	v8 =	vadd.s32 v2, v10;
	v10 =	vld.idx.msk [tilespmem:v12+s2+$0x0], $0xffff  }
0x288: {  	s6 =	sand.u32 $0x60, s10;
	s5 =	sand.u32 $0x7C00, s22;
	[tilespmem:s18+$0x8400] =	vst v6;
	v6 =	vadd.s32 v2, v13;
	v12 =	vld [tilespmem:s28+$0x490]  }
0x289: {  	v16 =	vadd.s32 v2, v16;
	v7 =	vld [tilespmem:s28+$0x680];
	s10 =	sor.u32 s6, s5  }
0x28a: {  	v21 =	vld [tilespmem:s10+$0x500]  }
0x28b: {  	v9 =	vld.idx.msk [tilespmem:v9+s2+$0x0], $0xffff  }
0x28c: {  	v14 =	vadd.s32 v2, v14;
	v8 =	vld.idx.msk [tilespmem:v8+s2+$0x0], $0xffff  }
0x28d: {  	v6 =	vld.idx.msk [tilespmem:v6+s2+$0x0], $0xffff;
	v12 =	vadd.s32 v2, v12;
	[tilespmem:s25+$0x8610] =	vst v10  }
0x28e: {  	v10 =	vadd.s32 v2, v18;
	v16 =	vld.idx.msk [tilespmem:v16+s2+$0x0], $0xffff  }
0x28f: {  	s30 =	sor.u32 $0x380, s1;
	v18 =	vld [tilespmem:s28+$0x510]  }
0x290: {  	s0 =	sshll.u32 s0, $0x5;
	[tilespmem:s25+$0x8580] =	vst v15;
	v13 =	vld [tilespmem:s30+$0x400]  }
0x291: {  	s1 =	sadd.s32 $0x200, s0;
	[tilespmem:s28+$0x8410] =	vst v8;
	v8 =	vld.idx.msk [tilespmem:v14+s2+$0x0], $0xffff  }
0x292: {  	s11 =	sadd.s32 $0x10, s1;
	[tilespmem:s28+$0x8400] =	vst v6;
	v12 =	vld.idx.msk [tilespmem:v12+s2+$0x0], $0xffff  }
0x293: {  	s18 =	sor.u32 $0x300, s11;
	v10 =	vld.idx.msk [tilespmem:v10+s2+$0x0], $0xffff;
	[tilespmem:s25+$0x8690] =	vst v16  }
0x294: {  	v14 =	vadd.s32 v2, v18;
	v15 =	vld [tilespmem:s18+$0x400]  }
0x295: {  	v13 =	vadd.s32 v2, v13;
	v16 =	vadd.s32 v2, v17;
	v17 =	vld [tilespmem:s28+$0x590]  }
0x296: {  	v22 =	vld [tilespmem:s10+$0x600]  }
0x297: {  	v58 =	vld [tilespmem:s10+$0x690];
	[tilespmem:s26+$0x8400] =	vst v9  }
0x298: {  	v9 =	vld [tilespmem:s10+$0x610];
	[tilespmem:s28+$0x8490] =	vst v12  }
0x299: {  	[tilespmem:s25+$0x8600] =	vst v8;
	v8 =	vld.idx.msk [tilespmem:v14+s2+$0x0], $0xffff;
	v12 =	vadd.s32 v2, v15  }
0x29a: {  	v6 =	vld.idx.msk [tilespmem:v13+s2+$0x0], $0xffff;
	[tilespmem:s28+$0x8480] =	vst v10;
	v10 =	vadd.s32 v2, v17  }
0x29b: {  	v14 =	vld.idx.msk [tilespmem:v16+s2+$0x0], $0xffff  }
0x29c: {  	v16 =	vld [tilespmem:s28+$0x610]  }
0x29d: {  	v17 =	vld [tilespmem:s10+$0x400]  }
0x29e: {  	v18 =	vadd.s32 v2, v19;
	[tilespmem:s28+$0x8510] =	vst v8;
	v8 =	vld.idx.msk [tilespmem:v12+s2+$0x0], $0xffff  }
0x29f: {  	v10 =	vld.idx.msk [tilespmem:v10+s2+$0x0], $0xffff  }
0x2a0: {  	s0 =	sor.u32 $0x300, s24;
	v12 =	vld [tilespmem:s10+$0x410]  }
0x2a1: {  	v13 =	vld [tilespmem:s0+$0x400];
	v16 =	vadd.s32 v2, v16  }
0x2a2: {  	v19 =	vld [tilespmem:s28+$0x690]  }
0x2a3: {  	v15 =	vld.idx.msk [tilespmem:v18+s2+$0x0], $0xffff  }
0x2a4: {  	v11 =	vadd.s32 v2, v11;
	v18 =	vld [tilespmem:s10+$0x480];
	[tilespmem:s18+$0x8400] =	vst v8  }
0x2a5: {  	v8 =	vadd.s32 v2, v12;
	[tilespmem:s28+$0x8590] =	vst v10;
	v12 =	vadd.s32 v2, v17;
	v17 =	vld [tilespmem:s10+$0x490]  }
0x2a6: {  	v16 =	vld.idx.msk [tilespmem:v16+s2+$0x0], $0xffff  }
0x2a7: {  	v19 =	vadd.s32 v2, v19;
	[tilespmem:s25+$0x8680] =	vst v14;
	v14 =	vld [tilespmem:s10+$0x680]  }
0x2a8: {  	[tilespmem:s28+$0x8500] =	vst v15;
	v15 =	vld [tilespmem:s10+$0x580]  }
0x2a9: {  	v11 =	vld.idx.msk [tilespmem:v11+s2+$0x0], $0xffff  }
0x2aa: {  	v8 =	vld.idx.msk [tilespmem:v8+s2+$0x0], $0xffff  }
0x2ab: {  	s3 =	sor.u32 $0x380, s11;
	v12 =	vld.idx.msk [tilespmem:v12+s2+$0x0], $0xffff;
	v17 =	vadd.s32 v2, v17;
	[tilespmem:s28+$0x8610] =	vst v16  }
0x2ac: {  	s11 =	simm.s32 $0x3;
	s26 =	simm.s32 $0x500;
	s18 =	simm.s32 $0xA0;
	v16 =	vadd.s32 v2, v18;
	v18 =	vld.idx.msk [tilespmem:v19+s2+$0x0], $0xffff  }
0x2ad: {  	s4 =	sand.u32 $0x3, s11;
	s25 =	sand.u32 $0x7C00, s26;
	s11 =	sand.u32 $0x60, s18;
	v19 =	vld [tilespmem:s10+$0x510]  }
0x2ae: {  	s4 =	sshll.u32 s4, $0x5;
	v10 =	vld [tilespmem:s3+$0x400];
	[tilespmem:s28+$0x8580] =	vst v11;
	s25 =	sor.u32 s11, s25  }
0x2af: {  	s4 =	sadd.s32 $0x300, s4;
	v57 =	vld [tilespmem:s25+$0x480];
	[tilespmem:s10+$0x8410] =	vst v8  }
0x2b0: {  	s5 =	sadd.s32 $0x10, s4;
	[tilespmem:s10+$0x8400] =	vst v12;
	v11 =	vld.idx.msk [tilespmem:v17+s2+$0x0], $0xffff  }
0x2b1: {  	s6 =	sor.u32 $0x300, s5;
	v12 =	vld.idx.msk [tilespmem:v16+s2+$0x0], $0xffff;
	[tilespmem:s28+$0x8690] =	vst v18  }
0x2b2: {  	v16 =	vadd.s32 v2, v19;
	v17 =	vld [tilespmem:s6+$0x400]  }
0x2b3: {  	v19 =	vld [tilespmem:s10+$0x590]  }
0x2b4: {  	v20 =	vadd.s32 v2, v20;
	v23 =	vld [tilespmem:s25+$0x500]  }
0x2b5: {  	v24 =	vld [tilespmem:s25+$0x600];
	v10 =	vadd.s32 v2, v10  }
0x2b6: {  	v60 =	vld [tilespmem:s25+$0x510];
	[tilespmem:s10+$0x8490] =	vst v11  }
0x2b7: {  	[tilespmem:s10+$0x8480] =	vst v12;
	v11 =	vld.idx.msk [tilespmem:v16+s2+$0x0], $0xffff;
	v12 =	vadd.s32 v2, v17  }
0x2b8: {  	v61 =	vld [tilespmem:s25+$0x590];
	v17 =	vadd.s32 v2, v19  }
0x2b9: {  	v8 =	vld.idx.msk [tilespmem:v20+s2+$0x0], $0xffff  }
0x2ba: {  	v10 =	vld.idx.msk [tilespmem:v10+s2+$0x0], $0xffff  }
0x2bb: {  	v7 =	vadd.s32 v2, v7;
	v19 =	vld [tilespmem:s25+$0x400]  }
0x2bc: {  	v18 =	vadd.s32 v2, v21;
	[tilespmem:s10+$0x8510] =	vst v11;
	v11 =	vld.idx.msk [tilespmem:v12+s2+$0x0], $0xffff  }
0x2bd: {  	v13 =	vadd.s32 v2, v13;
	v12 =	vld.idx.msk [tilespmem:v17+s2+$0x0], $0xffff  }
0x2be: {  	s22 =	sor.u32 $0x300, s1;
	v17 =	vld [tilespmem:s25+$0x410]  }
0x2bf: {  	[tilespmem:s28+$0x8600] =	vst v8;
	v8 =	vld [tilespmem:s22+$0x400]  }
0x2c0: {  	v9 =	vadd.s32 v2, v9;
	v7 =	vld.idx.msk [tilespmem:v7+s2+$0x0], $0xffff  }
0x2c1: {  	v16 =	vld.idx.msk [tilespmem:v18+s2+$0x0], $0xffff  }
0x2c2: {  	v15 =	vadd.s32 v2, v15;
	v18 =	vld.idx.msk [tilespmem:v13+s2+$0x0], $0xffff  }
0x2c3: {  	s5 =	sor.u32 $0x380, s5;
	[tilespmem:s6+$0x8400] =	vst v11;
	v11 =	vadd.s32 v2, v17;
	v17 =	vadd.s32 v2, v19;
	v19 =	vld [tilespmem:s25+$0x490]  }
0x2c4: {  	[tilespmem:s10+$0x8590] =	vst v12;
	v12 =	vld [tilespmem:s5+$0x400]  }
0x2c5: {  	s21 =	sor.u32 $0x380, s21;
	v9 =	vld.idx.msk [tilespmem:v9+s2+$0x0], $0xffff  }
0x2c6: {  	v21 =	vadd.s32 v2, v58;
	v13 =	vld [tilespmem:s21+$0x400];
	[tilespmem:s10+$0x8500] =	vst v16  }
0x2c7: {  	v15 =	vld.idx.msk [tilespmem:v15+s2+$0x0], $0xffff  }
0x2c8: {  	v22 =	vadd.s32 v2, v22;
	v11 =	vld.idx.msk [tilespmem:v11+s2+$0x0], $0xffff  }
0x2c9: {  	v16 =	vld [tilespmem:s25+$0x580];
	v12 =	vadd.s32 v2, v12  }
0x2ca: {  	v17 =	vld.idx.msk [tilespmem:v17+s2+$0x0], $0xffff;
	v19 =	vadd.s32 v2, v19;
	[tilespmem:s10+$0x8610] =	vst v9  }
0x2cb: {  	s31 =	simm.s32 $0x4;
	s29 =	sor.u32 $0x300, s4;
	[tilespmem:s28+$0x8680] =	vst v7;
	v9 =	vadd.s32 v2, v57;
	v59 =	vld.idx.msk [tilespmem:v21+s2+$0x0], $0xffff  }
0x2cc: {  	s18 =	sand.u32 $0x3, s31;
	v62 =	vld [tilespmem:s29+$0x400];
	[tilespmem:s10+$0x8580] =	vst v15  }
0x2cd: {  	v25 =	vadd.s32 v2, v13;
	s6 =	sshll.u32 s18, $0x5;
	[tilespmem:s25+$0x8410] =	vst v11;
	v11 =	vld.idx.msk [tilespmem:v22+s2+$0x0], $0xffff  }
0x2ce: {  	s6 =	sadd.s32 $0x400, s6;
	v12 =	vld.idx.msk [tilespmem:v12+s2+$0x0], $0xffff  }
0x2cf: {  	v7 =	vadd.s32 v2, v8;
	s11 =	sadd.s32 $0x10, s6;
	[tilespmem:s25+$0x8400] =	vst v17;
	v15 =	vld.idx.msk [tilespmem:v19+s2+$0x0], $0xffff  }
0x2d0: {  	v14 =	vadd.s32 v2, v14;
	s18 =	sor.u32 $0x300, s11;
	v9 =	vld.idx.msk [tilespmem:v9+s2+$0x0], $0xffff;
	[tilespmem:s10+$0x8690] =	vst v59  }
0x2d1: {  	[tilespmem:s23+$0x8400] =	vst v5;
	v19 =	vadd.s32 v2, v60;
	v20 =	vld [tilespmem:s18+$0x400]  }
0x2d2: {  	v5 =	vadd.s32 v2, v23;
	[tilespmem:s3+$0x8400] =	vst v10;
	v10 =	vld.idx.msk [tilespmem:v25+s2+$0x0], $0xffff  }
0x2d3: {  	v17 =	vld [tilespmem:s25+$0x680];
	[tilespmem:s10+$0x8600] =	vst v11  }
0x2d4: {  	v11 =	vld.idx.msk [tilespmem:v7+s2+$0x0], $0xffff;
	[tilespmem:s25+$0x8490] =	vst v15  }
0x2d5: {  	v63 =	vld.idx.msk [tilespmem:v14+s2+$0x0], $0xffff;
	[tilespmem:s25+$0x8480] =	vst v9  }
0x2d6: {  	[tilespmem:s5+$0x8400] =	vst v12;
	v14 =	vld.idx.msk [tilespmem:v19+s2+$0x0], $0xffff;
	v12 =	vadd.s32 v2, v20  }
0x2d7: {  	s23 =	sor.u32 $0x380, s24;
	[tilespmem:s0+$0x8400] =	vst v18;
	v8 =	vadd.s32 v2, v16;
	v16 =	vadd.s32 v2, v61;
	v13 =	vld.idx.msk [tilespmem:v5+s2+$0x0], $0xffff  }
0x2d8: {  	s24 =	sor.u32 $0x380, s1;
	v9 =	vld [tilespmem:s23+$0x400]  }
0x2d9: {  	s1 =	simm.s32 $0xA;
	[tilespmem:s30+$0x8400] =	vst v6;
	s30 =	simm.s32 $0xC0;
	s3 =	simm.s32 $0x600;
	v15 =	vld [tilespmem:s25+$0x610]  }
0x2da: {  	s28 =	sor.u32 $0x380, s4;
	s4 =	sor.u32 $0x300, s6;
	s0 =	sor.u32 $0x380, s6;
	v7 =	vadd.s32 v2, v24;
	v6 =	vadd.s32 v2, v17;
	v5 =	vadd.s32 v2, v62;
	[tilespmem:s10+$0x8680] =	vst v63  }
.LBB2_6:
0x2db: {  	s5 =	sand.u32 $0x60, s30;
	s6 =	sand.u32 $0x7C00, s3;
	s1 =	sadd.s32 $0x2, s1;
	[tilespmem:s25+$0x8510] =	vst v14;
	v12 =	vld.idx.msk [tilespmem:v12+s2+$0x0], $0xffff  }
0x2dc: {  	s10 =	sor.u32 s5, s6;
	p2 =	slt.u32 s1, $0xFE;
	[tilespmem:s25+$0x8500] =	vst v13;
	v13 =	vld.idx.msk [tilespmem:v16+s2+$0x0], $0xffff  }
0x2dd: {  	v14 =	vld [tilespmem:s10+$0x410];
	[tilespmem:s22+$0x8400] =	vst v11;
	v17 =	vadd.s32 v2, v9;
	s22 =	smov.u32 s29;
	s29 =	smov.u32 s4  }
0x2de: {  	v9 =	vld [tilespmem:s10+$0x400];
	v11 =	vadd.s32 v2, v15  }
0x2df: {  	v15 =	vld [tilespmem:s10+$0x480]  }
0x2e0: {  	v16 =	vld [tilespmem:s25+$0x690];
	[tilespmem:s21+$0x8400] =	vst v10;
	s21 =	smov.u32 s23;
	s23 =	smov.u32 s24;
	s24 =	smov.u32 s28  }
0x2e1: {  	s5 =	sor.u32 $0x380, s11;
	s28 =	smov.u32 s0;
	v10 =	vld [tilespmem:s10+$0x500];
	[tilespmem:s18+$0x8400] =	vst v12  }
0x2e2: {  	v12 =	vadd.s32 v2, v14;
	[tilespmem:s25+$0x8590] =	vst v13;
	v13 =	vld [tilespmem:s5+$0x400]  }
0x2e3: {  	v9 =	vadd.s32 v2, v9;
	v11 =	vld.idx.msk [tilespmem:v11+s2+$0x0], $0xffff  }
0x2e4: {  	v14 =	vadd.s32 v2, v15;
	v15 =	vld [tilespmem:s10+$0x490]  }
0x2e5: {  	v18 =	vld [tilespmem:s10+$0x580];
	v16 =	vadd.s32 v2, v16  }
0x2e6: {  	v10 =	vadd.s32 v2, v10;
	v19 =	vld.idx.msk [tilespmem:v8+s2+$0x0], $0xffff  }
0x2e7: {  	v12 =	vld.idx.msk [tilespmem:v12+s2+$0x0], $0xffff;
	v13 =	vadd.s32 v2, v13  }
0x2e8: {  	v9 =	vld.idx.msk [tilespmem:v9+s2+$0x0], $0xffff  }
0x2e9: {  	v20 =	vld [tilespmem:s10+$0x600];
	v15 =	vadd.s32 v2, v15;
	[tilespmem:s25+$0x8610] =	vst v11  }
0x2ea: {  	v8 =	vadd.s32 v2, v18;
	v11 =	vld.idx.msk [tilespmem:v16+s2+$0x0], $0xffff  }
0x2eb: {  	s31 =	sadd.s32 $0x1, s31;
	v16 =	vld [tilespmem:s10+$0x510]  }
0x2ec: {  	s0 =	sand.u32 $0x3, s31;
	[tilespmem:s25+$0x8580] =	vst v19;
	v13 =	vld.idx.msk [tilespmem:v13+s2+$0x0], $0xffff  }
0x2ed: {  	s0 =	sshll.u32 s0, $0x5;
	[tilespmem:s10+$0x8410] =	vst v12;
	v12 =	vld.idx.msk [tilespmem:v7+s2+$0x0], $0xffff  }
0x2ee: {  	s6 =	sadd.s32 s0, s26;
	s26 =	smov.u32 s3;
	[tilespmem:s10+$0x8400] =	vst v9;
	v7 =	vadd.s32 v2, v20;
	v9 =	vld.idx.msk [tilespmem:v15+s2+$0x0], $0xffff  }
0x2ef: {  	s4 =	sor.u32 $0x300, s6;
	s0 =	sor.u32 $0x380, s6;
	s11 =	sadd.s32 $0x10, s6;
	v14 =	vld.idx.msk [tilespmem:v14+s2+$0x0], $0xffff  }
0x2f0: {  	s18 =	sor.u32 $0x300, s11;
	v15 =	vld [tilespmem:s10+$0x680];
	v16 =	vadd.s32 v2, v16;
	[tilespmem:s25+$0x8690] =	vst v11  }
0x2f1: {  	v11 =	vld [tilespmem:s18+$0x400]  }
0x2f2: {  	v18 =	vld [tilespmem:s10+$0x590];
	[tilespmem:s5+$0x8400] =	vst v13  }
0x2f3: {  	[tilespmem:s25+$0x8600] =	vst v12;
	v19 =	vld [tilespmem:s29+$0x400]  }
0x2f4: {  	[tilespmem:s10+$0x8490] =	vst v9;
	v20 =	vld.idx.msk [tilespmem:v6+s2+$0x0], $0xffff  }
0x2f5: {  	[tilespmem:s10+$0x8480] =	vst v14;
	v6 =	vadd.s32 v2, v15;
	v14 =	vld.idx.msk [tilespmem:v16+s2+$0x0], $0xffff  }
.Ltmp4:
0x2f6: {  	v13 =	vld.idx.msk [tilespmem:v10+s2+$0x0], $0xffff;
	v12 =	vadd.s32 v2, v11;
	(pc) =	sbr.rel @p2 .LBB2_6-.Ltmp4, $4  }
0x2f7: {  	v16 =	vadd.s32 v2, v18;
	v11 =	vld.idx.msk [tilespmem:v5+s2+$0x0], $0xffff  }
0x2f8: {  	v5 =	vadd.s32 v2, v19;
	v9 =	vld [tilespmem:s23+$0x400]  }
0x2f9: {  	v15 =	vld [tilespmem:s10+$0x610]  }
0x2fa: {  	s30 =	sadd.s32 $0x20, s30;
	s3 =	sadd.s32 $0x100, s3;
	[tilespmem:s25+$0x8680] =	vst v20;
	v10 =	vld.idx.msk [tilespmem:v17+s2+$0x0], $0xffff;
	s25 =	smov.u32 s10  }
0x2fb: {  	_ =	sdelay $0x2  }
0x2fc: {  	[tilespmem:s25+$0x8500] =	vst v13  }
0x2fd: {  	[tilespmem:s25+$0x8510] =	vst v14;
	v8 =	vld.idx.msk [tilespmem:v8+s2+$0x0], $0xffff  }
0x2fe: {  	v14 =	vld.idx.msk [tilespmem:v16+s2+$0x0], $0xffff  }
0x2ff: {  	v15 =	vadd.s32 v2, v15  }
0x300: {  	v55 =	vld [tilespmem:s25+$0x690];
	_ =	sdelay $0x1  }
0x301: {  	[tilespmem:s25+$0x8580] =	vst v8  }
0x302: {  	[tilespmem:s25+$0x8590] =	vst v14;
	v7 =	vld.idx.msk [tilespmem:v7+s2+$0x0], $0xffff  }
0x303: {  	v56 =	vld.idx.msk [tilespmem:v15+s2+$0x0], $0xffff  }
0x304: {  	v57 =	vadd.s32 v2, v55;
	_ =	sdelay $0x2  }
0x305: {  	[tilespmem:s25+$0x8600] =	vst v7  }
0x306: {  	[tilespmem:s25+$0x8610] =	vst v56;
	v6 =	vld.idx.msk [tilespmem:v6+s2+$0x0], $0xffff  }
0x307: {  	s1 =	sadd.s32 $0x1, s31;
	v58 =	vld.idx.msk [tilespmem:v57+s2+$0x0], $0xffff  }
0x308: {  	s1 =	sand.u32 $0x3, s1  }
0x309: {  	s1 =	sshll.u32 s1, $0x5  }
0x30a: {  	s1 =	sadd.s32 s1, s26  }
0x30b: {  	s3 =	sadd.s32 $0x10, s1;
	s6 =	sor.u32 $0x300, s1;
	[tilespmem:s25+$0x8680] =	vst v6;
	v6 =	vld [tilespmem:s4+$0x400]  }
0x30c: {  	s5 =	sor.u32 $0x300, s3;
	[tilespmem:s25+$0x8690] =	vst v58;
	v59 =	vld [tilespmem:s6+$0x400]  }
0x30d: {  	v7 =	vld [tilespmem:s5+$0x400]  }
0x30e: {  	v12 =	vld.idx.msk [tilespmem:v12+s2+$0x0], $0xffff;
	_ =	sdelay $0x1  }
0x30f: {  	v6 =	vadd.s32 v2, v6  }
0x310: {  	v8 =	vadd.s32 v2, v59  }
0x311: {  	v7 =	vadd.s32 v2, v7  }
0x312: {  	s10 =	sor.u32 $0x380, s11;
	v5 =	vld.idx.msk [tilespmem:v5+s2+$0x0], $0xffff;
	[tilespmem:s18+$0x8400] =	vst v12  }
0x313: {  	v12 =	vld [tilespmem:s10+$0x400]  }
0x314: {  	v6 =	vld.idx.msk [tilespmem:v6+s2+$0x0], $0xffff  }
0x315: {  	v8 =	vld.idx.msk [tilespmem:v8+s2+$0x0], $0xffff  }
0x316: {  	[tilespmem:s22+$0x8400] =	vst v11;
	v7 =	vld.idx.msk [tilespmem:v7+s2+$0x0], $0xffff  }
0x317: {  	v11 =	vld [tilespmem:s24+$0x400];
	[tilespmem:s29+$0x8400] =	vst v5  }
0x318: {  	v5 =	vld [tilespmem:s28+$0x400]  }
0x319: {  	[tilespmem:s4+$0x8400] =	vst v6  }
0x31a: {  	s1 =	sor.u32 $0x380, s1;
	v6 =	vadd.s32 v2, v12;
	v60 =	vld [tilespmem:s0+$0x400];
	[tilespmem:s6+$0x8400] =	vst v8  }
0x31b: {  	s3 =	sor.u32 $0x380, s3;
	[tilespmem:s5+$0x8400] =	vst v7;
	v62 =	vld [tilespmem:s1+$0x400]  }
0x31c: {  	v11 =	vadd.s32 v2, v11;
	v7 =	vld [tilespmem:s3+$0x400]  }
0x31d: {  	v5 =	vadd.s32 v2, v5  }
0x31e: {  	v61 =	vadd.s32 v2, v9  }
0x31f: {  	v6 =	vld.idx.msk [tilespmem:v6+s2+$0x0], $0xffff;
	v12 =	vadd.s32 v2, v60  }
0x320: {  	v9 =	vadd.s32 v2, v62  }
0x321: {  	v11 =	vld.idx.msk [tilespmem:v11+s2+$0x0], $0xffff;
	v7 =	vadd.s32 v2, v7  }
0x322: {  	v5 =	vld.idx.msk [tilespmem:v5+s2+$0x0], $0xffff  }
0x323: {  	v8 =	vld.idx.msk [tilespmem:v61+s2+$0x0], $0xffff  }
0x324: {  	[tilespmem:s10+$0x8400] =	vst v6;
	v6 =	vld.idx.msk [tilespmem:v12+s2+$0x0], $0xffff  }
0x325: {  	[tilespmem:s21+$0x8400] =	vst v10;
	v63 =	vld.idx.msk [tilespmem:v9+s2+$0x0], $0xffff  }
0x326: {  	[tilespmem:s24+$0x8400] =	vst v11;
	v7 =	vld.idx.msk [tilespmem:v7+s2+$0x0], $0xffff  }
0x327: {  	[tilespmem:s28+$0x8400] =	vst v5  }
0x328: {  	[tilespmem:s23+$0x8400] =	vst v8  }
0x329: {  	[tilespmem:s0+$0x8400] =	vst v6  }
0x32a: {  	[tilespmem:s1+$0x8400] =	vst v63  }
.Ltmp5:
0x32b: {  	[tilespmem:s3+$0x8400] =	vst v7;
	(pc) =	sbr.rel @p0 .LBB2_11-.Ltmp5, $4  }
0x32c: {  	[hbm4b:s9+s2] =	stream.linear.scatter [tilespmem:s17], [sflag:$0x1], $0x8000, $0x38;
	[tilespmem:$0x18400] =	vst v63  }
0x32d: {  	_ =	swait.ge [sflag:s19], $0x8000  }
0x32e: {  	[sflag:s19] =	ssyncset.done $0x0  }
0x32f: {  	[sflag:s19] =	ssyncadd.s32 $0xFFFF8000  }
0x330: {  	s1 =	simm.s32 $0x0;
	s0 =	rddreg [dreg:$0x8]  }
0x331: {  	[tilespmem:s16], [sflag:$0x2] =	stream.linear.gather [hbm4b:s0+s1], $0x8000, $0x38;
	[tilespmem:$0x18400] =	vst v63  }
0x332: {  	_ =	swait.ge [sflag:s15], $0x8000  }
0x333: {  	s4 =	sand.u32 $0x60, s1;
	s3 =	sand.u32 $0x7C00, s1;
	[sflag:s15] =	ssyncset.done $0x0  }
0x334: {  	s0 =	sor.u32 s4, s3;
	[sflag:s15] =	ssyncadd.s32 $0xFFFF8000  }
0x335: {  	v5 =	vld [tilespmem:s0+$0x410];
	_ =	sdelay $0x4  }
0x336: {  	v5 =	vadd.s32 v3, v5  }
0x337: {  	v6 =	vld [tilespmem:s0+$0x490];
	_ =	sdelay $0x3  }
0x338: {  	v5 =	vld.idx.msk [tilespmem:v5+s2+$0x0], $0xffff  }
0x339: {  	v7 =	vld [tilespmem:s0+$0x400];
	v6 =	vadd.s32 v3, v6  }
0x33a: {  	v8 =	vld [tilespmem:s0+$0x510];
	_ =	sdelay $0x2  }
0x33b: {  	[tilespmem:s0+$0x10410] =	vst v5  }
0x33c: {  	v5 =	vadd.s32 v3, v7;
	v6 =	vld.idx.msk [tilespmem:v6+s2+$0x0], $0xffff  }
0x33d: {  	v8 =	vadd.s32 v3, v8;
	v7 =	vld [tilespmem:s0+$0x480]  }
0x33e: {  	v9 =	vld [tilespmem:s0+$0x590];
	_ =	sdelay $0x1  }
0x33f: {  	v10 =	vld [tilespmem:s0+$0x500]  }
0x340: {  	v5 =	vld.idx.msk [tilespmem:v5+s2+$0x0], $0xffff;
	[tilespmem:s0+$0x10490] =	vst v6  }
0x341: {  	v6 =	vadd.s32 v3, v7;
	v7 =	vld.idx.msk [tilespmem:v8+s2+$0x0], $0xffff  }
0x342: {  	v11 =	vld [tilespmem:s0+$0x580];
	v8 =	vadd.s32 v3, v9  }
0x343: {  	v9 =	vld [tilespmem:s0+$0x610]  }
0x344: {  	v12 =	vld [tilespmem:s0+$0x600]  }
0x345: {  	s5 =	simm.s32 $0x100;
	s4 =	simm.s32 $0x20;
	v13 =	vld [tilespmem:s0+$0x680];
	[tilespmem:s0+$0x10400] =	vst v5  }
0x346: {  	s3 =	sand.u32 $0x7C00, s5;
	s4 =	sand.u32 $0x60, s4;
	v5 =	vld.idx.msk [tilespmem:v6+s2+$0x0], $0xffff;
	[tilespmem:s0+$0x10510] =	vst v7  }
0x347: {  	s22 =	sor.u32 s4, s3;
	v6 =	vld.idx.msk [tilespmem:v8+s2+$0x0], $0xffff  }
0x348: {  	v7 =	vld [tilespmem:s22+$0x410];
	v8 =	vadd.s32 v3, v9  }
0x349: {  	s10 =	simm.s32 $0x200;
	s5 =	simm.s32 $0x40;
	v9 =	vld [tilespmem:s0+$0x690]  }
0x34a: {  	s5 =	sand.u32 $0x60, s5;
	s4 =	sand.u32 $0x7C00, s10;
	v14 =	vld [tilespmem:s22+$0x400];
	v10 =	vadd.s32 v3, v10  }
0x34b: {  	v15 =	vld [tilespmem:s22+$0x500];
	s25 =	sor.u32 s5, s4  }
0x34c: {  	v16 =	vld [tilespmem:s25+$0x480];
	[tilespmem:s0+$0x10590] =	vst v6  }
0x34d: {  	v6 =	vadd.s32 v3, v7;
	v7 =	vld.idx.msk [tilespmem:v8+s2+$0x0], $0xffff  }
0x34e: {  	[tilespmem:s0+$0x10480] =	vst v5;
	v5 =	vld [tilespmem:s22+$0x490];
	v8 =	vadd.s32 v3, v9  }
0x34f: {  	v9 =	vld.idx.msk [tilespmem:v10+s2+$0x0], $0xffff  }
0x350: {  	v17 =	vld [tilespmem:s25+$0x500];
	v10 =	vadd.s32 v3, v11  }
0x351: {  	v14 =	vadd.s32 v3, v14;
	v11 =	vld [tilespmem:s22+$0x480]  }
0x352: {  	v6 =	vld.idx.msk [tilespmem:v6+s2+$0x0], $0xffff;
	[tilespmem:s0+$0x10610] =	vst v7  }
0x353: {  	v5 =	vadd.s32 v3, v5;
	v7 =	vld.idx.msk [tilespmem:v8+s2+$0x0], $0xffff  }
0x354: {  	[tilespmem:s0+$0x10500] =	vst v9;
	v8 =	vld [tilespmem:s22+$0x510]  }
0x355: {  	s1 =	sand.u32 $0x3, s1;
	v9 =	vld.idx.msk [tilespmem:v10+s2+$0x0], $0xffff  }
0x356: {  	s1 =	sshll.u32 s1, $0x5;
	v10 =	vadd.s32 v3, v12;
	v12 =	vld.idx.msk [tilespmem:v14+s2+$0x0], $0xffff  }
0x357: {  	s21 =	sadd.s32 $0x0, s1;
	v11 =	vadd.s32 v3, v11;
	v14 =	vld [tilespmem:s22+$0x580];
	[tilespmem:s22+$0x10410] =	vst v6  }
0x358: {  	s1 =	sadd.s32 $0x10, s21;
	v5 =	vld.idx.msk [tilespmem:v5+s2+$0x0], $0xffff  }
0x359: {  	s6 =	sor.u32 $0x300, s1;
	[tilespmem:s0+$0x10690] =	vst v7;
	v6 =	vadd.s32 v3, v8;
	v8 =	vld [tilespmem:s22+$0x590]  }
0x35a: {  	[tilespmem:s0+$0x10580] =	vst v9;
	v7 =	vld [tilespmem:s6+$0x400]  }
0x35b: {  	[tilespmem:s22+$0x10400] =	vst v12;
	v9 =	vld.idx.msk [tilespmem:v10+s2+$0x0], $0xffff  }
0x35c: {  	v11 =	vld.idx.msk [tilespmem:v11+s2+$0x0], $0xffff  }
0x35d: {  	v12 =	vadd.s32 v3, v15;
	v15 =	vld [tilespmem:s25+$0x400]  }
0x35e: {  	v10 =	vadd.s32 v3, v13;
	v13 =	vld [tilespmem:s22+$0x600];
	[tilespmem:s22+$0x10490] =	vst v5  }
0x35f: {  	v5 =	vld.idx.msk [tilespmem:v6+s2+$0x0], $0xffff;
	v6 =	vadd.s32 v3, v7  }
0x360: {  	v8 =	vadd.s32 v3, v8;
	v7 =	vld [tilespmem:s22+$0x680];
	[tilespmem:s0+$0x10600] =	vst v9  }
0x361: {  	v9 =	vld [tilespmem:s22+$0x610];
	[tilespmem:s22+$0x10480] =	vst v11  }
0x362: {  	v11 =	vld.idx.msk [tilespmem:v12+s2+$0x0], $0xffff  }
0x363: {  	v10 =	vld.idx.msk [tilespmem:v10+s2+$0x0], $0xffff  }
0x364: {  	[tilespmem:s22+$0x10510] =	vst v5;
	v5 =	vld.idx.msk [tilespmem:v6+s2+$0x0], $0xffff  }
0x365: {  	v6 =	vld.idx.msk [tilespmem:v8+s2+$0x0], $0xffff  }
0x366: {  	v8 =	vld [tilespmem:s25+$0x410];
	v9 =	vadd.s32 v3, v9  }
0x367: {  	v12 =	vld [tilespmem:s22+$0x690];
	[tilespmem:s22+$0x10500] =	vst v11;
	v11 =	vadd.s32 v3, v15  }
0x368: {  	v15 =	vld [tilespmem:s25+$0x580]  }
0x369: {  	s23 =	sor.u32 $0x380, s1;
	[tilespmem:s6+$0x10400] =	vst v5;
	v5 =	vadd.s32 v3, v14;
	v14 =	vld [tilespmem:s25+$0x490]  }
0x36a: {  	s5 =	simm.s32 $0x300;
	[tilespmem:s22+$0x10590] =	vst v6;
	s6 =	simm.s32 $0x60;
	v6 =	vld [tilespmem:s23+$0x400]  }
0x36b: {  	[tilespmem:s0+$0x10680] =	vst v10;
	s0 =	sand.u32 $0x7C00, s5;
	v8 =	vadd.s32 v3, v8;
	v9 =	vld.idx.msk [tilespmem:v9+s2+$0x0], $0xffff;
	s4 =	sand.u32 $0x60, s6  }
0x36c: {  	v12 =	vadd.s32 v3, v12;
	v11 =	vld.idx.msk [tilespmem:v11+s2+$0x0], $0xffff;
	s28 =	sor.u32 s4, s0  }
0x36d: {  	v19 =	vld [tilespmem:s28+$0x500]  }
0x36e: {  	v20 =	vld [tilespmem:s28+$0x600]  }
0x36f: {  	s10 =	simm.s32 $0x2;
	v18 =	vld.idx.msk [tilespmem:v5+s2+$0x0], $0xffff  }
0x370: {  	s6 =	simm.s32 $0x80;
	s0 =	sand.u32 $0x3, s10;
	s10 =	simm.s32 $0x400;
	v8 =	vld.idx.msk [tilespmem:v8+s2+$0x0], $0xffff;
	[tilespmem:s22+$0x10610] =	vst v9  }
0x371: {  	s11 =	simm.s32 $0x1;
	s6 =	sand.u32 $0x60, s6;
	s5 =	sand.u32 $0x7C00, s10;
	v5 =	vadd.s32 v3, v6;
	v6 =	vadd.s32 v3, v14;
	v9 =	vld.idx.msk [tilespmem:v12+s2+$0x0], $0xffff  }
0x372: {  	s1 =	sand.u32 $0x3, s11;
	s10 =	sor.u32 s6, s5;
	v12 =	vld [tilespmem:s25+$0x510]  }
0x373: {  	s1 =	sshll.u32 s1, $0x5;
	v21 =	vld [tilespmem:s10+$0x500]  }
0x374: {  	s24 =	sadd.s32 $0x100, s1;
	v16 =	vadd.s32 v3, v16;
	v22 =	vld [tilespmem:s10+$0x600]  }
0x375: {  	s1 =	sadd.s32 $0x10, s24;
	v58 =	vld [tilespmem:s10+$0x690];
	[tilespmem:s25+$0x10410] =	vst v8  }
0x376: {  	s18 =	sor.u32 $0x300, s1;
	v6 =	vld.idx.msk [tilespmem:v6+s2+$0x0], $0xffff;
	[tilespmem:s22+$0x10690] =	vst v9  }
0x377: {  	v8 =	vadd.s32 v3, v12;
	v9 =	vld [tilespmem:s18+$0x400]  }
0x378: {  	v13 =	vadd.s32 v3, v13;
	[tilespmem:s25+$0x10400] =	vst v11;
	v12 =	vld [tilespmem:s25+$0x590]  }
0x379: {  	v11 =	vld.idx.msk [tilespmem:v16+s2+$0x0], $0xffff  }
0x37a: {  	v14 =	vld [tilespmem:s25+$0x600];
	v16 =	vadd.s32 v3, v17  }
0x37b: {  	v17 =	vld [tilespmem:s25+$0x680];
	[tilespmem:s25+$0x10490] =	vst v6  }
0x37c: {  	[tilespmem:s22+$0x10580] =	vst v18;
	v6 =	vld.idx.msk [tilespmem:v8+s2+$0x0], $0xffff;
	v8 =	vadd.s32 v3, v9  }
0x37d: {  	v13 =	vld.idx.msk [tilespmem:v13+s2+$0x0], $0xffff;
	v10 =	vadd.s32 v3, v12  }
0x37e: {  	[tilespmem:s25+$0x10480] =	vst v11;
	v12 =	vld [tilespmem:s25+$0x610]  }
0x37f: {  	s26 =	sor.u32 $0x300, s21;
	v11 =	vld.idx.msk [tilespmem:v16+s2+$0x0], $0xffff  }
0x380: {  	v9 =	vld [tilespmem:s26+$0x400]  }
0x381: {  	[tilespmem:s25+$0x10510] =	vst v6;
	v6 =	vld.idx.msk [tilespmem:v8+s2+$0x0], $0xffff  }
0x382: {  	v8 =	vld.idx.msk [tilespmem:v10+s2+$0x0], $0xffff  }
0x383: {  	v12 =	vadd.s32 v3, v12;
	v10 =	vld [tilespmem:s28+$0x410]  }
0x384: {  	[tilespmem:s22+$0x10600] =	vst v13;
	v13 =	vld [tilespmem:s28+$0x400]  }
0x385: {  	v7 =	vadd.s32 v3, v7;
	v16 =	vld [tilespmem:s25+$0x690]  }
0x386: {  	v15 =	vadd.s32 v3, v15;
	v18 =	vld [tilespmem:s28+$0x480]  }
0x387: {  	v5 =	vld.idx.msk [tilespmem:v5+s2+$0x0], $0xffff;
	v9 =	vadd.s32 v3, v9;
	[tilespmem:s25+$0x10590] =	vst v8  }
0x388: {  	v8 =	vadd.s32 v3, v10;
	v10 =	vld.idx.msk [tilespmem:v12+s2+$0x0], $0xffff  }
0x389: {  	[tilespmem:s18+$0x10400] =	vst v6;
	v6 =	vadd.s32 v3, v13;
	v12 =	vld [tilespmem:s28+$0x490]  }
0x38a: {  	v7 =	vld.idx.msk [tilespmem:v7+s2+$0x0], $0xffff;
	v16 =	vadd.s32 v3, v16;
	[tilespmem:s25+$0x10500] =	vst v11  }
0x38b: {  	v15 =	vld.idx.msk [tilespmem:v15+s2+$0x0], $0xffff  }
0x38c: {  	v9 =	vld.idx.msk [tilespmem:v9+s2+$0x0], $0xffff  }
0x38d: {  	v14 =	vadd.s32 v3, v14;
	v8 =	vld.idx.msk [tilespmem:v8+s2+$0x0], $0xffff  }
0x38e: {  	v6 =	vld.idx.msk [tilespmem:v6+s2+$0x0], $0xffff;
	v12 =	vadd.s32 v3, v12;
	[tilespmem:s25+$0x10610] =	vst v10  }
0x38f: {  	v10 =	vadd.s32 v3, v18;
	v16 =	vld.idx.msk [tilespmem:v16+s2+$0x0], $0xffff  }
0x390: {  	s30 =	sor.u32 $0x380, s1;
	v18 =	vld [tilespmem:s28+$0x510]  }
0x391: {  	s0 =	sshll.u32 s0, $0x5;
	[tilespmem:s25+$0x10580] =	vst v15;
	v13 =	vld [tilespmem:s30+$0x400]  }
0x392: {  	s1 =	sadd.s32 $0x200, s0;
	[tilespmem:s28+$0x10410] =	vst v8;
	v8 =	vld.idx.msk [tilespmem:v14+s2+$0x0], $0xffff  }
0x393: {  	s11 =	sadd.s32 $0x10, s1;
	[tilespmem:s28+$0x10400] =	vst v6;
	v12 =	vld.idx.msk [tilespmem:v12+s2+$0x0], $0xffff  }
0x394: {  	s18 =	sor.u32 $0x300, s11;
	v10 =	vld.idx.msk [tilespmem:v10+s2+$0x0], $0xffff;
	[tilespmem:s25+$0x10690] =	vst v16  }
0x395: {  	v14 =	vadd.s32 v3, v18;
	v15 =	vld [tilespmem:s18+$0x400]  }
0x396: {  	v13 =	vadd.s32 v3, v13;
	v16 =	vadd.s32 v3, v17;
	v17 =	vld [tilespmem:s28+$0x590]  }
0x397: {  	v11 =	vld [tilespmem:s28+$0x580];
	[tilespmem:s22+$0x10680] =	vst v7  }
0x398: {  	v7 =	vld [tilespmem:s28+$0x680];
	[tilespmem:s26+$0x10400] =	vst v9  }
0x399: {  	v9 =	vld [tilespmem:s10+$0x610];
	[tilespmem:s28+$0x10490] =	vst v12  }
0x39a: {  	[tilespmem:s25+$0x10600] =	vst v8;
	v8 =	vld.idx.msk [tilespmem:v14+s2+$0x0], $0xffff;
	v12 =	vadd.s32 v3, v15  }
0x39b: {  	v6 =	vld.idx.msk [tilespmem:v13+s2+$0x0], $0xffff;
	[tilespmem:s28+$0x10480] =	vst v10;
	v10 =	vadd.s32 v3, v17  }
0x39c: {  	v14 =	vld.idx.msk [tilespmem:v16+s2+$0x0], $0xffff  }
0x39d: {  	v16 =	vld [tilespmem:s28+$0x610]  }
0x39e: {  	v17 =	vld [tilespmem:s10+$0x400]  }
0x39f: {  	v18 =	vadd.s32 v3, v19;
	[tilespmem:s28+$0x10510] =	vst v8;
	v8 =	vld.idx.msk [tilespmem:v12+s2+$0x0], $0xffff  }
0x3a0: {  	v10 =	vld.idx.msk [tilespmem:v10+s2+$0x0], $0xffff  }
0x3a1: {  	s0 =	sor.u32 $0x300, s24;
	v12 =	vld [tilespmem:s10+$0x410]  }
0x3a2: {  	v13 =	vld [tilespmem:s0+$0x400];
	v16 =	vadd.s32 v3, v16  }
0x3a3: {  	v19 =	vld [tilespmem:s28+$0x690]  }
0x3a4: {  	v15 =	vld.idx.msk [tilespmem:v18+s2+$0x0], $0xffff  }
0x3a5: {  	v11 =	vadd.s32 v3, v11;
	v18 =	vld [tilespmem:s10+$0x480];
	[tilespmem:s18+$0x10400] =	vst v8  }
0x3a6: {  	v8 =	vadd.s32 v3, v12;
	[tilespmem:s28+$0x10590] =	vst v10;
	v12 =	vadd.s32 v3, v17;
	v17 =	vld [tilespmem:s10+$0x490]  }
0x3a7: {  	v16 =	vld.idx.msk [tilespmem:v16+s2+$0x0], $0xffff  }
0x3a8: {  	v19 =	vadd.s32 v3, v19;
	[tilespmem:s25+$0x10680] =	vst v14;
	v14 =	vld [tilespmem:s10+$0x680]  }
0x3a9: {  	[tilespmem:s28+$0x10500] =	vst v15;
	v15 =	vld [tilespmem:s10+$0x580]  }
0x3aa: {  	v11 =	vld.idx.msk [tilespmem:v11+s2+$0x0], $0xffff  }
0x3ab: {  	v8 =	vld.idx.msk [tilespmem:v8+s2+$0x0], $0xffff  }
0x3ac: {  	s3 =	sor.u32 $0x380, s11;
	s11 =	simm.s32 $0x3;
	v12 =	vld.idx.msk [tilespmem:v12+s2+$0x0], $0xffff;
	v17 =	vadd.s32 v3, v17;
	[tilespmem:s28+$0x10610] =	vst v16  }
0x3ad: {  	s4 =	sand.u32 $0x3, s11;
	s11 =	simm.s32 $0xA0;
	s26 =	simm.s32 $0x500;
	v16 =	vadd.s32 v3, v18;
	v18 =	vld.idx.msk [tilespmem:v19+s2+$0x0], $0xffff  }
0x3ae: {  	s11 =	sand.u32 $0x60, s11;
	s18 =	sand.u32 $0x7C00, s26;
	v19 =	vld [tilespmem:s10+$0x510]  }
0x3af: {  	s4 =	sshll.u32 s4, $0x5;
	v10 =	vld [tilespmem:s3+$0x400];
	[tilespmem:s28+$0x10580] =	vst v11;
	s25 =	sor.u32 s11, s18  }
0x3b0: {  	s4 =	sadd.s32 $0x300, s4;
	v57 =	vld [tilespmem:s25+$0x480];
	[tilespmem:s10+$0x10410] =	vst v8  }
0x3b1: {  	s5 =	sadd.s32 $0x10, s4;
	[tilespmem:s10+$0x10400] =	vst v12;
	v11 =	vld.idx.msk [tilespmem:v17+s2+$0x0], $0xffff  }
0x3b2: {  	s6 =	sor.u32 $0x300, s5;
	v12 =	vld.idx.msk [tilespmem:v16+s2+$0x0], $0xffff;
	[tilespmem:s28+$0x10690] =	vst v18  }
0x3b3: {  	v16 =	vadd.s32 v3, v19;
	v17 =	vld [tilespmem:s6+$0x400]  }
0x3b4: {  	v19 =	vld [tilespmem:s10+$0x590]  }
0x3b5: {  	v20 =	vadd.s32 v3, v20;
	v23 =	vld [tilespmem:s25+$0x500]  }
0x3b6: {  	v24 =	vld [tilespmem:s25+$0x600];
	v10 =	vadd.s32 v3, v10  }
0x3b7: {  	v60 =	vld [tilespmem:s25+$0x510];
	[tilespmem:s10+$0x10490] =	vst v11  }
0x3b8: {  	[tilespmem:s10+$0x10480] =	vst v12;
	v11 =	vld.idx.msk [tilespmem:v16+s2+$0x0], $0xffff;
	v12 =	vadd.s32 v3, v17  }
0x3b9: {  	v61 =	vld [tilespmem:s25+$0x590];
	v17 =	vadd.s32 v3, v19  }
0x3ba: {  	v8 =	vld.idx.msk [tilespmem:v20+s2+$0x0], $0xffff  }
0x3bb: {  	v10 =	vld.idx.msk [tilespmem:v10+s2+$0x0], $0xffff  }
0x3bc: {  	v7 =	vadd.s32 v3, v7;
	v19 =	vld [tilespmem:s25+$0x400]  }
0x3bd: {  	v18 =	vadd.s32 v3, v21;
	[tilespmem:s10+$0x10510] =	vst v11;
	v11 =	vld.idx.msk [tilespmem:v12+s2+$0x0], $0xffff  }
0x3be: {  	v13 =	vadd.s32 v3, v13;
	v12 =	vld.idx.msk [tilespmem:v17+s2+$0x0], $0xffff  }
0x3bf: {  	s22 =	sor.u32 $0x300, s1;
	v17 =	vld [tilespmem:s25+$0x410]  }
0x3c0: {  	[tilespmem:s28+$0x10600] =	vst v8;
	v8 =	vld [tilespmem:s22+$0x400]  }
0x3c1: {  	v9 =	vadd.s32 v3, v9;
	v7 =	vld.idx.msk [tilespmem:v7+s2+$0x0], $0xffff  }
0x3c2: {  	v16 =	vld.idx.msk [tilespmem:v18+s2+$0x0], $0xffff  }
0x3c3: {  	v15 =	vadd.s32 v3, v15;
	v18 =	vld.idx.msk [tilespmem:v13+s2+$0x0], $0xffff  }
0x3c4: {  	s5 =	sor.u32 $0x380, s5;
	[tilespmem:s6+$0x10400] =	vst v11;
	v11 =	vadd.s32 v3, v17;
	v17 =	vadd.s32 v3, v19;
	v19 =	vld [tilespmem:s25+$0x490]  }
0x3c5: {  	[tilespmem:s10+$0x10590] =	vst v12;
	v12 =	vld [tilespmem:s5+$0x400]  }
0x3c6: {  	s21 =	sor.u32 $0x380, s21;
	v9 =	vld.idx.msk [tilespmem:v9+s2+$0x0], $0xffff  }
0x3c7: {  	v21 =	vadd.s32 v3, v58;
	v13 =	vld [tilespmem:s21+$0x400];
	[tilespmem:s10+$0x10500] =	vst v16  }
0x3c8: {  	v15 =	vld.idx.msk [tilespmem:v15+s2+$0x0], $0xffff  }
0x3c9: {  	v22 =	vadd.s32 v3, v22;
	v11 =	vld.idx.msk [tilespmem:v11+s2+$0x0], $0xffff  }
0x3ca: {  	v16 =	vld [tilespmem:s25+$0x580];
	v12 =	vadd.s32 v3, v12  }
0x3cb: {  	v17 =	vld.idx.msk [tilespmem:v17+s2+$0x0], $0xffff;
	v19 =	vadd.s32 v3, v19;
	[tilespmem:s10+$0x10610] =	vst v9  }
0x3cc: {  	s31 =	simm.s32 $0x4;
	s29 =	sor.u32 $0x300, s4;
	[tilespmem:s28+$0x10680] =	vst v7;
	v9 =	vadd.s32 v3, v57;
	v59 =	vld.idx.msk [tilespmem:v21+s2+$0x0], $0xffff  }
0x3cd: {  	s18 =	sand.u32 $0x3, s31;
	v62 =	vld [tilespmem:s29+$0x400];
	[tilespmem:s10+$0x10580] =	vst v15  }
0x3ce: {  	v25 =	vadd.s32 v3, v13;
	s6 =	sshll.u32 s18, $0x5;
	[tilespmem:s25+$0x10410] =	vst v11;
	v11 =	vld.idx.msk [tilespmem:v22+s2+$0x0], $0xffff  }
0x3cf: {  	s6 =	sadd.s32 $0x400, s6;
	v12 =	vld.idx.msk [tilespmem:v12+s2+$0x0], $0xffff  }
0x3d0: {  	v7 =	vadd.s32 v3, v8;
	s11 =	sadd.s32 $0x10, s6;
	[tilespmem:s25+$0x10400] =	vst v17;
	v15 =	vld.idx.msk [tilespmem:v19+s2+$0x0], $0xffff  }
0x3d1: {  	v14 =	vadd.s32 v3, v14;
	s18 =	sor.u32 $0x300, s11;
	v9 =	vld.idx.msk [tilespmem:v9+s2+$0x0], $0xffff;
	[tilespmem:s10+$0x10690] =	vst v59  }
0x3d2: {  	[tilespmem:s23+$0x10400] =	vst v5;
	v19 =	vadd.s32 v3, v60;
	v20 =	vld [tilespmem:s18+$0x400]  }
0x3d3: {  	v5 =	vadd.s32 v3, v23;
	[tilespmem:s3+$0x10400] =	vst v10;
	v10 =	vld.idx.msk [tilespmem:v25+s2+$0x0], $0xffff  }
0x3d4: {  	v17 =	vld [tilespmem:s25+$0x680];
	[tilespmem:s10+$0x10600] =	vst v11  }
0x3d5: {  	v11 =	vld.idx.msk [tilespmem:v7+s2+$0x0], $0xffff;
	[tilespmem:s25+$0x10490] =	vst v15  }
0x3d6: {  	v63 =	vld.idx.msk [tilespmem:v14+s2+$0x0], $0xffff;
	[tilespmem:s25+$0x10480] =	vst v9  }
0x3d7: {  	[tilespmem:s5+$0x10400] =	vst v12;
	v14 =	vld.idx.msk [tilespmem:v19+s2+$0x0], $0xffff;
	v12 =	vadd.s32 v3, v20  }
0x3d8: {  	s23 =	sor.u32 $0x380, s24;
	[tilespmem:s0+$0x10400] =	vst v18;
	v8 =	vadd.s32 v3, v16;
	v16 =	vadd.s32 v3, v61;
	v13 =	vld.idx.msk [tilespmem:v5+s2+$0x0], $0xffff  }
0x3d9: {  	s24 =	sor.u32 $0x380, s1;
	v9 =	vld [tilespmem:s23+$0x400]  }
0x3da: {  	s1 =	simm.s32 $0xA;
	[tilespmem:s30+$0x10400] =	vst v6;
	s30 =	simm.s32 $0xC0;
	s3 =	simm.s32 $0x600;
	v15 =	vld [tilespmem:s25+$0x610]  }
0x3db: {  	s28 =	sor.u32 $0x380, s4;
	s4 =	sor.u32 $0x300, s6;
	s0 =	sor.u32 $0x380, s6;
	v7 =	vadd.s32 v3, v24;
	v6 =	vadd.s32 v3, v17;
	v5 =	vadd.s32 v3, v62;
	[tilespmem:s10+$0x10680] =	vst v63  }
.LBB2_9:
0x3dc: {  	s5 =	sand.u32 $0x60, s30;
	s6 =	sand.u32 $0x7C00, s3;
	s1 =	sadd.s32 $0x2, s1;
	[tilespmem:s25+$0x10510] =	vst v14;
	v12 =	vld.idx.msk [tilespmem:v12+s2+$0x0], $0xffff  }
0x3dd: {  	s10 =	sor.u32 s5, s6;
	p2 =	slt.u32 s1, $0xFE;
	[tilespmem:s25+$0x10500] =	vst v13;
	v13 =	vld.idx.msk [tilespmem:v16+s2+$0x0], $0xffff  }
0x3de: {  	v14 =	vld [tilespmem:s10+$0x410];
	[tilespmem:s22+$0x10400] =	vst v11;
	v17 =	vadd.s32 v3, v9;
	s22 =	smov.u32 s29;
	s29 =	smov.u32 s4  }
0x3df: {  	v9 =	vld [tilespmem:s10+$0x400];
	v11 =	vadd.s32 v3, v15  }
0x3e0: {  	v15 =	vld [tilespmem:s10+$0x480]  }
0x3e1: {  	v16 =	vld [tilespmem:s25+$0x690];
	[tilespmem:s21+$0x10400] =	vst v10;
	s21 =	smov.u32 s23;
	s23 =	smov.u32 s24;
	s24 =	smov.u32 s28  }
0x3e2: {  	s5 =	sor.u32 $0x380, s11;
	s28 =	smov.u32 s0;
	v10 =	vld [tilespmem:s10+$0x500];
	[tilespmem:s18+$0x10400] =	vst v12  }
0x3e3: {  	v12 =	vadd.s32 v3, v14;
	[tilespmem:s25+$0x10590] =	vst v13;
	v13 =	vld [tilespmem:s5+$0x400]  }
0x3e4: {  	v9 =	vadd.s32 v3, v9;
	v11 =	vld.idx.msk [tilespmem:v11+s2+$0x0], $0xffff  }
0x3e5: {  	v14 =	vadd.s32 v3, v15;
	v15 =	vld [tilespmem:s10+$0x490]  }
0x3e6: {  	v18 =	vld [tilespmem:s10+$0x580];
	v16 =	vadd.s32 v3, v16  }
0x3e7: {  	v10 =	vadd.s32 v3, v10;
	v19 =	vld.idx.msk [tilespmem:v8+s2+$0x0], $0xffff  }
0x3e8: {  	v12 =	vld.idx.msk [tilespmem:v12+s2+$0x0], $0xffff;
	v13 =	vadd.s32 v3, v13  }
0x3e9: {  	v9 =	vld.idx.msk [tilespmem:v9+s2+$0x0], $0xffff  }
0x3ea: {  	v20 =	vld [tilespmem:s10+$0x600];
	v15 =	vadd.s32 v3, v15;
	[tilespmem:s25+$0x10610] =	vst v11  }
0x3eb: {  	v8 =	vadd.s32 v3, v18;
	v11 =	vld.idx.msk [tilespmem:v16+s2+$0x0], $0xffff  }
0x3ec: {  	s31 =	sadd.s32 $0x1, s31;
	v16 =	vld [tilespmem:s10+$0x510]  }
0x3ed: {  	s0 =	sand.u32 $0x3, s31;
	[tilespmem:s25+$0x10580] =	vst v19;
	v13 =	vld.idx.msk [tilespmem:v13+s2+$0x0], $0xffff  }
0x3ee: {  	s0 =	sshll.u32 s0, $0x5;
	[tilespmem:s10+$0x10410] =	vst v12;
	v12 =	vld.idx.msk [tilespmem:v7+s2+$0x0], $0xffff  }
0x3ef: {  	s6 =	sadd.s32 s0, s26;
	s26 =	smov.u32 s3;
	[tilespmem:s10+$0x10400] =	vst v9;
	v7 =	vadd.s32 v3, v20;
	v9 =	vld.idx.msk [tilespmem:v15+s2+$0x0], $0xffff  }
0x3f0: {  	s4 =	sor.u32 $0x300, s6;
	s0 =	sor.u32 $0x380, s6;
	s11 =	sadd.s32 $0x10, s6;
	v14 =	vld.idx.msk [tilespmem:v14+s2+$0x0], $0xffff  }
0x3f1: {  	s18 =	sor.u32 $0x300, s11;
	v15 =	vld [tilespmem:s10+$0x680];
	v16 =	vadd.s32 v3, v16;
	[tilespmem:s25+$0x10690] =	vst v11  }
0x3f2: {  	v11 =	vld [tilespmem:s18+$0x400]  }
0x3f3: {  	v18 =	vld [tilespmem:s10+$0x590];
	[tilespmem:s5+$0x10400] =	vst v13  }
0x3f4: {  	[tilespmem:s25+$0x10600] =	vst v12;
	v19 =	vld [tilespmem:s29+$0x400]  }
0x3f5: {  	[tilespmem:s10+$0x10490] =	vst v9;
	v20 =	vld.idx.msk [tilespmem:v6+s2+$0x0], $0xffff  }
0x3f6: {  	[tilespmem:s10+$0x10480] =	vst v14;
	v6 =	vadd.s32 v3, v15;
	v14 =	vld.idx.msk [tilespmem:v16+s2+$0x0], $0xffff  }
.Ltmp6:
0x3f7: {  	v13 =	vld.idx.msk [tilespmem:v10+s2+$0x0], $0xffff;
	v12 =	vadd.s32 v3, v11;
	(pc) =	sbr.rel @p2 .LBB2_9-.Ltmp6, $4  }
0x3f8: {  	v16 =	vadd.s32 v3, v18;
	v11 =	vld.idx.msk [tilespmem:v5+s2+$0x0], $0xffff  }
0x3f9: {  	v5 =	vadd.s32 v3, v19;
	v9 =	vld [tilespmem:s23+$0x400]  }
0x3fa: {  	v15 =	vld [tilespmem:s10+$0x610]  }
0x3fb: {  	s30 =	sadd.s32 $0x20, s30;
	s3 =	sadd.s32 $0x100, s3;
	[tilespmem:s25+$0x10680] =	vst v20;
	v10 =	vld.idx.msk [tilespmem:v17+s2+$0x0], $0xffff;
	s25 =	smov.u32 s10  }
0x3fc: {  	_ =	sdelay $0x2  }
0x3fd: {  	[tilespmem:s25+$0x10500] =	vst v13  }
0x3fe: {  	[tilespmem:s25+$0x10510] =	vst v14;
	v8 =	vld.idx.msk [tilespmem:v8+s2+$0x0], $0xffff  }
0x3ff: {  	v14 =	vld.idx.msk [tilespmem:v16+s2+$0x0], $0xffff  }
0x400: {  	v15 =	vadd.s32 v3, v15  }
0x401: {  	v55 =	vld [tilespmem:s25+$0x690];
	_ =	sdelay $0x1  }
0x402: {  	[tilespmem:s25+$0x10580] =	vst v8  }
0x403: {  	[tilespmem:s25+$0x10590] =	vst v14;
	v7 =	vld.idx.msk [tilespmem:v7+s2+$0x0], $0xffff  }
0x404: {  	v56 =	vld.idx.msk [tilespmem:v15+s2+$0x0], $0xffff  }
0x405: {  	v57 =	vadd.s32 v3, v55;
	_ =	sdelay $0x2  }
0x406: {  	[tilespmem:s25+$0x10600] =	vst v7  }
0x407: {  	[tilespmem:s25+$0x10610] =	vst v56;
	v6 =	vld.idx.msk [tilespmem:v6+s2+$0x0], $0xffff  }
0x408: {  	s1 =	sadd.s32 $0x1, s31;
	v58 =	vld.idx.msk [tilespmem:v57+s2+$0x0], $0xffff  }
0x409: {  	s1 =	sand.u32 $0x3, s1  }
0x40a: {  	s1 =	sshll.u32 s1, $0x5  }
0x40b: {  	s1 =	sadd.s32 s1, s26  }
0x40c: {  	s3 =	sadd.s32 $0x10, s1;
	s6 =	sor.u32 $0x300, s1;
	[tilespmem:s25+$0x10680] =	vst v6;
	v6 =	vld [tilespmem:s4+$0x400]  }
0x40d: {  	s5 =	sor.u32 $0x300, s3;
	[tilespmem:s25+$0x10690] =	vst v58;
	v59 =	vld [tilespmem:s6+$0x400]  }
0x40e: {  	v7 =	vld [tilespmem:s5+$0x400]  }
0x40f: {  	v12 =	vld.idx.msk [tilespmem:v12+s2+$0x0], $0xffff;
	_ =	sdelay $0x1  }
0x410: {  	v6 =	vadd.s32 v3, v6  }
0x411: {  	v8 =	vadd.s32 v3, v59  }
0x412: {  	v7 =	vadd.s32 v3, v7  }
0x413: {  	s10 =	sor.u32 $0x380, s11;
	v5 =	vld.idx.msk [tilespmem:v5+s2+$0x0], $0xffff;
	[tilespmem:s18+$0x10400] =	vst v12  }
0x414: {  	v12 =	vld [tilespmem:s10+$0x400]  }
0x415: {  	v6 =	vld.idx.msk [tilespmem:v6+s2+$0x0], $0xffff  }
0x416: {  	v8 =	vld.idx.msk [tilespmem:v8+s2+$0x0], $0xffff  }
0x417: {  	[tilespmem:s22+$0x10400] =	vst v11;
	v7 =	vld.idx.msk [tilespmem:v7+s2+$0x0], $0xffff  }
0x418: {  	v11 =	vld [tilespmem:s24+$0x400];
	[tilespmem:s29+$0x10400] =	vst v5  }
0x419: {  	v5 =	vld [tilespmem:s28+$0x400]  }
0x41a: {  	[tilespmem:s4+$0x10400] =	vst v6  }
0x41b: {  	s1 =	sor.u32 $0x380, s1;
	v6 =	vadd.s32 v3, v12;
	v60 =	vld [tilespmem:s0+$0x400];
	[tilespmem:s6+$0x10400] =	vst v8  }
0x41c: {  	s3 =	sor.u32 $0x380, s3;
	[tilespmem:s5+$0x10400] =	vst v7;
	v62 =	vld [tilespmem:s1+$0x400]  }
0x41d: {  	v11 =	vadd.s32 v3, v11;
	v7 =	vld [tilespmem:s3+$0x400]  }
0x41e: {  	v5 =	vadd.s32 v3, v5  }
0x41f: {  	v61 =	vadd.s32 v3, v9  }
0x420: {  	v6 =	vld.idx.msk [tilespmem:v6+s2+$0x0], $0xffff;
	v12 =	vadd.s32 v3, v60  }
0x421: {  	v9 =	vadd.s32 v3, v62  }
0x422: {  	v11 =	vld.idx.msk [tilespmem:v11+s2+$0x0], $0xffff;
	v7 =	vadd.s32 v3, v7  }
0x423: {  	v5 =	vld.idx.msk [tilespmem:v5+s2+$0x0], $0xffff  }
0x424: {  	v8 =	vld.idx.msk [tilespmem:v61+s2+$0x0], $0xffff  }
0x425: {  	[tilespmem:s10+$0x10400] =	vst v6;
	v6 =	vld.idx.msk [tilespmem:v12+s2+$0x0], $0xffff  }
0x426: {  	[tilespmem:s21+$0x10400] =	vst v10;
	v63 =	vld.idx.msk [tilespmem:v9+s2+$0x0], $0xffff  }
0x427: {  	[tilespmem:s24+$0x10400] =	vst v11;
	v7 =	vld.idx.msk [tilespmem:v7+s2+$0x0], $0xffff  }
0x428: {  	[tilespmem:s28+$0x10400] =	vst v5  }
0x429: {  	[tilespmem:s23+$0x10400] =	vst v8  }
0x42a: {  	[tilespmem:s0+$0x10400] =	vst v6  }
0x42b: {  	[tilespmem:s1+$0x10400] =	vst v63  }
0x42c: {  	[tilespmem:s3+$0x10400] =	vst v7  }
0x42d: {  	s31 =	simm.s32 $0x10400;
	s0 =	rddreg [dreg:$0x9]  }
0x42e: {  	[hbm4b:s0+s2] =	stream.linear.scatter [tilespmem:s31], [sflag:$0x2], $0x8000, $0x38;
	[tilespmem:$0x18400] =	vst v63  }
0x42f: {  	_ =	swait.ge [sflag:s15], $0x8000  }
0x430: {  	[sflag:s15] =	ssyncset.done $0x0  }
0x431: {  	[sflag:s15] =	ssyncadd.s32 $0xFFFF8000  }
.LBB2_11:
.Ltmp7:
0x432: {  	(pc) =	sbr.rel @p1 .LBB2_19-.Ltmp7, $4  }
0x433: {  	_ = 	snop  }
0x434: {  	_ =	swait.ge [sflag:s19], $0x8000  }
0x435: {  	[sflag:s19] =	ssyncset.done $0x0  }
0x436: {  	[sflag:s19] =	ssyncadd.s32 $0xFFFF8000  }
0x437: {  	s0 =	simm.s32 $0x400  }
0x438: {  	s1 =	simm.s32 $0x80;
	s4 =	sadd.s32 $0x0, s12;
	s3 =	simm.s32 $0x800  }
.LBB2_13:
0x439: {  	[tilespmem:s0], [sflag:$0x2] =	stream.linear.gather [hbm4b:s4+s2], $0x200, $0x38;
	[tilespmem:$0x18400] =	vst v63  }
0x43a: {  	s4 =	smov.u32 s1;
	s0 =	smov.u32 s3;
	p2 =	sne.s32 s1, $0xF80  }
.Ltmp8:
0x43b: {  	s1 =	sadd.s32 $0x80, s1;
	(pc) =	sbr.rel @p2 .LBB2_13-.Ltmp8, $2  }
0x43c: {  	_ =	sdelay $0x2  }
0x43d: {  	s3 =	sadd.s32 $0x400, s3;
	s4 =	sadd.s32 s4, s12  }
0x43e: {  	[tilespmem:s0], [sflag:$0x2] =	stream.linear.gather [hbm4b:s4+s2], $0x200, $0x38;
	[tilespmem:$0x18400] =	vst v63  }
0x43f: {  	s28 =	simm.s32 $0x0;
	_ =	swait.ge [sflag:s15], $0x4000  }
0x440: {  	s1 =	sand.u32 $0x60, s28;
	s0 =	sand.u32 $0x7C00, s28;
	[sflag:s15] =	ssyncset.done $0x0  }
0x441: {  	s1 =	sor.u32 s1, s0;
	[sflag:s15] =	ssyncadd.s32 $0xFFFFC000  }
0x442: {  	v5 =	vld [tilespmem:s1+$0x410];
	_ =	sdelay $0x3  }
0x443: {  	v6 =	vld [tilespmem:s1+$0x400]  }
0x444: {  	v7 =	vld [tilespmem:s1+$0x490];
	v5 =	vadd.s32 v4, v5  }
0x445: {  	s29 =	simm.s32 $0x100;
	s3 =	simm.s32 $0x20;
	v8 =	vld [tilespmem:s1+$0x480]  }
0x446: {  	s3 =	sand.u32 $0x60, s3;
	s0 =	sand.u32 $0x7C00, s29;
	v9 =	vld [tilespmem:s1+$0x500]  }
0x447: {  	s0 =	sor.u32 s3, s0;
	v10 =	vld [tilespmem:s1+$0x580]  }
0x448: {  	v12 =	vld [tilespmem:s0+$0x410];
	v6 =	vadd.s32 v4, v6  }
0x449: {  	v5 =	vld.idx.msk [tilespmem:v5+s2+$0x0], $0xffff  }
0x44a: {  	v11 =	vld [tilespmem:s1+$0x510];
	v7 =	vadd.s32 v4, v7  }
0x44b: {  	v13 =	vld [tilespmem:s0+$0x480]  }
0x44c: {  	v14 =	vld [tilespmem:s0+$0x490]  }
0x44d: {  	v12 =	vadd.s32 v4, v12;
	v6 =	vld.idx.msk [tilespmem:v6+s2+$0x0], $0xffff  }
0x44e: {  	v15 =	vld [tilespmem:s0+$0x500];
	v8 =	vadd.s32 v4, v8;
	[tilespmem:s1+$0x8410] =	vst v5  }
0x44f: {  	v5 =	vld.idx.msk [tilespmem:v7+s2+$0x0], $0xffff  }
0x450: {  	v7 =	vld [tilespmem:s0+$0x400]  }
0x451: {  	s30 =	simm.s32 $0x200;
	s31 =	simm.s32 $0x40;
	v16 =	vld [tilespmem:s0+$0x590];
	v11 =	vadd.s32 v4, v11  }
0x452: {  	s4 =	sand.u32 $0x60, s31;
	s3 =	sand.u32 $0x7C00, s30;
	v12 =	vld.idx.msk [tilespmem:v12+s2+$0x0], $0xffff;
	[tilespmem:s1+$0x8400] =	vst v6  }
0x453: {  	s3 =	sor.u32 s4, s3;
	v8 =	vld.idx.msk [tilespmem:v8+s2+$0x0], $0xffff  }
0x454: {  	v17 =	vld [tilespmem:s3+$0x500]  }
0x455: {  	v18 =	vld [tilespmem:s3+$0x490];
	v7 =	vadd.s32 v4, v7;
	[tilespmem:s1+$0x8490] =	vst v5  }
0x456: {  	v5 =	vld.idx.msk [tilespmem:v11+s2+$0x0], $0xffff  }
0x457: {  	v6 =	vld [tilespmem:s1+$0x590];
	[tilespmem:s0+$0x8410] =	vst v12  }
0x458: {  	v12 =	vld [tilespmem:s3+$0x400];
	[tilespmem:s1+$0x8480] =	vst v8;
	v8 =	vadd.s32 v4, v14  }
0x459: {  	v14 =	vld [tilespmem:s0+$0x510]  }
0x45a: {  	v9 =	vadd.s32 v4, v9;
	v7 =	vld.idx.msk [tilespmem:v7+s2+$0x0], $0xffff  }
0x45b: {  	[tilespmem:s1+$0x8510] =	vst v5;
	v5 =	vadd.s32 v4, v13;
	v13 =	vld [tilespmem:s3+$0x410]  }
0x45c: {  	v19 =	vadd.s32 v4, v10;
	v10 =	vld [tilespmem:s3+$0x580];
	v6 =	vadd.s32 v4, v6  }
0x45d: {  	v8 =	vld.idx.msk [tilespmem:v8+s2+$0x0], $0xffff  }
0x45e: {  	v11 =	vld [tilespmem:s0+$0x580];
	v14 =	vadd.s32 v4, v14  }
0x45f: {  	v12 =	vadd.s32 v4, v12;
	v9 =	vld.idx.msk [tilespmem:v9+s2+$0x0], $0xffff;
	[tilespmem:s0+$0x8400] =	vst v7  }
0x460: {  	v5 =	vld.idx.msk [tilespmem:v5+s2+$0x0], $0xffff;
	v13 =	vadd.s32 v4, v13  }
0x461: {  	v15 =	vadd.s32 v4, v15;
	v6 =	vld.idx.msk [tilespmem:v6+s2+$0x0], $0xffff  }
0x462: {  	v7 =	vld [tilespmem:s3+$0x480];
	[tilespmem:s0+$0x8490] =	vst v8  }
0x463: {  	v8 =	vld.idx.msk [tilespmem:v14+s2+$0x0], $0xffff  }
0x464: {  	[tilespmem:s1+$0x8500] =	vst v9;
	v14 =	vld.idx.msk [tilespmem:v12+s2+$0x0], $0xffff;
	v12 =	vadd.s32 v4, v16  }
0x465: {  	[tilespmem:s0+$0x8480] =	vst v5;
	v13 =	vld.idx.msk [tilespmem:v13+s2+$0x0], $0xffff  }
0x466: {  	[tilespmem:s1+$0x8590] =	vst v6;
	v9 =	vld.idx.msk [tilespmem:v15+s2+$0x0], $0xffff;
	v15 =	vadd.s32 v4, v18  }
0x467: {  	s5 =	simm.s32 $0x300;
	s10 =	simm.s32 $0x60;
	s4 =	simm.s32 $0x4;
	v6 =	vadd.s32 v4, v17;
	v7 =	vadd.s32 v4, v7;
	v5 =	vadd.s32 v4, v11;
	v11 =	vld.idx.msk [tilespmem:v19+s2+$0x0], $0xffff  }
.LBB2_15:
0x468: {  	s6 =	sand.u32 $0x60, s10;
	s11 =	sand.u32 $0x7C00, s5;
	s4 =	sadd.s32 $0x2, s4;
	v16 =	vadd.s32 v4, v10;
	v10 =	vld [tilespmem:s3+$0x510];
	[tilespmem:s0+$0x8510] =	vst v8  }
0x469: {  	s6 =	sor.u32 s6, s11;
	p2 =	slt.u32 s4, $0xFE;
	v8 =	vld.idx.msk [tilespmem:v12+s2+$0x0], $0xffff  }
0x46a: {  	v12 =	vld [tilespmem:s6+$0x410];
	[tilespmem:s3+$0x8410] =	vst v13  }
0x46b: {  	v13 =	vld.idx.msk [tilespmem:v15+s2+$0x0], $0xffff;
	[tilespmem:s0+$0x8500] =	vst v9  }
0x46c: {  	v9 =	vld [tilespmem:s6+$0x400];
	[tilespmem:s3+$0x8400] =	vst v14  }
0x46d: {  	v14 =	vld [tilespmem:s6+$0x480];
	v10 =	vadd.s32 v4, v10;
	[tilespmem:s1+$0x8580] =	vst v11;
	s1 =	smov.u32 s0;
	s0 =	smov.u32 s3;
	s3 =	smov.u32 s6  }
0x46e: {  	v11 =	vld.idx.msk [tilespmem:v7+s2+$0x0], $0xffff  }
0x46f: {  	v12 =	vadd.s32 v4, v12;
	v15 =	vld [tilespmem:s0+$0x590];
	[tilespmem:s1+$0x8590] =	vst v8  }
0x470: {  	v17 =	vld [tilespmem:s3+$0x500]  }
0x471: {  	v18 =	vadd.s32 v4, v9;
	v19 =	vld [tilespmem:s3+$0x490];
	[tilespmem:s0+$0x8490] =	vst v13  }
0x472: {  	v7 =	vadd.s32 v4, v14;
	v8 =	vld.idx.msk [tilespmem:v10+s2+$0x0], $0xffff  }
.Ltmp9:
0x473: {  	v10 =	vld [tilespmem:s3+$0x580];
	(pc) =	sbr.rel @p2 .LBB2_15-.Ltmp9, $4  }
0x474: {  	v13 =	vld.idx.msk [tilespmem:v12+s2+$0x0], $0xffff;
	[tilespmem:s0+$0x8480] =	vst v11;
	v12 =	vadd.s32 v4, v15  }
0x475: {  	v9 =	vld.idx.msk [tilespmem:v6+s2+$0x0], $0xffff;
	v6 =	vadd.s32 v4, v17  }
0x476: {  	v14 =	vld.idx.msk [tilespmem:v18+s2+$0x0], $0xffff;
	v15 =	vadd.s32 v4, v19  }
0x477: {  	s5 =	sadd.s32 $0x100, s5;
	s10 =	sadd.s32 $0x20, s10;
	v11 =	vld.idx.msk [tilespmem:v5+s2+$0x0], $0xffff;
	v5 =	vmov v16  }
0x478: {  	v16 =	vld [tilespmem:s3+$0x510];
	_ =	sdelay $0x2  }
0x479: {  	[tilespmem:s3+$0x8410] =	vst v13  }
0x47a: {  	v13 =	vld.idx.msk [tilespmem:v15+s2+$0x0], $0xffff;
	[tilespmem:s3+$0x8400] =	vst v14  }
0x47b: {  	v7 =	vld.idx.msk [tilespmem:v7+s2+$0x0], $0xffff;
	v62 =	vadd.s32 v4, v16  }
0x47c: {  	v63 =	vld [tilespmem:s3+$0x590];
	_ =	sdelay $0x2  }
0x47d: {  	[tilespmem:s3+$0x8490] =	vst v13  }
0x47e: {  	[tilespmem:s3+$0x8480] =	vst v7;
	v13 =	vld.idx.msk [tilespmem:v62+s2+$0x0], $0xffff  }
0x47f: {  	v7 =	vadd.s32 v4, v63;
	v6 =	vld.idx.msk [tilespmem:v6+s2+$0x0], $0xffff  }
0x480: {  	v10 =	vadd.s32 v4, v10  }
0x481: {  	[tilespmem:s0+$0x8510] =	vst v8  }
0x482: {  	v8 =	vld.idx.msk [tilespmem:v12+s2+$0x0], $0xffff;
	[tilespmem:s0+$0x8500] =	vst v9  }
0x483: {  	v5 =	vld.idx.msk [tilespmem:v5+s2+$0x0], $0xffff;
	[tilespmem:s3+$0x8510] =	vst v13  }
0x484: {  	[tilespmem:s3+$0x8500] =	vst v6;
	v7 =	vld.idx.msk [tilespmem:v7+s2+$0x0], $0xffff  }
0x485: {  	v6 =	vld.idx.msk [tilespmem:v10+s2+$0x0], $0xffff  }
0x486: {  	[tilespmem:s1+$0x8580] =	vst v11  }
0x487: {  	[tilespmem:s0+$0x8590] =	vst v8  }
0x488: {  	[tilespmem:s0+$0x8580] =	vst v5  }
0x489: {  	s4 =	sadd.s32 $0x0, s13;
	[tilespmem:s3+$0x8590] =	vst v7  }
0x48a: {  	s1 =	simm.s32 $0x80;
	s0 =	simm.s32 $0x8400;
	[tilespmem:s3+$0x8580] =	vst v6;
	s3 =	simm.s32 $0x8800  }
.LBB2_17:
0x48b: {  	[hbm4b:s4+s2] =	stream.linear.scatter [tilespmem:s0], [sflag:$0x2], $0x200, $0x38;
	[tilespmem:$0x18400] =	vst v63  }
0x48c: {  	s4 =	smov.u32 s1;
	s0 =	smov.u32 s3;
	p2 =	sne.s32 s1, $0xF80  }
.Ltmp10:
0x48d: {  	s1 =	sadd.s32 $0x80, s1;
	(pc) =	sbr.rel @p2 .LBB2_17-.Ltmp10, $2  }
0x48e: {  	_ =	sdelay $0x2  }
0x48f: {  	s3 =	sadd.s32 $0x400, s3;
	s4 =	sadd.s32 s4, s13  }
.Ltmp11:
0x490: {  	_ = 	snop;
	(pc) =	sbr.rel .LBB2_18-.Ltmp11, $1  }
0x491: {  	_ =	sdelay $0x3  }
.LBB2_20:
0x492: {  	_ =	sfence.sel $0x180000  }
0x493: {  	[bflag:$0x0] =	sbarrier.arrive $0xFFFF  }
0x494: {  	_ =	strace $0x90000047  }
0x495: {  	s0 =	stileid.u32;
	[bflag:$0x2] =	sbarrier.arrive $0xFFFF  }
0x496: {  	p0 =	sne.s32 s0, $0x0;
	s0 =	rddreg [dreg:$0x3]  }
0x497: {  	s0 =	sadd.s32 @!p0 $0x100000, s0  }
0x498: {  	[sflag:s0] =	ssyncadd.tile.s32 @!p0 $0x1;
	_ =	shalt  }
.Lfunc_end2:
_tile_overlayer_lowered:
.L_overlay_start_2:
0x499: {  	(tag) =	ssettag $0x2  }
0x49a: {  	s0 =	rddreg [dreg:$0x0];
	s2 =	stileid.u32  }
0x49b: {  	s1 =	rddreg [dreg:$0x1];
	p0 =	sne.s32 s2, $0x0  }
0x49c: {  	s3 =	rddreg [dreg:$0x2];
	[bflag:$0x3] =	sbarrier.arrive $0xFFFF;
	s2 =	simm.s32 @!p0 $0x1C02  }
0x49d: {  	[timem:s3], [sflag:s2] =	dma.local @!p0 [hbm:s0], s1  }
0x49e: {  	s0 =	simm.s32 @!p0 $0x2  }
0x49f: {  	_ =	swait.ge @!p0 [sflag:s0], s1  }
0x4a0: {  	s1 =	ssub.s32 @!p0 $0x0, s1;
	[sflag:s0] =	ssyncset.done @!p0 $0x0  }
0x4a1: {  	[sflag:s0] =	ssyncadd.s32 @!p0 s1  }
0x4a2: {  	[bflag:$0x3] =	sbarrier.arrive $0xFFFF  }
0x4a3: {  	_ =	shalt  }

</sc_bundles>
